<compile_context>
chip_gen: v7x
topology: tpu7x:2x2x1
jax: 0.10.2.dev20260603
libtpu: 0.0.44.dev20260713+nightly
codegen_flags: <defaults>
</compile_context>

<pallas_src>
import functools

import jax
import jax.numpy as jnp
from jax import lax
from jax.experimental import pallas as pl
from jax.experimental.pallas import tpu as pltpu
from jax.experimental.pallas import tpu_sc as plsc

N = 10000
E = 320000
NC = 2
NS = 16
K = 80
EPT = E // (NC * NS)
CH = EPT // K
RPT = 624
TAIL = N - NS * RPT


def _make_sc_aggregate(D):

    mesh = plsc.VectorSubcoreMesh(core_axis_name="c", subcore_axis_name="s")

    @functools.partial(
        pl.kernel,
        mesh=mesh,
        out_type=jax.ShapeDtypeStruct((NC * N, D), jnp.float32),
        scratch_types=[
            pltpu.VMEM((EPT,), jnp.int32),
            pltpu.VMEM((CH, K), jnp.int32),
            pltpu.VMEM((K, D), jnp.float32),
            pltpu.VMEM((K, D), jnp.float32),
            pltpu.VMEM_SHARED((N, D), jnp.float32),
            pltpu.SemaphoreType.DMA,
            pltpu.SemaphoreType.DMA,
            pltpu.SemaphoreType.DMA,
            pltpu.SemaphoreType.DMA,
        ],
    )
    def sc_agg(y_hbm, src_hbm, dst_hbm, out_hbm,
               src_v, dst_v, rows0_v, rows1_v, acc_sh,
               sem0a, sem0b, sem1a, sem1b):
        c = lax.axis_index("c")
        s = lax.axis_index("s")
        w = c * NS + s

        pltpu.sync_copy(src_hbm.at[w], src_v)
        pltpu.sync_copy(dst_hbm.at[w], dst_v)

        H = K // 2

        def _src_at(j, half):
            return src_v.at[pl.ds(j * K + half * H, H)]

        def _gather(j, buf, sa, sb):
            pltpu.async_copy(y_hbm.at[_src_at(j, 0)], buf.at[pl.ds(0, H)], sa)
            pltpu.async_copy(y_hbm.at[_src_at(j, 1)], buf.at[pl.ds(H, H)], sb)

        def _gwait(j, buf, sa, sb):
            pltpu.make_async_copy(y_hbm.at[_src_at(j, 0)],
                                  buf.at[pl.ds(0, H)], sa).wait()
            pltpu.make_async_copy(y_hbm.at[_src_at(j, 1)],
                                  buf.at[pl.ds(H, H)], sb).wait()

        def _zstore(k, _):
            i = k // (D // 16)
            j = k % (D // 16)
            rows0_v[i, pl.ds(j * 16, 16)] = jnp.zeros((16,), jnp.float32)
            return 0
        lax.fori_loop(0, K * (D // 16), _zstore, 0)

        def _zcopy(b, _):
            pltpu.sync_copy(rows0_v, acc_sh.at[pl.ds(s * RPT + b * K, K)])
            return 0
        lax.fori_loop(0, RPT // K, _zcopy, 0)
        pltpu.sync_copy(rows0_v.at[pl.ds(0, RPT % K)],
                        acc_sh.at[pl.ds(s * RPT + RPT - RPT % K, RPT % K)])

        @pl.when(s == NS - 1)
        def _ztail():
            pltpu.sync_copy(rows0_v.at[pl.ds(0, TAIL)],
                            acc_sh.at[pl.ds(NS * RPT, TAIL)])

        plsc.subcore_barrier()

        _gather(0, rows0_v, sem0a, sem0b)
        _gather(1, rows1_v, sem1a, sem1b)

        def _pair(i, _):
            j0 = 2 * i
            j1 = j0 + 1
            _gwait(j0, rows0_v, sem0a, sem0b)
            pltpu.sync_copy(rows0_v, acc_sh.at[dst_v.at[j0]], add=True)
            _gather(j0 + 2, rows0_v, sem0a, sem0b)

            _gwait(j1, rows1_v, sem1a, sem1b)
            pltpu.sync_copy(rows1_v, acc_sh.at[dst_v.at[j1]], add=True)

            @pl.when(j1 + 2 < CH)
            def _g1():
                _gather(j1 + 2, rows1_v, sem1a, sem1b)
            return 0
        lax.fori_loop(0, CH // 2, _pair, 0)

        _gwait(CH - 1, rows0_v, sem0a, sem0b)
        pltpu.sync_copy(rows0_v, acc_sh.at[dst_v.at[CH - 1]], add=True)

        plsc.subcore_barrier()

        pltpu.sync_copy(acc_sh.at[pl.ds(s * RPT, RPT)],
                        out_hbm.at[pl.ds(c * N + s * RPT, RPT)])

        @pl.when(s == NS - 1)
        def _wtail():
            pltpu.sync_copy(acc_sh.at[pl.ds(NS * RPT, TAIL)],
                            out_hbm.at[pl.ds(c * N + NS * RPT, TAIL)])

    return sc_agg


_sc_agg_128 = _make_sc_aggregate(128)



_BM = 2000


def _first_body(x_ref, w_ref, n_ref, o_ref):
    y = jnp.dot(x_ref[...], w_ref[...], preferred_element_type=jnp.float32)
    o_ref[...] = y * n_ref[...]


def _first_matmul(x, w, norm):
    m, kin = x.shape
    kout = w.shape[1]
    return pl.pallas_call(
        _first_body,
        grid=(m // _BM,),
        in_specs=[
            pl.BlockSpec((_BM, kin), lambda i: (i, 0)),
            pl.BlockSpec((kin, kout), lambda i: (0, 0)),
            pl.BlockSpec((_BM, 1), lambda i: (i, 0)),
        ],
        out_specs=pl.BlockSpec((_BM, kout), lambda i: (i, 0)),
        out_shape=jax.ShapeDtypeStruct((m, kout), jnp.float32),
    )(x, w, norm)


def _mid_body(a_ref, w_ref, n_ref, o_ref):
    n = n_ref[...]
    h = (a_ref[0] + a_ref[1]) * n
    h = jnp.maximum(h, 0.0)
    y = jnp.dot(h, w_ref[...], preferred_element_type=jnp.float32)
    o_ref[...] = y * n


def _mid_layer(a2, w, norm):
    _, m, din = a2.shape
    dout = w.shape[1]
    return pl.pallas_call(
        _mid_body,
        grid=(m // _BM,),
        in_specs=[
            pl.BlockSpec((2, _BM, din), lambda i: (0, i, 0)),
            pl.BlockSpec((din, dout), lambda i: (0, 0)),
            pl.BlockSpec((_BM, 1), lambda i: (i, 0)),
        ],
        out_specs=pl.BlockSpec((_BM, dout), lambda i: (i, 0)),
        out_shape=jax.ShapeDtypeStruct((m, dout), jnp.float32),
    )(a2, w, norm)


def _pre3_body(a_ref, n_ref, o_ref):
    n = n_ref[...]
    h = (a_ref[0] + a_ref[1]) * n
    o_ref[...] = jnp.maximum(h, 0.0) * n


def _pre_agg3(a2, norm):
    _, m, d = a2.shape
    return pl.pallas_call(
        _pre3_body,
        grid=(m // _BM,),
        in_specs=[
            pl.BlockSpec((2, _BM, d), lambda i: (0, i, 0)),
            pl.BlockSpec((_BM, 1), lambda i: (i, 0)),
        ],
        out_specs=pl.BlockSpec((_BM, d), lambda i: (i, 0)),
        out_shape=jax.ShapeDtypeStruct((m, d), jnp.float32),
    )(a2, norm)


def _final_body(a_ref, w_ref, n_ref, o_ref):
    y = jnp.dot(a_ref[0] + a_ref[1], w_ref[...],
                preferred_element_type=jnp.float32)
    o_ref[...] = y * n_ref[...]


def _final_matmul(a2, w, norm):
    _, m, din = a2.shape
    dout = w.shape[1]
    return pl.pallas_call(
        _final_body,
        grid=(m // _BM,),
        in_specs=[
            pl.BlockSpec((2, _BM, din), lambda i: (0, i, 0)),
            pl.BlockSpec((din, dout), lambda i: (0, 0)),
            pl.BlockSpec((_BM, 1), lambda i: (i, 0)),
        ],
        out_specs=pl.BlockSpec((_BM, dout), lambda i: (i, 0)),
        out_shape=jax.ShapeDtypeStruct((m, dout), jnp.float32),
    )(a2, w, norm)


def kernel(features, edge_index, norm, W1, W2, W3):
    src = edge_index[0].reshape(NC * NS, EPT)
    dst = edge_index[1].reshape(NC * NS, CH, K)

    y1 = _first_matmul(features, W1, norm)
    a1 = _sc_agg_128(y1, src, dst).reshape(NC, N, 128)
    y2 = _mid_layer(a1, W2, norm)
    a2 = _sc_agg_128(y2, src, dst).reshape(NC, N, 128)
    z3 = _pre_agg3(a2, norm)
    a3 = _sc_agg_128(z3, src, dst).reshape(NC, N, 128)
    return _final_matmul(a3, W3, norm)

# --- scband reference (transcript-rebuilt; emitter-appended) ---
"""Pipeline reference for scband-gcn-pyg-8581344658000 (READ-ONLY COPY).

The authoritative reference and input builder live on the scoring server;
editing this copy changes nothing except your own understanding.
"""

import jax, jax.numpy as jnp
import numpy as np

N_NODES = 10000
N_EDGES = 320000
IN_FEATS = 128
N_HIDDEN = 128
N_CLASSES = 64


def _uniform_weight(key, fan_in, fan_out):
    stdv = 1.0 / np.sqrt(fan_out)
    return jax.random.uniform(key, (fan_in, fan_out), jnp.float32, -stdv, stdv)


def setup_inputs(seed: int = 0) -> dict:
    key = jax.random.key(seed)
    k1, k2, k3, k4, k5, k6 = jax.random.split(key, 6)
    features = jax.random.normal(k1, (N_NODES, IN_FEATS), jnp.float32)
    edge_index = jax.random.randint(k2, (2, N_EDGES), 0, N_NODES, jnp.int32)
    # symmetric-normalization style positive per-node scaling (deg^-1/2 analogue)
    norm = jax.random.uniform(k3, (N_NODES, 1), jnp.float32, 0.05, 1.0)
    W1 = _uniform_weight(k4, IN_FEATS, N_HIDDEN)
    W2 = _uniform_weight(k5, N_HIDDEN, N_HIDDEN)
    W3 = _uniform_weight(k6, N_HIDDEN, N_CLASSES)
    return {"features": features, "edge_index": edge_index, "norm": norm,
            "W1": W1, "W2": W2, "W3": W3}


def reference(features, edge_index, norm, W1, W2, W3):
    src = edge_index[0]
    dst = edge_index[1]

    def gcn_layer(h, W, apply_act):
        out = jnp.dot(h, W)
        out = out * norm
        # PyG propagate with aggr='add': message x_j = out[src], scatter-add at dst
        out = jax.ops.segment_sum(jnp.take(out, src, axis=0), dst,
                                  num_segments=h.shape[0])
        out = out * norm
        if apply_act:
            out = jax.nn.relu(out)
        return out

    h = gcn_layer(features, W1, True)   # in_feats -> n_hidden, activation
    h = gcn_layer(h, W2, True)          # n_hidden -> n_hidden, activation
    h = gcn_layer(h, W3, False)         # n_hidden -> n_classes, no activation
    return h

if __name__ == "__main__":
    import jax
    _d = setup_inputs()
    print(jax.jit(kernel)(*tuple(_d.values())))

</pallas_src>

<mosaic_0001>
#map = affine_map<(d0, d1) -> (0, 0)>
#map1 = affine_map<(d0, d1) -> (0, 0, 0)>
module attributes {stable_mosaic.version = 14 : i64} {
  func.func @sc_agg(%arg0: i32, %arg1: i32, %arg2: memref<10000x128xf32, #tpu.memory_space<hbm>>, %arg3: memref<32x10000xi32, #tpu.memory_space<hbm>>, %arg4: memref<32x125x80xi32, #tpu.memory_space<hbm>>, %arg5: memref<20000x128xf32, #tpu.memory_space<hbm>>, %arg6: memref<10000xi32, #tpu.memory_space<vmem>>, %arg7: memref<125x80xi32, #tpu.memory_space<vmem>>, %arg8: memref<80x128xf32, #tpu.memory_space<vmem>>, %arg9: memref<80x128xf32, #tpu.memory_space<vmem>>, %arg10: memref<10000x128xf32, #tpu.memory_space<vmem_shared>>, %arg11: memref<!tpu.dma_semaphore, #tpu.memory_space<semaphore_mem>>, %arg12: memref<!tpu.dma_semaphore, #tpu.memory_space<semaphore_mem>>, %arg13: memref<!tpu.dma_semaphore, #tpu.memory_space<semaphore_mem>>, %arg14: memref<!tpu.dma_semaphore, #tpu.memory_space<semaphore_mem>>) attributes {dimension_semantics = [#tpu.dimension_semantics<core_parallel>, #tpu.dimension_semantics<subcore_parallel>], iteration_bounds = array<i64: 2, 16>, scalar_prefetch = 0 : i64, scratch_operands = 9 : i64, tpu.core_type = #tpu.core_type<sc_vector_subcore>, window_params = [{transform_indices = #map}, {transform_indices = #map}, {transform_indices = #map1}, {transform_indices = #map}]} {
    %mul3A = arith.constant 16 : i32
    %mul3A_0 = arith.muli %arg0, %mul3A : i32
    %add3A = arith.addi %mul3A_0, %arg1 : i32
    "tpu.region"() ({
      %run_scoped3A_87 = tpu.sem_alloc : memref<!tpu.dma_semaphore, #tpu.memory_space<semaphore_mem>>
      %dma_start3A_88 = arith.constant 0 : i32
      %dma_start3A_89 = tpu.memref_slice %arg3[%add3A, %dma_start3A_88] : memref<32x10000xi32, #tpu.memory_space<hbm>> -> memref<1x10000xi32, #tpu.memory_space<hbm>>
      %dma_start3A_90 = tpu.memref_squeeze %dma_start3A_89 : memref<1x10000xi32, #tpu.memory_space<hbm>> -> memref<10000xi32, #tpu.memory_space<hbm>>
      %dma_start3A_91 = arith.constant 0 : i32
      %dma_start3A_92 = tpu.memref_slice %arg3[%add3A, %dma_start3A_91] : memref<32x10000xi32, #tpu.memory_space<hbm>> -> memref<1x10000xi32, #tpu.memory_space<hbm>>
      %dma_start3A_93 = tpu.memref_squeeze %dma_start3A_92 : memref<1x10000xi32, #tpu.memory_space<hbm>> -> memref<10000xi32, #tpu.memory_space<hbm>>
      tpu.enqueue_dma source(%dma_start3A_93 : memref<10000xi32, #tpu.memory_space<hbm>>) target(%arg6 : memref<10000xi32, #tpu.memory_space<vmem>>) target_semaphore(%run_scoped3A_87 : memref<!tpu.dma_semaphore, #tpu.memory_space<semaphore_mem>>)
      %dma_wait3A_94 = arith.constant 0 : i32
      %dma_wait3A_95 = tpu.memref_slice %arg3[%add3A, %dma_wait3A_94] : memref<32x10000xi32, #tpu.memory_space<hbm>> -> memref<1x10000xi32, #tpu.memory_space<hbm>>
      %dma_wait3A_96 = tpu.memref_squeeze %dma_wait3A_95 : memref<1x10000xi32, #tpu.memory_space<hbm>> -> memref<10000xi32, #tpu.memory_space<hbm>>
      %dma_wait3A_97 = arith.constant 0 : i32
      %dma_wait3A_98 = tpu.memref_slice %arg3[%add3A, %dma_wait3A_97] : memref<32x10000xi32, #tpu.memory_space<hbm>> -> memref<1x10000xi32, #tpu.memory_space<hbm>>
      %dma_wait3A_99 = tpu.memref_squeeze %dma_wait3A_98 : memref<1x10000xi32, #tpu.memory_space<hbm>> -> memref<10000xi32, #tpu.memory_space<hbm>>
      tpu.wait_dma2 semaphore(%run_scoped3A_87 : memref<!tpu.dma_semaphore, #tpu.memory_space<semaphore_mem>>) src(%dma_wait3A_99 : memref<10000xi32, #tpu.memory_space<hbm>>) dst(%arg6 : memref<10000xi32, #tpu.memory_space<vmem>>)
      tpu.yield
    }) : () -> ()
    "tpu.region"() ({
      %run_scoped3A_87 = tpu.sem_alloc : memref<!tpu.dma_semaphore, #tpu.memory_space<semaphore_mem>>
      %dma_start3A_88 = arith.constant 0 : i32
      %dma_start3A_89 = arith.constant 0 : i32
      %dma_start3A_90 = tpu.memref_slice %arg4[%add3A, %dma_start3A_88, %dma_start3A_89] : memref<32x125x80xi32, #tpu.memory_space<hbm>> -> memref<1x125x80xi32, #tpu.memory_space<hbm>>
      %dma_start3A_91 = tpu.memref_squeeze %dma_start3A_90 : memref<1x125x80xi32, #tpu.memory_space<hbm>> -> memref<125x80xi32, #tpu.memory_space<hbm>>
      %dma_start3A_92 = arith.constant 0 : i32
      %dma_start3A_93 = arith.constant 0 : i32
      %dma_start3A_94 = tpu.memref_slice %arg4[%add3A, %dma_start3A_92, %dma_start3A_93] : memref<32x125x80xi32, #tpu.memory_space<hbm>> -> memref<1x125x80xi32, #tpu.memory_space<hbm>>
      %dma_start3A_95 = tpu.memref_squeeze %dma_start3A_94 : memref<1x125x80xi32, #tpu.memory_space<hbm>> -> memref<125x80xi32, #tpu.memory_space<hbm>>
      tpu.enqueue_dma source(%dma_start3A_95 : memref<125x80xi32, #tpu.memory_space<hbm>>) target(%arg7 : memref<125x80xi32, #tpu.memory_space<vmem>>) target_semaphore(%run_scoped3A_87 : memref<!tpu.dma_semaphore, #tpu.memory_space<semaphore_mem>>)
      %dma_wait3A_96 = arith.constant 0 : i32
      %dma_wait3A_97 = arith.constant 0 : i32
      %dma_wait3A_98 = tpu.memref_slice %arg4[%add3A, %dma_wait3A_96, %dma_wait3A_97] : memref<32x125x80xi32, #tpu.memory_space<hbm>> -> memref<1x125x80xi32, #tpu.memory_space<hbm>>
      %dma_wait3A_99 = tpu.memref_squeeze %dma_wait3A_98 : memref<1x125x80xi32, #tpu.memory_space<hbm>> -> memref<125x80xi32, #tpu.memory_space<hbm>>
      %dma_wait3A_100 = arith.constant 0 : i32
      %dma_wait3A_101 = arith.constant 0 : i32
      %dma_wait3A_102 = tpu.memref_slice %arg4[%add3A, %dma_wait3A_100, %dma_wait3A_101] : memref<32x125x80xi32, #tpu.memory_space<hbm>> -> memref<1x125x80xi32, #tpu.memory_space<hbm>>
      %dma_wait3A_103 = tpu.memref_squeeze %dma_wait3A_102 : memref<1x125x80xi32, #tpu.memory_space<hbm>> -> memref<125x80xi32, #tpu.memory_space<hbm>>
      tpu.wait_dma2 semaphore(%run_scoped3A_87 : memref<!tpu.dma_semaphore, #tpu.memory_space<semaphore_mem>>) src(%dma_wait3A_103 : memref<125x80xi32, #tpu.memory_space<hbm>>) dst(%arg7 : memref<125x80xi32, #tpu.memory_space<vmem>>)
      tpu.yield
    }) : () -> ()
    %scan3A = arith.constant 0 : i32
    %scan3A_1 = arith.constant 0 : i32
    %scan3A_2 = arith.constant 640 : i32
    %scan3A_3 = arith.addi %scan3A_1, %scan3A_2 : i32
    %scan3A_4 = arith.constant 1 : i32
    %scan3A_5 = scf.for %scan3A_87 = %scan3A_1 to %scan3A_3 step %scan3A_4 iter_args(%scan3A_88 = %scan3A) -> (i32)  : i32 {
      %jit3A = arith.constant 8 : i32
      %div3A = arith.divsi %scan3A_87, %jit3A : i32
      %sign3A = arith.constant 0 : i32
      %sign3A_89 = arith.cmpi sgt, %scan3A_87, %sign3A : i32
      %sign3A_90 = arith.extui %sign3A_89 : i1 to i32
      %sign3A_91 = arith.constant 0 : i32
      %sign3A_92 = arith.cmpi slt, %scan3A_87, %sign3A_91 : i32
      %sign3A_93 = arith.extui %sign3A_92 : i1 to i32
      %sign3A_94 = arith.subi %sign3A_90, %sign3A_93 : i32
      %sign3A_95 = arith.constant 0 : i32
      %sign3A_96 = arith.cmpi sgt, %jit3A, %sign3A_95 : i32
      %sign3A_97 = arith.extui %sign3A_96 : i1 to i32
      %sign3A_98 = arith.constant 0 : i32
      %sign3A_99 = arith.cmpi slt, %jit3A, %sign3A_98 : i32
      %sign3A_100 = arith.extui %sign3A_99 : i1 to i32
      %sign3A_101 = arith.subi %sign3A_97, %sign3A_100 : i32
      %ne3A = arith.cmpi ne, %sign3A_94, %sign3A_101 : i32
      %rem3A = arith.remsi %scan3A_87, %jit3A : i32
      %ne3A_102 = arith.constant 0 : i32
      %ne3A_103 = arith.cmpi ne, %rem3A, %ne3A_102 : i32
      %and3A = arith.andi %ne3A, %ne3A_103 : i1
      %sub3A_104 = arith.constant 1 : i32
      %sub3A_105 = arith.subi %div3A, %sub3A_104 : i32
      %select_n3A = arith.select %and3A, %sub3A_105, %div3A : i32
      %jit3A_106 = arith.constant 8 : i32
      %eq3A_107 = arith.constant 0 : i32
      %eq3A_108 = arith.cmpi eq, %jit3A_106, %eq3A_107 : i32
      %jit3A_109 = arith.constant 1 : i32
      %select_n3A_110 = arith.select %eq3A_108, %jit3A_109, %jit3A_106 : i32
      %rem3A_111 = arith.remsi %scan3A_87, %select_n3A_110 : i32
      %ne3A_112 = arith.constant 0 : i32
      %ne3A_113 = arith.cmpi ne, %rem3A_111, %ne3A_112 : i32
      %lt3A = arith.constant 0 : i32
      %lt3A_114 = arith.cmpi slt, %rem3A_111, %lt3A : i32
      %lt3A_115 = arith.constant 0 : i32
      %lt3A_116 = arith.cmpi slt, %select_n3A_110, %lt3A_115 : i32
      %ne3A_117 = arith.xori %lt3A_114, %lt3A_116 : i1
      %and3A_118 = arith.andi %ne3A_117, %ne3A_113 : i1
      %add3A_119 = arith.addi %rem3A_111, %select_n3A_110 : i32
      %select_n3A_120 = arith.select %and3A_118, %add3A_119, %rem3A_111 : i32
      %broadcast_in_dim3A = arith.constant 0.000000e+00 : f32
      %broadcast_in_dim3A_121 = vector.broadcast %broadcast_in_dim3A : f32 to vector<16xf32>
      %mul3A_122 = arith.constant 16 : i32
      %mul3A_123 = arith.muli %select_n3A_120, %mul3A_122 : i32
      %swap3A = arith.index_cast %select_n3A : i32 to index
      %swap3A_124 = arith.index_cast %mul3A_123 : i32 to index
      %swap3A_125 = tpu.vector_load %arg8[%swap3A, %swap3A_124] {strides = array<i32>} : memref<80x128xf32, #tpu.memory_space<vmem>>, vector<1x16xf32>,
      %swap3A_126 = vector.shape_cast %swap3A_125 : vector<1x16xf32> to vector<16xf32>
      %swap3A_127 = vector.shape_cast %broadcast_in_dim3A_121 : vector<16xf32> to vector<1x16xf32>
      tpu.vector_store %arg8[%swap3A, %swap3A_124], %swap3A_127 {strides = array<i32>} : memref<80x128xf32, #tpu.memory_space<vmem>>, vector<1x16xf32>,
      %scan3A_128 = arith.constant 0 : i32
      scf.yield %scan3A_128 : i32
    }
    %scan3A_6 = arith.constant 640 : i32
    %scan3A_7 = arith.constant 0 : i32
    %scan3A_8 = arith.constant 0 : i32
    %scan3A_9 = arith.constant 7 : i32
    %scan3A_10 = arith.addi %scan3A_8, %scan3A_9 : i32
    %scan3A_11 = arith.constant 1 : i32
    %scan3A_12 = scf.for %scan3A_87 = %scan3A_8 to %scan3A_10 step %scan3A_11 iter_args(%scan3A_88 = %scan3A_7) -> (i32)  : i32 {
      %mul3A_89 = arith.constant 624 : i32
      %mul3A_90 = arith.muli %arg1, %mul3A_89 : i32
      %mul3A_91 = arith.constant 80 : i32
      %mul3A_92 = arith.muli %scan3A_87, %mul3A_91 : i32
      %add3A_93 = arith.addi %mul3A_90, %mul3A_92 : i32
      "tpu.region"() ({
        %run_scoped3A_95 = tpu.sem_alloc : memref<!tpu.dma_semaphore, #tpu.memory_space<semaphore_mem>>
        %dma_start3A_96 = arith.constant 0 : i32
        %dma_start3A_97 = tpu.memref_slice %arg10[%add3A_93, %dma_start3A_96] : memref<10000x128xf32, #tpu.memory_space<vmem_shared>> -> memref<80x128xf32, #tpu.memory_space<vmem_shared>>
        %dma_start3A_98 = arith.constant 0 : i32
        %dma_start3A_99 = tpu.memref_slice %arg10[%add3A_93, %dma_start3A_98] : memref<10000x128xf32, #tpu.memory_space<vmem_shared>> -> memref<80x128xf32, #tpu.memory_space<vmem_shared>>
        tpu.enqueue_dma source(%arg8 : memref<80x128xf32, #tpu.memory_space<vmem>>) target(%dma_start3A_99 : memref<80x128xf32, #tpu.memory_space<vmem_shared>>) target_semaphore(%run_scoped3A_95 : memref<!tpu.dma_semaphore, #tpu.memory_space<semaphore_mem>>)
        %dma_wait3A_100 = arith.constant 0 : i32
        %dma_wait3A_101 = tpu.memref_slice %arg10[%add3A_93, %dma_wait3A_100] : memref<10000x128xf32, #tpu.memory_space<vmem_shared>> -> memref<80x128xf32, #tpu.memory_space<vmem_shared>>
        %dma_wait3A_102 = arith.constant 0 : i32
        %dma_wait3A_103 = tpu.memref_slice %arg10[%add3A_93, %dma_wait3A_102] : memref<10000x128xf32, #tpu.memory_space<vmem_shared>> -> memref<80x128xf32, #tpu.memory_space<vmem_shared>>
        tpu.wait_dma2 semaphore(%run_scoped3A_95 : memref<!tpu.dma_semaphore, #tpu.memory_space<semaphore_mem>>) src(%arg8 : memref<80x128xf32, #tpu.memory_space<vmem>>) dst(%dma_wait3A_103 : memref<80x128xf32, #tpu.memory_space<vmem_shared>>)
        tpu.yield
      }) : () -> ()
      %scan3A_94 = arith.constant 0 : i32
      scf.yield %scan3A_94 : i32
    }
    %scan3A_13 = arith.constant 7 : i32
    %mul3A_14 = arith.constant 624 : i32
    %mul3A_15 = arith.muli %arg1, %mul3A_14 : i32
    %add3A_16 = arith.constant 624 : i32
    %add3A_17 = arith.addi %mul3A_15, %add3A_16 : i32
    %sub3A = arith.constant 64 : i32
    %sub3A_18 = arith.subi %add3A_17, %sub3A : i32
    "tpu.region"() ({
      %run_scoped3A_87 = tpu.sem_alloc : memref<!tpu.dma_semaphore, #tpu.memory_space<semaphore_mem>>
      %dma_start3A_88 = arith.constant 0 : i32
      %dma_start3A_89 = arith.constant 0 : i32
      %dma_start3A_90 = tpu.memref_slice %arg8[%dma_start3A_88, %dma_start3A_89] : memref<80x128xf32, #tpu.memory_space<vmem>> -> memref<64x128xf32, #tpu.memory_space<vmem>>
      %dma_start3A_91 = arith.constant 0 : i32
      %dma_start3A_92 = tpu.memref_slice %arg10[%sub3A_18, %dma_start3A_91] : memref<10000x128xf32, #tpu.memory_space<vmem_shared>> -> memref<64x128xf32, #tpu.memory_space<vmem_shared>>
      %dma_start3A_93 = arith.constant 0 : i32
      %dma_start3A_94 = tpu.memref_slice %arg10[%sub3A_18, %dma_start3A_93] : memref<10000x128xf32, #tpu.memory_space<vmem_shared>> -> memref<64x128xf32, #tpu.memory_space<vmem_shared>>
      %dma_start3A_95 = arith.constant 0 : i32
      %dma_start3A_96 = arith.constant 0 : i32
      %dma_start3A_97 = tpu.memref_slice %arg8[%dma_start3A_95, %dma_start3A_96] : memref<80x128xf32, #tpu.memory_space<vmem>> -> memref<64x128xf32, #tpu.memory_space<vmem>>
      tpu.enqueue_dma source(%dma_start3A_97 : memref<64x128xf32, #tpu.memory_space<vmem>>) target(%dma_start3A_94 : memref<64x128xf32, #tpu.memory_space<vmem_shared>>) target_semaphore(%run_scoped3A_87 : memref<!tpu.dma_semaphore, #tpu.memory_space<semaphore_mem>>)
      %dma_wait3A_98 = arith.constant 0 : i32
      %dma_wait3A_99 = arith.constant 0 : i32
      %dma_wait3A_100 = tpu.memref_slice %arg8[%dma_wait3A_98, %dma_wait3A_99] : memref<80x128xf32, #tpu.memory_space<vmem>> -> memref<64x128xf32, #tpu.memory_space<vmem>>
      %dma_wait3A_101 = arith.constant 0 : i32
      %dma_wait3A_102 = tpu.memref_slice %arg10[%sub3A_18, %dma_wait3A_101] : memref<10000x128xf32, #tpu.memory_space<vmem_shared>> -> memref<64x128xf32, #tpu.memory_space<vmem_shared>>
      %dma_wait3A_103 = arith.constant 0 : i32
      %dma_wait3A_104 = tpu.memref_slice %arg10[%sub3A_18, %dma_wait3A_103] : memref<10000x128xf32, #tpu.memory_space<vmem_shared>> -> memref<64x128xf32, #tpu.memory_space<vmem_shared>>
      %dma_wait3A_105 = arith.constant 0 : i32
      %dma_wait3A_106 = arith.constant 0 : i32
      %dma_wait3A_107 = tpu.memref_slice %arg8[%dma_wait3A_105, %dma_wait3A_106] : memref<80x128xf32, #tpu.memory_space<vmem>> -> memref<64x128xf32, #tpu.memory_space<vmem>>
      tpu.wait_dma2 semaphore(%run_scoped3A_87 : memref<!tpu.dma_semaphore, #tpu.memory_space<semaphore_mem>>) src(%dma_wait3A_107 : memref<64x128xf32, #tpu.memory_space<vmem>>) dst(%dma_wait3A_104 : memref<64x128xf32, #tpu.memory_space<vmem_shared>>)
      tpu.yield
    }) : () -> ()
    %eq3A = arith.constant 15 : i32
    %eq3A_19 = arith.cmpi eq, %arg1, %eq3A : i32
    %convert_element_type3A = arith.extui %eq3A_19 : i1 to i32
    %cond3A = arith.constant 0 : i32
    %cond3A_20 = arith.cmpi ne, %convert_element_type3A, %cond3A : i32
    scf.if %cond3A_20 {
      "tpu.region"() ({
        %run_scoped3A_87 = tpu.sem_alloc : memref<!tpu.dma_semaphore, #tpu.memory_space<semaphore_mem>>
        %dma_start3A_88 = arith.constant 0 : i32
        %dma_start3A_89 = arith.constant 0 : i32
        %dma_start3A_90 = tpu.memref_slice %arg8[%dma_start3A_88, %dma_start3A_89] : memref<80x128xf32, #tpu.memory_space<vmem>> -> memref<16x128xf32, #tpu.memory_space<vmem>>
        %dma_start3A_91 = arith.constant 9984 : i32
        %dma_start3A_92 = arith.constant 0 : i32
        %dma_start3A_93 = tpu.memref_slice %arg10[%dma_start3A_91, %dma_start3A_92] : memref<10000x128xf32, #tpu.memory_space<vmem_shared>> -> memref<16x128xf32, #tpu.memory_space<vmem_shared>>
        %dma_start3A_94 = arith.constant 9984 : i32
        %dma_start3A_95 = arith.constant 0 : i32
        %dma_start3A_96 = tpu.memref_slice %arg10[%dma_start3A_94, %dma_start3A_95] : memref<10000x128xf32, #tpu.memory_space<vmem_shared>> -> memref<16x128xf32, #tpu.memory_space<vmem_shared>>
        %dma_start3A_97 = arith.constant 0 : i32
        %dma_start3A_98 = arith.constant 0 : i32
        %dma_start3A_99 = tpu.memref_slice %arg8[%dma_start3A_97, %dma_start3A_98] : memref<80x128xf32, #tpu.memory_space<vmem>> -> memref<16x128xf32, #tpu.memory_space<vmem>>
        tpu.enqueue_dma source(%dma_start3A_99 : memref<16x128xf32, #tpu.memory_space<vmem>>) target(%dma_start3A_96 : memref<16x128xf32, #tpu.memory_space<vmem_shared>>) target_semaphore(%run_scoped3A_87 : memref<!tpu.dma_semaphore, #tpu.memory_space<semaphore_mem>>)
        %dma_wait3A_100 = arith.constant 0 : i32
        %dma_wait3A_101 = arith.constant 0 : i32
        %dma_wait3A_102 = tpu.memref_slice %arg8[%dma_wait3A_100, %dma_wait3A_101] : memref<80x128xf32, #tpu.memory_space<vmem>> -> memref<16x128xf32, #tpu.memory_space<vmem>>
        %dma_wait3A_103 = arith.constant 9984 : i32
        %dma_wait3A_104 = arith.constant 0 : i32
        %dma_wait3A_105 = tpu.memref_slice %arg10[%dma_wait3A_103, %dma_wait3A_104] : memref<10000x128xf32, #tpu.memory_space<vmem_shared>> -> memref<16x128xf32, #tpu.memory_space<vmem_shared>>
        %dma_wait3A_106 = arith.constant 9984 : i32
        %dma_wait3A_107 = arith.constant 0 : i32
        %dma_wait3A_108 = tpu.memref_slice %arg10[%dma_wait3A_106, %dma_wait3A_107] : memref<10000x128xf32, #tpu.memory_space<vmem_shared>> -> memref<16x128xf32, #tpu.memory_space<vmem_shared>>
        %dma_wait3A_109 = arith.constant 0 : i32
        %dma_wait3A_110 = arith.constant 0 : i32
        %dma_wait3A_111 = tpu.memref_slice %arg8[%dma_wait3A_109, %dma_wait3A_110] : memref<80x128xf32, #tpu.memory_space<vmem>> -> memref<16x128xf32, #tpu.memory_space<vmem>>
        tpu.wait_dma2 semaphore(%run_scoped3A_87 : memref<!tpu.dma_semaphore, #tpu.memory_space<semaphore_mem>>) src(%dma_wait3A_111 : memref<16x128xf32, #tpu.memory_space<vmem>>) dst(%dma_wait3A_108 : memref<16x128xf32, #tpu.memory_space<vmem_shared>>)
        tpu.yield
      }) : () -> ()
    } else {
    }
    %barrier3A = arith.constant 0 : index
    tpu.barrier barrier_id(%barrier3A)
    %dma_start3A = arith.constant 0 : i32
    %dma_start3A_21 = arith.constant 0 : i32
    %dma_start3A_22 = tpu.memref_slice %arg8[%dma_start3A, %dma_start3A_21] : memref<80x128xf32, #tpu.memory_space<vmem>> -> memref<40x128xf32, #tpu.memory_space<vmem>>
    %dma_start3A_23 = arith.constant 0 : i32
    %dma_start3A_24 = tpu.memref_slice %arg6[%dma_start3A_23] : memref<10000xi32, #tpu.memory_space<vmem>> -> memref<40xi32, #tpu.memory_space<vmem>>
    %dma_start3A_25 = arith.constant 0 : i32
    %dma_start3A_26 = arith.constant 0 : i32
    %dma_start3A_27 = tpu.memref_slice %arg2[%dma_start3A_25, %dma_start3A_26] : memref<10000x128xf32, #tpu.memory_space<hbm>> -> memref<10000x128xf32, #tpu.memory_space<hbm>>
    tpu.enqueue_indirect_dma source(%dma_start3A_27 : memref<10000x128xf32, #tpu.memory_space<hbm>>) target(%dma_start3A_22 : memref<40x128xf32, #tpu.memory_space<vmem>>) offsets(%dma_start3A_24 : memref<40xi32, #tpu.memory_space<vmem>>) semaphore(%arg11 : memref<!tpu.dma_semaphore, #tpu.memory_space<semaphore_mem>>)
    %dma_start3A_28 = arith.constant 40 : i32
    %dma_start3A_29 = arith.constant 0 : i32
    %dma_start3A_30 = tpu.memref_slice %arg8[%dma_start3A_28, %dma_start3A_29] : memref<80x128xf32, #tpu.memory_space<vmem>> -> memref<40x128xf32, #tpu.memory_space<vmem>>
    %dma_start3A_31 = arith.constant 40 : i32
    %dma_start3A_32 = tpu.memref_slice %arg6[%dma_start3A_31] : memref<10000xi32, #tpu.memory_space<vmem>> -> memref<40xi32, #tpu.memory_space<vmem>>
    %dma_start3A_33 = arith.constant 0 : i32
    %dma_start3A_34 = arith.constant 0 : i32
    %dma_start3A_35 = tpu.memref_slice %arg2[%dma_start3A_33, %dma_start3A_34] : memref<10000x128xf32, #tpu.memory_space<hbm>> -> memref<10000x128xf32, #tpu.memory_space<hbm>>
    tpu.enqueue_indirect_dma source(%dma_start3A_35 : memref<10000x128xf32, #tpu.memory_space<hbm>>) target(%dma_start3A_30 : memref<40x128xf32, #tpu.memory_space<vmem>>) offsets(%dma_start3A_32 : memref<40xi32, #tpu.memory_space<vmem>>) semaphore(%arg12 : memref<!tpu.dma_semaphore, #tpu.memory_space<semaphore_mem>>)
    %dma_start3A_36 = arith.constant 0 : i32
    %dma_start3A_37 = arith.constant 0 : i32
    %dma_start3A_38 = tpu.memref_slice %arg9[%dma_start3A_36, %dma_start3A_37] : memref<80x128xf32, #tpu.memory_space<vmem>> -> memref<40x128xf32, #tpu.memory_space<vmem>>
    %dma_start3A_39 = arith.constant 80 : i32
    %dma_start3A_40 = tpu.memref_slice %arg6[%dma_start3A_39] : memref<10000xi32, #tpu.memory_space<vmem>> -> memref<40xi32, #tpu.memory_space<vmem>>
    %dma_start3A_41 = arith.constant 0 : i32
    %dma_start3A_42 = arith.constant 0 : i32
    %dma_start3A_43 = tpu.memref_slice %arg2[%dma_start3A_41, %dma_start3A_42] : memref<10000x128xf32, #tpu.memory_space<hbm>> -> memref<10000x128xf32, #tpu.memory_space<hbm>>
    tpu.enqueue_indirect_dma source(%dma_start3A_43 : memref<10000x128xf32, #tpu.memory_space<hbm>>) target(%dma_start3A_38 : memref<40x128xf32, #tpu.memory_space<vmem>>) offsets(%dma_start3A_40 : memref<40xi32, #tpu.memory_space<vmem>>) semaphore(%arg13 : memref<!tpu.dma_semaphore, #tpu.memory_space<semaphore_mem>>)
    %dma_start3A_44 = arith.constant 40 : i32
    %dma_start3A_45 = arith.constant 0 : i32
    %dma_start3A_46 = tpu.memref_slice %arg9[%dma_start3A_44, %dma_start3A_45] : memref<80x128xf32, #tpu.memory_space<vmem>> -> memref<40x128xf32, #tpu.memory_space<vmem>>
    %dma_start3A_47 = arith.constant 120 : i32
    %dma_start3A_48 = tpu.memref_slice %arg6[%dma_start3A_47] : memref<10000xi32, #tpu.memory_space<vmem>> -> memref<40xi32, #tpu.memory_space<vmem>>
    %dma_start3A_49 = arith.constant 0 : i32
    %dma_start3A_50 = arith.constant 0 : i32
    %dma_start3A_51 = tpu.memref_slice %arg2[%dma_start3A_49, %dma_start3A_50] : memref<10000x128xf32, #tpu.memory_space<hbm>> -> memref<10000x128xf32, #tpu.memory_space<hbm>>
    tpu.enqueue_indirect_dma source(%dma_start3A_51 : memref<10000x128xf32, #tpu.memory_space<hbm>>) target(%dma_start3A_46 : memref<40x128xf32, #tpu.memory_space<vmem>>) offsets(%dma_start3A_48 : memref<40xi32, #tpu.memory_space<vmem>>) semaphore(%arg14 : memref<!tpu.dma_semaphore, #tpu.memory_space<semaphore_mem>>)
    %scan3A_52 = arith.constant 0 : i32
    %scan3A_53 = arith.constant 0 : i32
    %scan3A_54 = arith.constant 62 : i32
    %scan3A_55 = arith.addi %scan3A_53, %scan3A_54 : i32
    %scan3A_56 = arith.constant 1 : i32
    %scan3A_57 = scf.for %scan3A_87 = %scan3A_53 to %scan3A_55 step %scan3A_56 iter_args(%scan3A_88 = %scan3A_52) -> (i32)  : i32 {
      %mul3A_89 = arith.constant 2 : i32
      %mul3A_90 = arith.muli %mul3A_89, %scan3A_87 : i32
      %add3A_91 = arith.constant 1 : i32
      %add3A_92 = arith.addi %mul3A_90, %add3A_91 : i32
      %mul3A_93 = arith.constant 80 : i32
      %mul3A_94 = arith.muli %mul3A_90, %mul3A_93 : i32
      %add3A_95 = arith.constant 0 : i32
      %add3A_96 = arith.addi %mul3A_94, %add3A_95 : i32
      %dma_wait3A_97 = arith.constant 0 : i32
      %dma_wait3A_98 = arith.constant 0 : i32
      %dma_wait3A_99 = tpu.memref_slice %arg8[%dma_wait3A_97, %dma_wait3A_98] : memref<80x128xf32, #tpu.memory_space<vmem>> -> memref<40x128xf32, #tpu.memory_space<vmem>>
      %dma_wait3A_100 = tpu.memref_slice %arg6[%add3A_96] : memref<10000xi32, #tpu.memory_space<vmem>> -> memref<40xi32, #tpu.memory_space<vmem>>
      %dma_wait3A_101 = arith.constant 0 : i32
      %dma_wait3A_102 = arith.constant 0 : i32
      %dma_wait3A_103 = tpu.memref_slice %arg2[%dma_wait3A_101, %dma_wait3A_102] : memref<10000x128xf32, #tpu.memory_space<hbm>> -> memref<10000x128xf32, #tpu.memory_space<hbm>>
      tpu.wait_indirect_dma semaphore(%arg11 : memref<!tpu.dma_semaphore, #tpu.memory_space<semaphore_mem>>) src(%dma_wait3A_103 : memref<10000x128xf32, #tpu.memory_space<hbm>>) dst(%dma_wait3A_99 : memref<40x128xf32, #tpu.memory_space<vmem>>)
      %mul3A_104 = arith.constant 80 : i32
      %mul3A_105 = arith.muli %mul3A_90, %mul3A_104 : i32
      %add3A_106 = arith.constant 40 : i32
      %add3A_107 = arith.addi %mul3A_105, %add3A_106 : i32
      %dma_wait3A_108 = arith.constant 40 : i32
      %dma_wait3A_109 = arith.constant 0 : i32
      %dma_wait3A_110 = tpu.memref_slice %arg8[%dma_wait3A_108, %dma_wait3A_109] : memref<80x128xf32, #tpu.memory_space<vmem>> -> memref<40x128xf32, #tpu.memory_space<vmem>>
      %dma_wait3A_111 = tpu.memref_slice %arg6[%add3A_107] : memref<10000xi32, #tpu.memory_space<vmem>> -> memref<40xi32, #tpu.memory_space<vmem>>
      %dma_wait3A_112 = arith.constant 0 : i32
      %dma_wait3A_113 = arith.constant 0 : i32
      %dma_wait3A_114 = tpu.memref_slice %arg2[%dma_wait3A_112, %dma_wait3A_113] : memref<10000x128xf32, #tpu.memory_space<hbm>> -> memref<10000x128xf32, #tpu.memory_space<hbm>>
      tpu.wait_indirect_dma semaphore(%arg12 : memref<!tpu.dma_semaphore, #tpu.memory_space<semaphore_mem>>) src(%dma_wait3A_114 : memref<10000x128xf32, #tpu.memory_space<hbm>>) dst(%dma_wait3A_110 : memref<40x128xf32, #tpu.memory_space<vmem>>)
      "tpu.region"() ({
        %run_scoped3A_168 = tpu.sem_alloc : memref<!tpu.dma_semaphore, #tpu.memory_space<semaphore_mem>>
        %dma_start3A_169 = arith.constant 0 : i32
        %dma_start3A_170 = tpu.memref_slice %arg7[%mul3A_90, %dma_start3A_169] : memref<125x80xi32, #tpu.memory_space<vmem>> -> memref<1x80xi32, #tpu.memory_space<vmem>>
        %dma_start3A_171 = tpu.memref_squeeze %dma_start3A_170 : memref<1x80xi32, #tpu.memory_space<vmem>> -> memref<80xi32, #tpu.memory_space<vmem>>
        %dma_start3A_172 = arith.constant 0 : i32
        %dma_start3A_173 = arith.constant 0 : i32
        %dma_start3A_174 = tpu.memref_slice %arg10[%dma_start3A_172, %dma_start3A_173] : memref<10000x128xf32, #tpu.memory_space<vmem_shared>> -> memref<10000x128xf32, #tpu.memory_space<vmem_shared>>
        tpu.enqueue_indirect_dma source(%arg8 : memref<80x128xf32, #tpu.memory_space<vmem>>) target(%dma_start3A_174 : memref<10000x128xf32, #tpu.memory_space<vmem_shared>>) offsets(%dma_start3A_171 : memref<80xi32, #tpu.memory_space<vmem>>) semaphore(%run_scoped3A_168 : memref<!tpu.dma_semaphore, #tpu.memory_space<semaphore_mem>>) {add = true}
        %dma_wait3A_175 = arith.constant 0 : i32
        %dma_wait3A_176 = tpu.memref_slice %arg7[%mul3A_90, %dma_wait3A_175] : memref<125x80xi32, #tpu.memory_space<vmem>> -> memref<1x80xi32, #tpu.memory_space<vmem>>
        %dma_wait3A_177 = tpu.memref_squeeze %dma_wait3A_176 : memref<1x80xi32, #tpu.memory_space<vmem>> -> memref<80xi32, #tpu.memory_space<vmem>>
        %dma_wait3A_178 = arith.constant 0 : i32
        %dma_wait3A_179 = arith.constant 0 : i32
        %dma_wait3A_180 = tpu.memref_slice %arg10[%dma_wait3A_178, %dma_wait3A_179] : memref<10000x128xf32, #tpu.memory_space<vmem_shared>> -> memref<10000x128xf32, #tpu.memory_space<vmem_shared>>
        tpu.wait_indirect_dma semaphore(%run_scoped3A_168 : memref<!tpu.dma_semaphore, #tpu.memory_space<semaphore_mem>>) src(%arg8 : memref<80x128xf32, #tpu.memory_space<vmem>>) dst(%dma_wait3A_180 : memref<10000x128xf32, #tpu.memory_space<vmem_shared>>)
        tpu.yield
      }) : () -> ()
      %add3A_115 = arith.constant 2 : i32
      %add3A_116 = arith.addi %mul3A_90, %add3A_115 : i32
      %mul3A_117 = arith.constant 80 : i32
      %mul3A_118 = arith.muli %add3A_116, %mul3A_117 : i32
      %add3A_119 = arith.constant 0 : i32
      %add3A_120 = arith.addi %mul3A_118, %add3A_119 : i32
      %dma_start3A_121 = arith.constant 0 : i32
      %dma_start3A_122 = arith.constant 0 : i32
      %dma_start3A_123 = tpu.memref_slice %arg8[%dma_start3A_121, %dma_start3A_122] : memref<80x128xf32, #tpu.memory_space<vmem>> -> memref<40x128xf32, #tpu.memory_space<vmem>>
      %dma_start3A_124 = tpu.memref_slice %arg6[%add3A_120] : memref<10000xi32, #tpu.memory_space<vmem>> -> memref<40xi32, #tpu.memory_space<vmem>>
      %dma_start3A_125 = arith.constant 0 : i32
      %dma_start3A_126 = arith.constant 0 : i32
      %dma_start3A_127 = tpu.memref_slice %arg2[%dma_start3A_125, %dma_start3A_126] : memref<10000x128xf32, #tpu.memory_space<hbm>> -> memref<10000x128xf32, #tpu.memory_space<hbm>>
      tpu.enqueue_indirect_dma source(%dma_start3A_127 : memref<10000x128xf32, #tpu.memory_space<hbm>>) target(%dma_start3A_123 : memref<40x128xf32, #tpu.memory_space<vmem>>) offsets(%dma_start3A_124 : memref<40xi32, #tpu.memory_space<vmem>>) semaphore(%arg11 : memref<!tpu.dma_semaphore, #tpu.memory_space<semaphore_mem>>)
      %mul3A_128 = arith.constant 80 : i32
      %mul3A_129 = arith.muli %add3A_116, %mul3A_128 : i32
      %add3A_130 = arith.constant 40 : i32
      %add3A_131 = arith.addi %mul3A_129, %add3A_130 : i32
      %dma_start3A_132 = arith.constant 40 : i32
      %dma_start3A_133 = arith.constant 0 : i32
      %dma_start3A_134 = tpu.memref_slice %arg8[%dma_start3A_132, %dma_start3A_133] : memref<80x128xf32, #tpu.memory_space<vmem>> -> memref<40x128xf32, #tpu.memory_space<vmem>>
      %dma_start3A_135 = tpu.memref_slice %arg6[%add3A_131] : memref<10000xi32, #tpu.memory_space<vmem>> -> memref<40xi32, #tpu.memory_space<vmem>>
      %dma_start3A_136 = arith.constant 0 : i32
      %dma_start3A_137 = arith.constant 0 : i32
      %dma_start3A_138 = tpu.memref_slice %arg2[%dma_start3A_136, %dma_start3A_137] : memref<10000x128xf32, #tpu.memory_space<hbm>> -> memref<10000x128xf32, #tpu.memory_space<hbm>>
      tpu.enqueue_indirect_dma source(%dma_start3A_138 : memref<10000x128xf32, #tpu.memory_space<hbm>>) target(%dma_start3A_134 : memref<40x128xf32, #tpu.memory_space<vmem>>) offsets(%dma_start3A_135 : memref<40xi32, #tpu.memory_space<vmem>>) semaphore(%arg12 : memref<!tpu.dma_semaphore, #tpu.memory_space<semaphore_mem>>)
      %mul3A_139 = arith.constant 80 : i32
      %mul3A_140 = arith.muli %add3A_92, %mul3A_139 : i32
      %add3A_141 = arith.constant 0 : i32
      %add3A_142 = arith.addi %mul3A_140, %add3A_141 : i32
      %dma_wait3A_143 = arith.constant 0 : i32
      %dma_wait3A_144 = arith.constant 0 : i32
      %dma_wait3A_145 = tpu.memref_slice %arg9[%dma_wait3A_143, %dma_wait3A_144] : memref<80x128xf32, #tpu.memory_space<vmem>> -> memref<40x128xf32, #tpu.memory_space<vmem>>
      %dma_wait3A_146 = tpu.memref_slice %arg6[%add3A_142] : memref<10000xi32, #tpu.memory_space<vmem>> -> memref<40xi32, #tpu.memory_space<vmem>>
      %dma_wait3A_147 = arith.constant 0 : i32
      %dma_wait3A_148 = arith.constant 0 : i32
      %dma_wait3A_149 = tpu.memref_slice %arg2[%dma_wait3A_147, %dma_wait3A_148] : memref<10000x128xf32, #tpu.memory_space<hbm>> -> memref<10000x128xf32, #tpu.memory_space<hbm>>
      tpu.wait_indirect_dma semaphore(%arg13 : memref<!tpu.dma_semaphore, #tpu.memory_space<semaphore_mem>>) src(%dma_wait3A_149 : memref<10000x128xf32, #tpu.memory_space<hbm>>) dst(%dma_wait3A_145 : memref<40x128xf32, #tpu.memory_space<vmem>>)
      %mul3A_150 = arith.constant 80 : i32
      %mul3A_151 = arith.muli %add3A_92, %mul3A_150 : i32
      %add3A_152 = arith.constant 40 : i32
      %add3A_153 = arith.addi %mul3A_151, %add3A_152 : i32
      %dma_wait3A_154 = arith.constant 40 : i32
      %dma_wait3A_155 = arith.constant 0 : i32
      %dma_wait3A_156 = tpu.memref_slice %arg9[%dma_wait3A_154, %dma_wait3A_155] : memref<80x128xf32, #tpu.memory_space<vmem>> -> memref<40x128xf32, #tpu.memory_space<vmem>>
      %dma_wait3A_157 = tpu.memref_slice %arg6[%add3A_153] : memref<10000xi32, #tpu.memory_space<vmem>> -> memref<40xi32, #tpu.memory_space<vmem>>
      %dma_wait3A_158 = arith.constant 0 : i32
      %dma_wait3A_159 = arith.constant 0 : i32
      %dma_wait3A_160 = tpu.memref_slice %arg2[%dma_wait3A_158, %dma_wait3A_159] : memref<10000x128xf32, #tpu.memory_space<hbm>> -> memref<10000x128xf32, #tpu.memory_space<hbm>>
      tpu.wait_indirect_dma semaphore(%arg14 : memref<!tpu.dma_semaphore, #tpu.memory_space<semaphore_mem>>) src(%dma_wait3A_160 : memref<10000x128xf32, #tpu.memory_space<hbm>>) dst(%dma_wait3A_156 : memref<40x128xf32, #tpu.memory_space<vmem>>)
      "tpu.region"() ({
        %run_scoped3A_168 = tpu.sem_alloc : memref<!tpu.dma_semaphore, #tpu.memory_space<semaphore_mem>>
        %dma_start3A_169 = arith.constant 0 : i32
        %dma_start3A_170 = tpu.memref_slice %arg7[%add3A_92, %dma_start3A_169] : memref<125x80xi32, #tpu.memory_space<vmem>> -> memref<1x80xi32, #tpu.memory_space<vmem>>
        %dma_start3A_171 = tpu.memref_squeeze %dma_start3A_170 : memref<1x80xi32, #tpu.memory_space<vmem>> -> memref<80xi32, #tpu.memory_space<vmem>>
        %dma_start3A_172 = arith.constant 0 : i32
        %dma_start3A_173 = arith.constant 0 : i32
        %dma_start3A_174 = tpu.memref_slice %arg10[%dma_start3A_172, %dma_start3A_173] : memref<10000x128xf32, #tpu.memory_space<vmem_shared>> -> memref<10000x128xf32, #tpu.memory_space<vmem_shared>>
        tpu.enqueue_indirect_dma source(%arg9 : memref<80x128xf32, #tpu.memory_space<vmem>>) target(%dma_start3A_174 : memref<10000x128xf32, #tpu.memory_space<vmem_shared>>) offsets(%dma_start3A_171 : memref<80xi32, #tpu.memory_space<vmem>>) semaphore(%run_scoped3A_168 : memref<!tpu.dma_semaphore, #tpu.memory_space<semaphore_mem>>) {add = true}
        %dma_wait3A_175 = arith.constant 0 : i32
        %dma_wait3A_176 = tpu.memref_slice %arg7[%add3A_92, %dma_wait3A_175] : memref<125x80xi32, #tpu.memory_space<vmem>> -> memref<1x80xi32, #tpu.memory_space<vmem>>
        %dma_wait3A_177 = tpu.memref_squeeze %dma_wait3A_176 : memref<1x80xi32, #tpu.memory_space<vmem>> -> memref<80xi32, #tpu.memory_space<vmem>>
        %dma_wait3A_178 = arith.constant 0 : i32
        %dma_wait3A_179 = arith.constant 0 : i32
        %dma_wait3A_180 = tpu.memref_slice %arg10[%dma_wait3A_178, %dma_wait3A_179] : memref<10000x128xf32, #tpu.memory_space<vmem_shared>> -> memref<10000x128xf32, #tpu.memory_space<vmem_shared>>
        tpu.wait_indirect_dma semaphore(%run_scoped3A_168 : memref<!tpu.dma_semaphore, #tpu.memory_space<semaphore_mem>>) src(%arg9 : memref<80x128xf32, #tpu.memory_space<vmem>>) dst(%dma_wait3A_180 : memref<10000x128xf32, #tpu.memory_space<vmem_shared>>)
        tpu.yield
      }) : () -> ()
      %add3A_161 = arith.constant 2 : i32
      %add3A_162 = arith.addi %add3A_92, %add3A_161 : i32
      %lt3A = arith.constant 125 : i32
      %lt3A_163 = arith.cmpi slt, %add3A_162, %lt3A : i32
      %convert_element_type3A_164 = arith.extui %lt3A_163 : i1 to i32
      %cond3A_165 = arith.constant 0 : i32
      %cond3A_166 = arith.cmpi ne, %convert_element_type3A_164, %cond3A_165 : i32
      scf.if %cond3A_166 {
        %add3A_168 = arith.constant 2 : i32
        %add3A_169 = arith.addi %add3A_92, %add3A_168 : i32
        %mul3A_170 = arith.constant 80 : i32
        %mul3A_171 = arith.muli %add3A_169, %mul3A_170 : i32
        %add3A_172 = arith.constant 0 : i32
        %add3A_173 = arith.addi %mul3A_171, %add3A_172 : i32
        %dma_start3A_174 = arith.constant 0 : i32
        %dma_start3A_175 = arith.constant 0 : i32
        %dma_start3A_176 = tpu.memref_slice %arg9[%dma_start3A_174, %dma_start3A_175] : memref<80x128xf32, #tpu.memory_space<vmem>> -> memref<40x128xf32, #tpu.memory_space<vmem>>
        %dma_start3A_177 = tpu.memref_slice %arg6[%add3A_173] : memref<10000xi32, #tpu.memory_space<vmem>> -> memref<40xi32, #tpu.memory_space<vmem>>
        %dma_start3A_178 = arith.constant 0 : i32
        %dma_start3A_179 = arith.constant 0 : i32
        %dma_start3A_180 = tpu.memref_slice %arg2[%dma_start3A_178, %dma_start3A_179] : memref<10000x128xf32, #tpu.memory_space<hbm>> -> memref<10000x128xf32, #tpu.memory_space<hbm>>
        tpu.enqueue_indirect_dma source(%dma_start3A_180 : memref<10000x128xf32, #tpu.memory_space<hbm>>) target(%dma_start3A_176 : memref<40x128xf32, #tpu.memory_space<vmem>>) offsets(%dma_start3A_177 : memref<40xi32, #tpu.memory_space<vmem>>) semaphore(%arg13 : memref<!tpu.dma_semaphore, #tpu.memory_space<semaphore_mem>>)
        %mul3A_181 = arith.constant 80 : i32
        %mul3A_182 = arith.muli %add3A_169, %mul3A_181 : i32
        %add3A_183 = arith.constant 40 : i32
        %add3A_184 = arith.addi %mul3A_182, %add3A_183 : i32
        %dma_start3A_185 = arith.constant 40 : i32
        %dma_start3A_186 = arith.constant 0 : i32
        %dma_start3A_187 = tpu.memref_slice %arg9[%dma_start3A_185, %dma_start3A_186] : memref<80x128xf32, #tpu.memory_space<vmem>> -> memref<40x128xf32, #tpu.memory_space<vmem>>
        %dma_start3A_188 = tpu.memref_slice %arg6[%add3A_184] : memref<10000xi32, #tpu.memory_space<vmem>> -> memref<40xi32, #tpu.memory_space<vmem>>
        %dma_start3A_189 = arith.constant 0 : i32
        %dma_start3A_190 = arith.constant 0 : i32
        %dma_start3A_191 = tpu.memref_slice %arg2[%dma_start3A_189, %dma_start3A_190] : memref<10000x128xf32, #tpu.memory_space<hbm>> -> memref<10000x128xf32, #tpu.memory_space<hbm>>
        tpu.enqueue_indirect_dma source(%dma_start3A_191 : memref<10000x128xf32, #tpu.memory_space<hbm>>) target(%dma_start3A_187 : memref<40x128xf32, #tpu.memory_space<vmem>>) offsets(%dma_start3A_188 : memref<40xi32, #tpu.memory_space<vmem>>) semaphore(%arg14 : memref<!tpu.dma_semaphore, #tpu.memory_space<semaphore_mem>>)
      } else {
      }
      %scan3A_167 = arith.constant 0 : i32
      scf.yield %scan3A_167 : i32
    }
    %scan3A_58 = arith.constant 62 : i32
    %dma_wait3A = arith.constant 0 : i32
    %dma_wait3A_59 = arith.constant 0 : i32
    %dma_wait3A_60 = tpu.memref_slice %arg8[%dma_wait3A, %dma_wait3A_59] : memref<80x128xf32, #tpu.memory_space<vmem>> -> memref<40x128xf32, #tpu.memory_space<vmem>>
    %dma_wait3A_61 = arith.constant 9920 : i32
    %dma_wait3A_62 = tpu.memref_slice %arg6[%dma_wait3A_61] : memref<10000xi32, #tpu.memory_space<vmem>> -> memref<40xi32, #tpu.memory_space<vmem>>
    %dma_wait3A_63 = arith.constant 0 : i32
    %dma_wait3A_64 = arith.constant 0 : i32
    %dma_wait3A_65 = tpu.memref_slice %arg2[%dma_wait3A_63, %dma_wait3A_64] : memref<10000x128xf32, #tpu.memory_space<hbm>> -> memref<10000x128xf32, #tpu.memory_space<hbm>>
    tpu.wait_indirect_dma semaphore(%arg11 : memref<!tpu.dma_semaphore, #tpu.memory_space<semaphore_mem>>) src(%dma_wait3A_65 : memref<10000x128xf32, #tpu.memory_space<hbm>>) dst(%dma_wait3A_60 : memref<40x128xf32, #tpu.memory_space<vmem>>)
    %dma_wait3A_66 = arith.constant 40 : i32
    %dma_wait3A_67 = arith.constant 0 : i32
    %dma_wait3A_68 = tpu.memref_slice %arg8[%dma_wait3A_66, %dma_wait3A_67] : memref<80x128xf32, #tpu.memory_space<vmem>> -> memref<40x128xf32, #tpu.memory_space<vmem>>
    %dma_wait3A_69 = arith.constant 9960 : i32
    %dma_wait3A_70 = tpu.memref_slice %arg6[%dma_wait3A_69] : memref<10000xi32, #tpu.memory_space<vmem>> -> memref<40xi32, #tpu.memory_space<vmem>>
    %dma_wait3A_71 = arith.constant 0 : i32
    %dma_wait3A_72 = arith.constant 0 : i32
    %dma_wait3A_73 = tpu.memref_slice %arg2[%dma_wait3A_71, %dma_wait3A_72] : memref<10000x128xf32, #tpu.memory_space<hbm>> -> memref<10000x128xf32, #tpu.memory_space<hbm>>
    tpu.wait_indirect_dma semaphore(%arg12 : memref<!tpu.dma_semaphore, #tpu.memory_space<semaphore_mem>>) src(%dma_wait3A_73 : memref<10000x128xf32, #tpu.memory_space<hbm>>) dst(%dma_wait3A_68 : memref<40x128xf32, #tpu.memory_space<vmem>>)
    %run_scoped3A = arith.constant 124 : i32
    "tpu.region"() ({
      %run_scoped3A_87 = tpu.sem_alloc : memref<!tpu.dma_semaphore, #tpu.memory_space<semaphore_mem>>
      %dma_start3A_88 = arith.constant 0 : i32
      %dma_start3A_89 = tpu.memref_slice %arg7[%run_scoped3A, %dma_start3A_88] : memref<125x80xi32, #tpu.memory_space<vmem>> -> memref<1x80xi32, #tpu.memory_space<vmem>>
      %dma_start3A_90 = tpu.memref_squeeze %dma_start3A_89 : memref<1x80xi32, #tpu.memory_space<vmem>> -> memref<80xi32, #tpu.memory_space<vmem>>
      %dma_start3A_91 = arith.constant 0 : i32
      %dma_start3A_92 = arith.constant 0 : i32
      %dma_start3A_93 = tpu.memref_slice %arg10[%dma_start3A_91, %dma_start3A_92] : memref<10000x128xf32, #tpu.memory_space<vmem_shared>> -> memref<10000x128xf32, #tpu.memory_space<vmem_shared>>
      tpu.enqueue_indirect_dma source(%arg8 : memref<80x128xf32, #tpu.memory_space<vmem>>) target(%dma_start3A_93 : memref<10000x128xf32, #tpu.memory_space<vmem_shared>>) offsets(%dma_start3A_90 : memref<80xi32, #tpu.memory_space<vmem>>) semaphore(%run_scoped3A_87 : memref<!tpu.dma_semaphore, #tpu.memory_space<semaphore_mem>>) {add = true}
      %dma_wait3A_94 = arith.constant 0 : i32
      %dma_wait3A_95 = tpu.memref_slice %arg7[%run_scoped3A, %dma_wait3A_94] : memref<125x80xi32, #tpu.memory_space<vmem>> -> memref<1x80xi32, #tpu.memory_space<vmem>>
      %dma_wait3A_96 = tpu.memref_squeeze %dma_wait3A_95 : memref<1x80xi32, #tpu.memory_space<vmem>> -> memref<80xi32, #tpu.memory_space<vmem>>
      %dma_wait3A_97 = arith.constant 0 : i32
      %dma_wait3A_98 = arith.constant 0 : i32
      %dma_wait3A_99 = tpu.memref_slice %arg10[%dma_wait3A_97, %dma_wait3A_98] : memref<10000x128xf32, #tpu.memory_space<vmem_shared>> -> memref<10000x128xf32, #tpu.memory_space<vmem_shared>>
      tpu.wait_indirect_dma semaphore(%run_scoped3A_87 : memref<!tpu.dma_semaphore, #tpu.memory_space<semaphore_mem>>) src(%arg8 : memref<80x128xf32, #tpu.memory_space<vmem>>) dst(%dma_wait3A_99 : memref<10000x128xf32, #tpu.memory_space<vmem_shared>>)
      tpu.yield
    }) : () -> ()
    %barrier3A_74 = arith.constant 0 : index
    tpu.barrier barrier_id(%barrier3A_74)
    %mul3A_75 = arith.constant 624 : i32
    %mul3A_76 = arith.muli %arg1, %mul3A_75 : i32
    %mul3A_77 = arith.constant 10000 : i32
    %mul3A_78 = arith.muli %arg0, %mul3A_77 : i32
    %mul3A_79 = arith.constant 624 : i32
    %mul3A_80 = arith.muli %arg1, %mul3A_79 : i32
    %add3A_81 = arith.addi %mul3A_78, %mul3A_80 : i32
    "tpu.region"() ({
      %run_scoped3A_87 = tpu.sem_alloc : memref<!tpu.dma_semaphore, #tpu.memory_space<semaphore_mem>>
      %dma_start3A_88 = arith.constant 0 : i32
      %dma_start3A_89 = tpu.memref_slice %arg5[%add3A_81, %dma_start3A_88] : memref<20000x128xf32, #tpu.memory_space<hbm>> -> memref<624x128xf32, #tpu.memory_space<hbm>>
      %dma_start3A_90 = arith.constant 0 : i32
      %dma_start3A_91 = tpu.memref_slice %arg10[%mul3A_76, %dma_start3A_90] : memref<10000x128xf32, #tpu.memory_space<vmem_shared>> -> memref<624x128xf32, #tpu.memory_space<vmem_shared>>
      tpu.enqueue_dma source(%dma_start3A_91 : memref<624x128xf32, #tpu.memory_space<vmem_shared>>) target(%dma_start3A_89 : memref<624x128xf32, #tpu.memory_space<hbm>>) target_semaphore(%run_scoped3A_87 : memref<!tpu.dma_semaphore, #tpu.memory_space<semaphore_mem>>)
      %dma_wait3A_92 = arith.constant 0 : i32
      %dma_wait3A_93 = tpu.memref_slice %arg5[%add3A_81, %dma_wait3A_92] : memref<20000x128xf32, #tpu.memory_space<hbm>> -> memref<624x128xf32, #tpu.memory_space<hbm>>
      %dma_wait3A_94 = arith.constant 0 : i32
      %dma_wait3A_95 = tpu.memref_slice %arg10[%mul3A_76, %dma_wait3A_94] : memref<10000x128xf32, #tpu.memory_space<vmem_shared>> -> memref<624x128xf32, #tpu.memory_space<vmem_shared>>
      tpu.wait_dma2 semaphore(%run_scoped3A_87 : memref<!tpu.dma_semaphore, #tpu.memory_space<semaphore_mem>>) src(%dma_wait3A_95 : memref<624x128xf32, #tpu.memory_space<vmem_shared>>) dst(%dma_wait3A_93 : memref<624x128xf32, #tpu.memory_space<hbm>>)
      tpu.yield
    }) : () -> ()
    %eq3A_82 = arith.constant 15 : i32
    %eq3A_83 = arith.cmpi eq, %arg1, %eq3A_82 : i32
    %convert_element_type3A_84 = arith.extui %eq3A_83 : i1 to i32
    %cond3A_85 = arith.constant 0 : i32
    %cond3A_86 = arith.cmpi ne, %convert_element_type3A_84, %cond3A_85 : i32
    scf.if %cond3A_86 {
      %mul3A_87 = arith.constant 10000 : i32
      %mul3A_88 = arith.muli %arg0, %mul3A_87 : i32
      %add3A_89 = arith.constant 9984 : i32
      %add3A_90 = arith.addi %mul3A_88, %add3A_89 : i32
      "tpu.region"() ({
        %run_scoped3A_91 = tpu.sem_alloc : memref<!tpu.dma_semaphore, #tpu.memory_space<semaphore_mem>>
        %dma_start3A_92 = arith.constant 0 : i32
        %dma_start3A_93 = tpu.memref_slice %arg5[%add3A_90, %dma_start3A_92] : memref<20000x128xf32, #tpu.memory_space<hbm>> -> memref<16x128xf32, #tpu.memory_space<hbm>>
        %dma_start3A_94 = arith.constant 9984 : i32
        %dma_start3A_95 = arith.constant 0 : i32
        %dma_start3A_96 = tpu.memref_slice %arg10[%dma_start3A_94, %dma_start3A_95] : memref<10000x128xf32, #tpu.memory_space<vmem_shared>> -> memref<16x128xf32, #tpu.memory_space<vmem_shared>>
        tpu.enqueue_dma source(%dma_start3A_96 : memref<16x128xf32, #tpu.memory_space<vmem_shared>>) target(%dma_start3A_93 : memref<16x128xf32, #tpu.memory_space<hbm>>) target_semaphore(%run_scoped3A_91 : memref<!tpu.dma_semaphore, #tpu.memory_space<semaphore_mem>>)
        %dma_wait3A_97 = arith.constant 0 : i32
        %dma_wait3A_98 = tpu.memref_slice %arg5[%add3A_90, %dma_wait3A_97] : memref<20000x128xf32, #tpu.memory_space<hbm>> -> memref<16x128xf32, #tpu.memory_space<hbm>>
        %dma_wait3A_99 = arith.constant 9984 : i32
        %dma_wait3A_100 = arith.constant 0 : i32
        %dma_wait3A_101 = tpu.memref_slice %arg10[%dma_wait3A_99, %dma_wait3A_100] : memref<10000x128xf32, #tpu.memory_space<vmem_shared>> -> memref<16x128xf32, #tpu.memory_space<vmem_shared>>
        tpu.wait_dma2 semaphore(%run_scoped3A_91 : memref<!tpu.dma_semaphore, #tpu.memory_space<semaphore_mem>>) src(%dma_wait3A_101 : memref<16x128xf32, #tpu.memory_space<vmem_shared>>) dst(%dma_wait3A_98 : memref<16x128xf32, #tpu.memory_space<hbm>>)
        tpu.yield
      }) : () -> ()
    } else {
    }
    return
  }
}

#map = affine_map<(d0, d1) -> (0, 0)>
#map1 = affine_map<(d0, d1) -> (0, 0, 0)>
module attributes {stable_mosaic.version = 14 : i64} {
  func.func @sc_agg(%arg0: i32, %arg1: i32, %arg2: memref<10000x128xf32, #tpu.memory_space<hbm>>, %arg3: memref<32x10000xi32, #tpu.memory_space<hbm>>, %arg4: memref<32x125x80xi32, #tpu.memory_space<hbm>>, %arg5: memref<20000x128xf32, #tpu.memory_space<hbm>>, %arg6: memref<10000xi32, #tpu.memory_space<vmem>>, %arg7: memref<125x80xi32, #tpu.memory_space<vmem>>, %arg8: memref<80x128xf32, #tpu.memory_space<vmem>>, %arg9: memref<80x128xf32, #tpu.memory_space<vmem>>, %arg10: memref<10000x128xf32, #tpu.memory_space<vmem_shared>>, %arg11: memref<!tpu.dma_semaphore, #tpu.memory_space<semaphore_mem>>, %arg12: memref<!tpu.dma_semaphore, #tpu.memory_space<semaphore_mem>>, %arg13: memref<!tpu.dma_semaphore, #tpu.memory_space<semaphore_mem>>, %arg14: memref<!tpu.dma_semaphore, #tpu.memory_space<semaphore_mem>>) attributes {dimension_semantics = [#tpu.dimension_semantics<core_parallel>, #tpu.dimension_semantics<subcore_parallel>], iteration_bounds = array<i64: 2, 16>, scalar_prefetch = 0 : i64, scratch_operands = 9 : i64, tpu.core_type = #tpu.core_type<sc_vector_subcore>, window_params = [{transform_indices = #map}, {transform_indices = #map}, {transform_indices = #map1}, {transform_indices = #map}]} {
    %mul3A = arith.constant 16 : i32
    %mul3A_0 = arith.muli %arg0, %mul3A : i32
    %add3A = arith.addi %mul3A_0, %arg1 : i32
    "tpu.region"() ({
      %run_scoped3A_87 = tpu.sem_alloc : memref<!tpu.dma_semaphore, #tpu.memory_space<semaphore_mem>>
      %dma_start3A_88 = arith.constant 0 : i32
      %dma_start3A_89 = tpu.memref_slice %arg3[%add3A, %dma_start3A_88] : memref<32x10000xi32, #tpu.memory_space<hbm>> -> memref<1x10000xi32, #tpu.memory_space<hbm>>
      %dma_start3A_90 = tpu.memref_squeeze %dma_start3A_89 : memref<1x10000xi32, #tpu.memory_space<hbm>> -> memref<10000xi32, #tpu.memory_space<hbm>>
      %dma_start3A_91 = arith.constant 0 : i32
      %dma_start3A_92 = tpu.memref_slice %arg3[%add3A, %dma_start3A_91] : memref<32x10000xi32, #tpu.memory_space<hbm>> -> memref<1x10000xi32, #tpu.memory_space<hbm>>
      %dma_start3A_93 = tpu.memref_squeeze %dma_start3A_92 : memref<1x10000xi32, #tpu.memory_space<hbm>> -> memref<10000xi32, #tpu.memory_space<hbm>>
      tpu.enqueue_dma source(%dma_start3A_93 : memref<10000xi32, #tpu.memory_space<hbm>>) target(%arg6 : memref<10000xi32, #tpu.memory_space<vmem>>) target_semaphore(%run_scoped3A_87 : memref<!tpu.dma_semaphore, #tpu.memory_space<semaphore_mem>>)
      %dma_wait3A_94 = arith.constant 0 : i32
      %dma_wait3A_95 = tpu.memref_slice %arg3[%add3A, %dma_wait3A_94] : memref<32x10000xi32, #tpu.memory_space<hbm>> -> memref<1x10000xi32, #tpu.memory_space<hbm>>
      %dma_wait3A_96 = tpu.memref_squeeze %dma_wait3A_95 : memref<1x10000xi32, #tpu.memory_space<hbm>> -> memref<10000xi32, #tpu.memory_space<hbm>>
      %dma_wait3A_97 = arith.constant 0 : i32
      %dma_wait3A_98 = tpu.memref_slice %arg3[%add3A, %dma_wait3A_97] : memref<32x10000xi32, #tpu.memory_space<hbm>> -> memref<1x10000xi32, #tpu.memory_space<hbm>>
      %dma_wait3A_99 = tpu.memref_squeeze %dma_wait3A_98 : memref<1x10000xi32, #tpu.memory_space<hbm>> -> memref<10000xi32, #tpu.memory_space<hbm>>
      tpu.wait_dma2 semaphore(%run_scoped3A_87 : memref<!tpu.dma_semaphore, #tpu.memory_space<semaphore_mem>>) src(%dma_wait3A_99 : memref<10000xi32, #tpu.memory_space<hbm>>) dst(%arg6 : memref<10000xi32, #tpu.memory_space<vmem>>)
      tpu.yield
    }) : () -> ()
    "tpu.region"() ({
      %run_scoped3A_87 = tpu.sem_alloc : memref<!tpu.dma_semaphore, #tpu.memory_space<semaphore_mem>>
      %dma_start3A_88 = arith.constant 0 : i32
      %dma_start3A_89 = arith.constant 0 : i32
      %dma_start3A_90 = tpu.memref_slice %arg4[%add3A, %dma_start3A_88, %dma_start3A_89] : memref<32x125x80xi32, #tpu.memory_space<hbm>> -> memref<1x125x80xi32, #tpu.memory_space<hbm>>
      %dma_start3A_91 = tpu.memref_squeeze %dma_start3A_90 : memref<1x125x80xi32, #tpu.memory_space<hbm>> -> memref<125x80xi32, #tpu.memory_space<hbm>>
      %dma_start3A_92 = arith.constant 0 : i32
      %dma_start3A_93 = arith.constant 0 : i32
      %dma_start3A_94 = tpu.memref_slice %arg4[%add3A, %dma_start3A_92, %dma_start3A_93] : memref<32x125x80xi32, #tpu.memory_space<hbm>> -> memref<1x125x80xi32, #tpu.memory_space<hbm>>
      %dma_start3A_95 = tpu.memref_squeeze %dma_start3A_94 : memref<1x125x80xi32, #tpu.memory_space<hbm>> -> memref<125x80xi32, #tpu.memory_space<hbm>>
      tpu.enqueue_dma source(%dma_start3A_95 : memref<125x80xi32, #tpu.memory_space<hbm>>) target(%arg7 : memref<125x80xi32, #tpu.memory_space<vmem>>) target_semaphore(%run_scoped3A_87 : memref<!tpu.dma_semaphore, #tpu.memory_space<semaphore_mem>>)
      %dma_wait3A_96 = arith.constant 0 : i32
      %dma_wait3A_97 = arith.constant 0 : i32
      %dma_wait3A_98 = tpu.memref_slice %arg4[%add3A, %dma_wait3A_96, %dma_wait3A_97] : memref<32x125x80xi32, #tpu.memory_space<hbm>> -> memref<1x125x80xi32, #tpu.memory_space<hbm>>
      %dma_wait3A_99 = tpu.memref_squeeze %dma_wait3A_98 : memref<1x125x80xi32, #tpu.memory_space<hbm>> -> memref<125x80xi32, #tpu.memory_space<hbm>>
      %dma_wait3A_100 = arith.constant 0 : i32
      %dma_wait3A_101 = arith.constant 0 : i32
      %dma_wait3A_102 = tpu.memref_slice %arg4[%add3A, %dma_wait3A_100, %dma_wait3A_101] : memref<32x125x80xi32, #tpu.memory_space<hbm>> -> memref<1x125x80xi32, #tpu.memory_space<hbm>>
      %dma_wait3A_103 = tpu.memref_squeeze %dma_wait3A_102 : memref<1x125x80xi32, #tpu.memory_space<hbm>> -> memref<125x80xi32, #tpu.memory_space<hbm>>
      tpu.wait_dma2 semaphore(%run_scoped3A_87 : memref<!tpu.dma_semaphore, #tpu.memory_space<semaphore_mem>>) src(%dma_wait3A_103 : memref<125x80xi32, #tpu.memory_space<hbm>>) dst(%arg7 : memref<125x80xi32, #tpu.memory_space<vmem>>)
      tpu.yield
    }) : () -> ()
    %scan3A = arith.constant 0 : i32
    %scan3A_1 = arith.constant 0 : i32
    %scan3A_2 = arith.constant 640 : i32
    %scan3A_3 = arith.addi %scan3A_1, %scan3A_2 : i32
    %scan3A_4 = arith.constant 1 : i32
    %scan3A_5 = scf.for %scan3A_87 = %scan3A_1 to %scan3A_3 step %scan3A_4 iter_args(%scan3A_88 = %scan3A) -> (i32)  : i32 {
      %jit3A = arith.constant 8 : i32
      %div3A = arith.divsi %scan3A_87, %jit3A : i32
      %sign3A = arith.constant 0 : i32
      %sign3A_89 = arith.cmpi sgt, %scan3A_87, %sign3A : i32
      %sign3A_90 = arith.extui %sign3A_89 : i1 to i32
      %sign3A_91 = arith.constant 0 : i32
      %sign3A_92 = arith.cmpi slt, %scan3A_87, %sign3A_91 : i32
      %sign3A_93 = arith.extui %sign3A_92 : i1 to i32
      %sign3A_94 = arith.subi %sign3A_90, %sign3A_93 : i32
      %sign3A_95 = arith.constant 0 : i32
      %sign3A_96 = arith.cmpi sgt, %jit3A, %sign3A_95 : i32
      %sign3A_97 = arith.extui %sign3A_96 : i1 to i32
      %sign3A_98 = arith.constant 0 : i32
      %sign3A_99 = arith.cmpi slt, %jit3A, %sign3A_98 : i32
      %sign3A_100 = arith.extui %sign3A_99 : i1 to i32
      %sign3A_101 = arith.subi %sign3A_97, %sign3A_100 : i32
      %ne3A = arith.cmpi ne, %sign3A_94, %sign3A_101 : i32
      %rem3A = arith.remsi %scan3A_87, %jit3A : i32
      %ne3A_102 = arith.constant 0 : i32
      %ne3A_103 = arith.cmpi ne, %rem3A, %ne3A_102 : i32
      %and3A = arith.andi %ne3A, %ne3A_103 : i1
      %sub3A_104 = arith.constant 1 : i32
      %sub3A_105 = arith.subi %div3A, %sub3A_104 : i32
      %select_n3A = arith.select %and3A, %sub3A_105, %div3A : i32
      %jit3A_106 = arith.constant 8 : i32
      %eq3A_107 = arith.constant 0 : i32
      %eq3A_108 = arith.cmpi eq, %jit3A_106, %eq3A_107 : i32
      %jit3A_109 = arith.constant 1 : i32
      %select_n3A_110 = arith.select %eq3A_108, %jit3A_109, %jit3A_106 : i32
      %rem3A_111 = arith.remsi %scan3A_87, %select_n3A_110 : i32
      %ne3A_112 = arith.constant 0 : i32
      %ne3A_113 = arith.cmpi ne, %rem3A_111, %ne3A_112 : i32
      %lt3A = arith.constant 0 : i32
      %lt3A_114 = arith.cmpi slt, %rem3A_111, %lt3A : i32
      %lt3A_115 = arith.constant 0 : i32
      %lt3A_116 = arith.cmpi slt, %select_n3A_110, %lt3A_115 : i32
      %ne3A_117 = arith.xori %lt3A_114, %lt3A_116 : i1
      %and3A_118 = arith.andi %ne3A_117, %ne3A_113 : i1
      %add3A_119 = arith.addi %rem3A_111, %select_n3A_110 : i32
      %select_n3A_120 = arith.select %and3A_118, %add3A_119, %rem3A_111 : i32
      %broadcast_in_dim3A = arith.constant 0.000000e+00 : f32
      %broadcast_in_dim3A_121 = vector.broadcast %broadcast_in_dim3A : f32 to vector<16xf32>
      %mul3A_122 = arith.constant 16 : i32
      %mul3A_123 = arith.muli %select_n3A_120, %mul3A_122 : i32
      %swap3A = arith.index_cast %select_n3A : i32 to index
      %swap3A_124 = arith.index_cast %mul3A_123 : i32 to index
      %swap3A_125 = tpu.vector_load %arg8[%swap3A, %swap3A_124] {strides = array<i32>} : memref<80x128xf32, #tpu.memory_space<vmem>>, vector<1x16xf32>,
      %swap3A_126 = vector.shape_cast %swap3A_125 : vector<1x16xf32> to vector<16xf32>
      %swap3A_127 = vector.shape_cast %broadcast_in_dim3A_121 : vector<16xf32> to vector<1x16xf32>
      tpu.vector_store %arg8[%swap3A, %swap3A_124], %swap3A_127 {strides = array<i32>} : memref<80x128xf32, #tpu.memory_space<vmem>>, vector<1x16xf32>,
      %scan3A_128 = arith.constant 0 : i32
      scf.yield %scan3A_128 : i32
    }
    %scan3A_6 = arith.constant 640 : i32
    %scan3A_7 = arith.constant 0 : i32
    %scan3A_8 = arith.constant 0 : i32
    %scan3A_9 = arith.constant 7 : i32
    %scan3A_10 = arith.addi %scan3A_8, %scan3A_9 : i32
    %scan3A_11 = arith.constant 1 : i32
    %scan3A_12 = scf.for %scan3A_87 = %scan3A_8 to %scan3A_10 step %scan3A_11 iter_args(%scan3A_88 = %scan3A_7) -> (i32)  : i32 {
      %mul3A_89 = arith.constant 624 : i32
      %mul3A_90 = arith.muli %arg1, %mul3A_89 : i32
      %mul3A_91 = arith.constant 80 : i32
      %mul3A_92 = arith.muli %scan3A_87, %mul3A_91 : i32
      %add3A_93 = arith.addi %mul3A_90, %mul3A_92 : i32
      "tpu.region"() ({
        %run_scoped3A_95 = tpu.sem_alloc : memref<!tpu.dma_semaphore, #tpu.memory_space<semaphore_mem>>
        %dma_start3A_96 = arith.constant 0 : i32
        %dma_start3A_97 = tpu.memref_slice %arg10[%add3A_93, %dma_start3A_96] : memref<10000x128xf32, #tpu.memory_space<vmem_shared>> -> memref<80x128xf32, #tpu.memory_space<vmem_shared>>
        %dma_start3A_98 = arith.constant 0 : i32
        %dma_start3A_99 = tpu.memref_slice %arg10[%add3A_93, %dma_start3A_98] : memref<10000x128xf32, #tpu.memory_space<vmem_shared>> -> memref<80x128xf32, #tpu.memory_space<vmem_shared>>
        tpu.enqueue_dma source(%arg8 : memref<80x128xf32, #tpu.memory_space<vmem>>) target(%dma_start3A_99 : memref<80x128xf32, #tpu.memory_space<vmem_shared>>) target_semaphore(%run_scoped3A_95 : memref<!tpu.dma_semaphore, #tpu.memory_space<semaphore_mem>>)
        %dma_wait3A_100 = arith.constant 0 : i32
        %dma_wait3A_101 = tpu.memref_slice %arg10[%add3A_93, %dma_wait3A_100] : memref<10000x128xf32, #tpu.memory_space<vmem_shared>> -> memref<80x128xf32, #tpu.memory_space<vmem_shared>>
        %dma_wait3A_102 = arith.constant 0 : i32
        %dma_wait3A_103 = tpu.memref_slice %arg10[%add3A_93, %dma_wait3A_102] : memref<10000x128xf32, #tpu.memory_space<vmem_shared>> -> memref<80x128xf32, #tpu.memory_space<vmem_shared>>
        tpu.wait_dma2 semaphore(%run_scoped3A_95 : memref<!tpu.dma_semaphore, #tpu.memory_space<semaphore_mem>>) src(%arg8 : memref<80x128xf32, #tpu.memory_space<vmem>>) dst(%dma_wait3A_103 : memref<80x128xf32, #tpu.memory_space<vmem_shared>>)
        tpu.yield
      }) : () -> ()
      %scan3A_94 = arith.constant 0 : i32
      scf.yield %scan3A_94 : i32
    }
    %scan3A_13 = arith.constant 7 : i32
    %mul3A_14 = arith.constant 624 : i32
    %mul3A_15 = arith.muli %arg1, %mul3A_14 : i32
    %add3A_16 = arith.constant 624 : i32
    %add3A_17 = arith.addi %mul3A_15, %add3A_16 : i32
    %sub3A = arith.constant 64 : i32
    %sub3A_18 = arith.subi %add3A_17, %sub3A : i32
    "tpu.region"() ({
      %run_scoped3A_87 = tpu.sem_alloc : memref<!tpu.dma_semaphore, #tpu.memory_space<semaphore_mem>>
      %dma_start3A_88 = arith.constant 0 : i32
      %dma_start3A_89 = arith.constant 0 : i32
      %dma_start3A_90 = tpu.memref_slice %arg8[%dma_start3A_88, %dma_start3A_89] : memref<80x128xf32, #tpu.memory_space<vmem>> -> memref<64x128xf32, #tpu.memory_space<vmem>>
      %dma_start3A_91 = arith.constant 0 : i32
      %dma_start3A_92 = tpu.memref_slice %arg10[%sub3A_18, %dma_start3A_91] : memref<10000x128xf32, #tpu.memory_space<vmem_shared>> -> memref<64x128xf32, #tpu.memory_space<vmem_shared>>
      %dma_start3A_93 = arith.constant 0 : i32
      %dma_start3A_94 = tpu.memref_slice %arg10[%sub3A_18, %dma_start3A_93] : memref<10000x128xf32, #tpu.memory_space<vmem_shared>> -> memref<64x128xf32, #tpu.memory_space<vmem_shared>>
      %dma_start3A_95 = arith.constant 0 : i32
      %dma_start3A_96 = arith.constant 0 : i32
      %dma_start3A_97 = tpu.memref_slice %arg8[%dma_start3A_95, %dma_start3A_96] : memref<80x128xf32, #tpu.memory_space<vmem>> -> memref<64x128xf32, #tpu.memory_space<vmem>>
      tpu.enqueue_dma source(%dma_start3A_97 : memref<64x128xf32, #tpu.memory_space<vmem>>) target(%dma_start3A_94 : memref<64x128xf32, #tpu.memory_space<vmem_shared>>) target_semaphore(%run_scoped3A_87 : memref<!tpu.dma_semaphore, #tpu.memory_space<semaphore_mem>>)
      %dma_wait3A_98 = arith.constant 0 : i32
      %dma_wait3A_99 = arith.constant 0 : i32
      %dma_wait3A_100 = tpu.memref_slice %arg8[%dma_wait3A_98, %dma_wait3A_99] : memref<80x128xf32, #tpu.memory_space<vmem>> -> memref<64x128xf32, #tpu.memory_space<vmem>>
      %dma_wait3A_101 = arith.constant 0 : i32
      %dma_wait3A_102 = tpu.memref_slice %arg10[%sub3A_18, %dma_wait3A_101] : memref<10000x128xf32, #tpu.memory_space<vmem_shared>> -> memref<64x128xf32, #tpu.memory_space<vmem_shared>>
      %dma_wait3A_103 = arith.constant 0 : i32
      %dma_wait3A_104 = tpu.memref_slice %arg10[%sub3A_18, %dma_wait3A_103] : memref<10000x128xf32, #tpu.memory_space<vmem_shared>> -> memref<64x128xf32, #tpu.memory_space<vmem_shared>>
      %dma_wait3A_105 = arith.constant 0 : i32
      %dma_wait3A_106 = arith.constant 0 : i32
      %dma_wait3A_107 = tpu.memref_slice %arg8[%dma_wait3A_105, %dma_wait3A_106] : memref<80x128xf32, #tpu.memory_space<vmem>> -> memref<64x128xf32, #tpu.memory_space<vmem>>
      tpu.wait_dma2 semaphore(%run_scoped3A_87 : memref<!tpu.dma_semaphore, #tpu.memory_space<semaphore_mem>>) src(%dma_wait3A_107 : memref<64x128xf32, #tpu.memory_space<vmem>>) dst(%dma_wait3A_104 : memref<64x128xf32, #tpu.memory_space<vmem_shared>>)
      tpu.yield
    }) : () -> ()
    %eq3A = arith.constant 15 : i32
    %eq3A_19 = arith.cmpi eq, %arg1, %eq3A : i32
    %convert_element_type3A = arith.extui %eq3A_19 : i1 to i32
    %cond3A = arith.constant 0 : i32
    %cond3A_20 = arith.cmpi ne, %convert_element_type3A, %cond3A : i32
    scf.if %cond3A_20 {
      "tpu.region"() ({
        %run_scoped3A_87 = tpu.sem_alloc : memref<!tpu.dma_semaphore, #tpu.memory_space<semaphore_mem>>
        %dma_start3A_88 = arith.constant 0 : i32
        %dma_start3A_89 = arith.constant 0 : i32
        %dma_start3A_90 = tpu.memref_slice %arg8[%dma_start3A_88, %dma_start3A_89] : memref<80x128xf32, #tpu.memory_space<vmem>> -> memref<16x128xf32, #tpu.memory_space<vmem>>
        %dma_start3A_91 = arith.constant 9984 : i32
        %dma_start3A_92 = arith.constant 0 : i32
        %dma_start3A_93 = tpu.memref_slice %arg10[%dma_start3A_91, %dma_start3A_92] : memref<10000x128xf32, #tpu.memory_space<vmem_shared>> -> memref<16x128xf32, #tpu.memory_space<vmem_shared>>
        %dma_start3A_94 = arith.constant 9984 : i32
        %dma_start3A_95 = arith.constant 0 : i32
        %dma_start3A_96 = tpu.memref_slice %arg10[%dma_start3A_94, %dma_start3A_95] : memref<10000x128xf32, #tpu.memory_space<vmem_shared>> -> memref<16x128xf32, #tpu.memory_space<vmem_shared>>
        %dma_start3A_97 = arith.constant 0 : i32
        %dma_start3A_98 = arith.constant 0 : i32
        %dma_start3A_99 = tpu.memref_slice %arg8[%dma_start3A_97, %dma_start3A_98] : memref<80x128xf32, #tpu.memory_space<vmem>> -> memref<16x128xf32, #tpu.memory_space<vmem>>
        tpu.enqueue_dma source(%dma_start3A_99 : memref<16x128xf32, #tpu.memory_space<vmem>>) target(%dma_start3A_96 : memref<16x128xf32, #tpu.memory_space<vmem_shared>>) target_semaphore(%run_scoped3A_87 : memref<!tpu.dma_semaphore, #tpu.memory_space<semaphore_mem>>)
        %dma_wait3A_100 = arith.constant 0 : i32
        %dma_wait3A_101 = arith.constant 0 : i32
        %dma_wait3A_102 = tpu.memref_slice %arg8[%dma_wait3A_100, %dma_wait3A_101] : memref<80x128xf32, #tpu.memory_space<vmem>> -> memref<16x128xf32, #tpu.memory_space<vmem>>
        %dma_wait3A_103 = arith.constant 9984 : i32
        %dma_wait3A_104 = arith.constant 0 : i32
        %dma_wait3A_105 = tpu.memref_slice %arg10[%dma_wait3A_103, %dma_wait3A_104] : memref<10000x128xf32, #tpu.memory_space<vmem_shared>> -> memref<16x128xf32, #tpu.memory_space<vmem_shared>>
        %dma_wait3A_106 = arith.constant 9984 : i32
        %dma_wait3A_107 = arith.constant 0 : i32
        %dma_wait3A_108 = tpu.memref_slice %arg10[%dma_wait3A_106, %dma_wait3A_107] : memref<10000x128xf32, #tpu.memory_space<vmem_shared>> -> memref<16x128xf32, #tpu.memory_space<vmem_shared>>
        %dma_wait3A_109 = arith.constant 0 : i32
        %dma_wait3A_110 = arith.constant 0 : i32
        %dma_wait3A_111 = tpu.memref_slice %arg8[%dma_wait3A_109, %dma_wait3A_110] : memref<80x128xf32, #tpu.memory_space<vmem>> -> memref<16x128xf32, #tpu.memory_space<vmem>>
        tpu.wait_dma2 semaphore(%run_scoped3A_87 : memref<!tpu.dma_semaphore, #tpu.memory_space<semaphore_mem>>) src(%dma_wait3A_111 : memref<16x128xf32, #tpu.memory_space<vmem>>) dst(%dma_wait3A_108 : memref<16x128xf32, #tpu.memory_space<vmem_shared>>)
        tpu.yield
      }) : () -> ()
    } else {
    }
    %barrier3A = arith.constant 0 : index
    tpu.barrier barrier_id(%barrier3A)
    %dma_start3A = arith.constant 0 : i32
    %dma_start3A_21 = arith.constant 0 : i32
    %dma_start3A_22 = tpu.memref_slice %arg8[%dma_start3A, %dma_start3A_21] : memref<80x128xf32, #tpu.memory_space<vmem>> -> memref<40x128xf32, #tpu.memory_space<vmem>>
    %dma_start3A_23 = arith.constant 0 : i32
    %dma_start3A_24 = tpu.memref_slice %arg6[%dma_start3A_23] : memref<10000xi32, #tpu.memory_space<vmem>> -> memref<40xi32, #tpu.memory_space<vmem>>
    %dma_start3A_25 = arith.constant 0 : i32
    %dma_start3A_26 = arith.constant 0 : i32
    %dma_start3A_27 = tpu.memref_slice %arg2[%dma_start3A_25, %dma_start3A_26] : memref<10000x128xf32, #tpu.memory_space<hbm>> -> memref<10000x128xf32, #tpu.memory_space<hbm>>
    tpu.enqueue_indirect_dma source(%dma_start3A_27 : memref<10000x128xf32, #tpu.memory_space<hbm>>) target(%dma_start3A_22 : memref<40x128xf32, #tpu.memory_space<vmem>>) offsets(%dma_start3A_24 : memref<40xi32, #tpu.memory_space<vmem>>) semaphore(%arg11 : memref<!tpu.dma_semaphore, #tpu.memory_space<semaphore_mem>>)
    %dma_start3A_28 = arith.constant 40 : i32
    %dma_start3A_29 = arith.constant 0 : i32
    %dma_start3A_30 = tpu.memref_slice %arg8[%dma_start3A_28, %dma_start3A_29] : memref<80x128xf32, #tpu.memory_space<vmem>> -> memref<40x128xf32, #tpu.memory_space<vmem>>
    %dma_start3A_31 = arith.constant 40 : i32
    %dma_start3A_32 = tpu.memref_slice %arg6[%dma_start3A_31] : memref<10000xi32, #tpu.memory_space<vmem>> -> memref<40xi32, #tpu.memory_space<vmem>>
    %dma_start3A_33 = arith.constant 0 : i32
    %dma_start3A_34 = arith.constant 0 : i32
    %dma_start3A_35 = tpu.memref_slice %arg2[%dma_start3A_33, %dma_start3A_34] : memref<10000x128xf32, #tpu.memory_space<hbm>> -> memref<10000x128xf32, #tpu.memory_space<hbm>>
    tpu.enqueue_indirect_dma source(%dma_start3A_35 : memref<10000x128xf32, #tpu.memory_space<hbm>>) target(%dma_start3A_30 : memref<40x128xf32, #tpu.memory_space<vmem>>) offsets(%dma_start3A_32 : memref<40xi32, #tpu.memory_space<vmem>>) semaphore(%arg12 : memref<!tpu.dma_semaphore, #tpu.memory_space<semaphore_mem>>)
    %dma_start3A_36 = arith.constant 0 : i32
    %dma_start3A_37 = arith.constant 0 : i32
    %dma_start3A_38 = tpu.memref_slice %arg9[%dma_start3A_36, %dma_start3A_37] : memref<80x128xf32, #tpu.memory_space<vmem>> -> memref<40x128xf32, #tpu.memory_space<vmem>>
    %dma_start3A_39 = arith.constant 80 : i32
    %dma_start3A_40 = tpu.memref_slice %arg6[%dma_start3A_39] : memref<10000xi32, #tpu.memory_space<vmem>> -> memref<40xi32, #tpu.memory_space<vmem>>
    %dma_start3A_41 = arith.constant 0 : i32
    %dma_start3A_42 = arith.constant 0 : i32
    %dma_start3A_43 = tpu.memref_slice %arg2[%dma_start3A_41, %dma_start3A_42] : memref<10000x128xf32, #tpu.memory_space<hbm>> -> memref<10000x128xf32, #tpu.memory_space<hbm>>
    tpu.enqueue_indirect_dma source(%dma_start3A_43 : memref<10000x128xf32, #tpu.memory_space<hbm>>) target(%dma_start3A_38 : memref<40x128xf32, #tpu.memory_space<vmem>>) offsets(%dma_start3A_40 : memref<40xi32, #tpu.memory_space<vmem>>) semaphore(%arg13 : memref<!tpu.dma_semaphore, #tpu.memory_space<semaphore_mem>>)
    %dma_start3A_44 = arith.constant 40 : i32
    %dma_start3A_45 = arith.constant 0 : i32
    %dma_start3A_46 = tpu.memref_slice %arg9[%dma_start3A_44, %dma_start3A_45] : memref<80x128xf32, #tpu.memory_space<vmem>> -> memref<40x128xf32, #tpu.memory_space<vmem>>
    %dma_start3A_47 = arith.constant 120 : i32
    %dma_start3A_48 = tpu.memref_slice %arg6[%dma_start3A_47] : memref<10000xi32, #tpu.memory_space<vmem>> -> memref<40xi32, #tpu.memory_space<vmem>>
    %dma_start3A_49 = arith.constant 0 : i32
    %dma_start3A_50 = arith.constant 0 : i32
    %dma_start3A_51 = tpu.memref_slice %arg2[%dma_start3A_49, %dma_start3A_50] : memref<10000x128xf32, #tpu.memory_space<hbm>> -> memref<10000x128xf32, #tpu.memory_space<hbm>>
    tpu.enqueue_indirect_dma source(%dma_start3A_51 : memref<10000x128xf32, #tpu.memory_space<hbm>>) target(%dma_start3A_46 : memref<40x128xf32, #tpu.memory_space<vmem>>) offsets(%dma_start3A_48 : memref<40xi32, #tpu.memory_space<vmem>>) semaphore(%arg14 : memref<!tpu.dma_semaphore, #tpu.memory_space<semaphore_mem>>)
    %scan3A_52 = arith.constant 0 : i32
    %scan3A_53 = arith.constant 0 : i32
    %scan3A_54 = arith.constant 62 : i32
    %scan3A_55 = arith.addi %scan3A_53, %scan3A_54 : i32
    %scan3A_56 = arith.constant 1 : i32
    %scan3A_57 = scf.for %scan3A_87 = %scan3A_53 to %scan3A_55 step %scan3A_56 iter_args(%scan3A_88 = %scan3A_52) -> (i32)  : i32 {
      %mul3A_89 = arith.constant 2 : i32
      %mul3A_90 = arith.muli %mul3A_89, %scan3A_87 : i32
      %add3A_91 = arith.constant 1 : i32
      %add3A_92 = arith.addi %mul3A_90, %add3A_91 : i32
      %mul3A_93 = arith.constant 80 : i32
      %mul3A_94 = arith.muli %mul3A_90, %mul3A_93 : i32
      %add3A_95 = arith.constant 0 : i32
      %add3A_96 = arith.addi %mul3A_94, %add3A_95 : i32
      %dma_wait3A_97 = arith.constant 0 : i32
      %dma_wait3A_98 = arith.constant 0 : i32
      %dma_wait3A_99 = tpu.memref_slice %arg8[%dma_wait3A_97, %dma_wait3A_98] : memref<80x128xf32, #tpu.memory_space<vmem>> -> memref<40x128xf32, #tpu.memory_space<vmem>>
      %dma_wait3A_100 = tpu.memref_slice %arg6[%add3A_96] : memref<10000xi32, #tpu.memory_space<vmem>> -> memref<40xi32, #tpu.memory_space<vmem>>
      %dma_wait3A_101 = arith.constant 0 : i32
      %dma_wait3A_102 = arith.constant 0 : i32
      %dma_wait3A_103 = tpu.memref_slice %arg2[%dma_wait3A_101, %dma_wait3A_102] : memref<10000x128xf32, #tpu.memory_space<hbm>> -> memref<10000x128xf32, #tpu.memory_space<hbm>>
      tpu.wait_indirect_dma semaphore(%arg11 : memref<!tpu.dma_semaphore, #tpu.memory_space<semaphore_mem>>) src(%dma_wait3A_103 : memref<10000x128xf32, #tpu.memory_space<hbm>>) dst(%dma_wait3A_99 : memref<40x128xf32, #tpu.memory_space<vmem>>)
      %mul3A_104 = arith.constant 80 : i32
      %mul3A_105 = arith.muli %mul3A_90, %mul3A_104 : i32
      %add3A_106 = arith.constant 40 : i32
      %add3A_107 = arith.addi %mul3A_105, %add3A_106 : i32
      %dma_wait3A_108 = arith.constant 40 : i32
      %dma_wait3A_109 = arith.constant 0 : i32
      %dma_wait3A_110 = tpu.memref_slice %arg8[%dma_wait3A_108, %dma_wait3A_109] : memref<80x128xf32, #tpu.memory_space<vmem>> -> memref<40x128xf32, #tpu.memory_space<vmem>>
      %dma_wait3A_111 = tpu.memref_slice %arg6[%add3A_107] : memref<10000xi32, #tpu.memory_space<vmem>> -> memref<40xi32, #tpu.memory_space<vmem>>
      %dma_wait3A_112 = arith.constant 0 : i32
      %dma_wait3A_113 = arith.constant 0 : i32
      %dma_wait3A_114 = tpu.memref_slice %arg2[%dma_wait3A_112, %dma_wait3A_113] : memref<10000x128xf32, #tpu.memory_space<hbm>> -> memref<10000x128xf32, #tpu.memory_space<hbm>>
      tpu.wait_indirect_dma semaphore(%arg12 : memref<!tpu.dma_semaphore, #tpu.memory_space<semaphore_mem>>) src(%dma_wait3A_114 : memref<10000x128xf32, #tpu.memory_space<hbm>>) dst(%dma_wait3A_110 : memref<40x128xf32, #tpu.memory_space<vmem>>)
      "tpu.region"() ({
        %run_scoped3A_168 = tpu.sem_alloc : memref<!tpu.dma_semaphore, #tpu.memory_space<semaphore_mem>>
        %dma_start3A_169 = arith.constant 0 : i32
        %dma_start3A_170 = tpu.memref_slice %arg7[%mul3A_90, %dma_start3A_169] : memref<125x80xi32, #tpu.memory_space<vmem>> -> memref<1x80xi32, #tpu.memory_space<vmem>>
        %dma_start3A_171 = tpu.memref_squeeze %dma_start3A_170 : memref<1x80xi32, #tpu.memory_space<vmem>> -> memref<80xi32, #tpu.memory_space<vmem>>
        %dma_start3A_172 = arith.constant 0 : i32
        %dma_start3A_173 = arith.constant 0 : i32
        %dma_start3A_174 = tpu.memref_slice %arg10[%dma_start3A_172, %dma_start3A_173] : memref<10000x128xf32, #tpu.memory_space<vmem_shared>> -> memref<10000x128xf32, #tpu.memory_space<vmem_shared>>
        tpu.enqueue_indirect_dma source(%arg8 : memref<80x128xf32, #tpu.memory_space<vmem>>) target(%dma_start3A_174 : memref<10000x128xf32, #tpu.memory_space<vmem_shared>>) offsets(%dma_start3A_171 : memref<80xi32, #tpu.memory_space<vmem>>) semaphore(%run_scoped3A_168 : memref<!tpu.dma_semaphore, #tpu.memory_space<semaphore_mem>>) {add = true}
        %dma_wait3A_175 = arith.constant 0 : i32
        %dma_wait3A_176 = tpu.memref_slice %arg7[%mul3A_90, %dma_wait3A_175] : memref<125x80xi32, #tpu.memory_space<vmem>> -> memref<1x80xi32, #tpu.memory_space<vmem>>
        %dma_wait3A_177 = tpu.memref_squeeze %dma_wait3A_176 : memref<1x80xi32, #tpu.memory_space<vmem>> -> memref<80xi32, #tpu.memory_space<vmem>>
        %dma_wait3A_178 = arith.constant 0 : i32
        %dma_wait3A_179 = arith.constant 0 : i32
        %dma_wait3A_180 = tpu.memref_slice %arg10[%dma_wait3A_178, %dma_wait3A_179] : memref<10000x128xf32, #tpu.memory_space<vmem_shared>> -> memref<10000x128xf32, #tpu.memory_space<vmem_shared>>
        tpu.wait_indirect_dma semaphore(%run_scoped3A_168 : memref<!tpu.dma_semaphore, #tpu.memory_space<semaphore_mem>>) src(%arg8 : memref<80x128xf32, #tpu.memory_space<vmem>>) dst(%dma_wait3A_180 : memref<10000x128xf32, #tpu.memory_space<vmem_shared>>)
        tpu.yield
      }) : () -> ()
      %add3A_115 = arith.constant 2 : i32
      %add3A_116 = arith.addi %mul3A_90, %add3A_115 : i32
      %mul3A_117 = arith.constant 80 : i32
      %mul3A_118 = arith.muli %add3A_116, %mul3A_117 : i32
      %add3A_119 = arith.constant 0 : i32
      %add3A_120 = arith.addi %mul3A_118, %add3A_119 : i32
      %dma_start3A_121 = arith.constant 0 : i32
      %dma_start3A_122 = arith.constant 0 : i32
      %dma_start3A_123 = tpu.memref_slice %arg8[%dma_start3A_121, %dma_start3A_122] : memref<80x128xf32, #tpu.memory_space<vmem>> -> memref<40x128xf32, #tpu.memory_space<vmem>>
      %dma_start3A_124 = tpu.memref_slice %arg6[%add3A_120] : memref<10000xi32, #tpu.memory_space<vmem>> -> memref<40xi32, #tpu.memory_space<vmem>>
      %dma_start3A_125 = arith.constant 0 : i32
      %dma_start3A_126 = arith.constant 0 : i32
      %dma_start3A_127 = tpu.memref_slice %arg2[%dma_start3A_125, %dma_start3A_126] : memref<10000x128xf32, #tpu.memory_space<hbm>> -> memref<10000x128xf32, #tpu.memory_space<hbm>>
      tpu.enqueue_indirect_dma source(%dma_start3A_127 : memref<10000x128xf32, #tpu.memory_space<hbm>>) target(%dma_start3A_123 : memref<40x128xf32, #tpu.memory_space<vmem>>) offsets(%dma_start3A_124 : memref<40xi32, #tpu.memory_space<vmem>>) semaphore(%arg11 : memref<!tpu.dma_semaphore, #tpu.memory_space<semaphore_mem>>)
      %mul3A_128 = arith.constant 80 : i32
      %mul3A_129 = arith.muli %add3A_116, %mul3A_128 : i32
      %add3A_130 = arith.constant 40 : i32
      %add3A_131 = arith.addi %mul3A_129, %add3A_130 : i32
      %dma_start3A_132 = arith.constant 40 : i32
      %dma_start3A_133 = arith.constant 0 : i32
      %dma_start3A_134 = tpu.memref_slice %arg8[%dma_start3A_132, %dma_start3A_133] : memref<80x128xf32, #tpu.memory_space<vmem>> -> memref<40x128xf32, #tpu.memory_space<vmem>>
      %dma_start3A_135 = tpu.memref_slice %arg6[%add3A_131] : memref<10000xi32, #tpu.memory_space<vmem>> -> memref<40xi32, #tpu.memory_space<vmem>>
      %dma_start3A_136 = arith.constant 0 : i32
      %dma_start3A_137 = arith.constant 0 : i32
      %dma_start3A_138 = tpu.memref_slice %arg2[%dma_start3A_136, %dma_start3A_137] : memref<10000x128xf32, #tpu.memory_space<hbm>> -> memref<10000x128xf32, #tpu.memory_space<hbm>>
      tpu.enqueue_indirect_dma source(%dma_start3A_138 : memref<10000x128xf32, #tpu.memory_space<hbm>>) target(%dma_start3A_134 : memref<40x128xf32, #tpu.memory_space<vmem>>) offsets(%dma_start3A_135 : memref<40xi32, #tpu.memory_space<vmem>>) semaphore(%arg12 : memref<!tpu.dma_semaphore, #tpu.memory_space<semaphore_mem>>)
      %mul3A_139 = arith.constant 80 : i32
      %mul3A_140 = arith.muli %add3A_92, %mul3A_139 : i32
      %add3A_141 = arith.constant 0 : i32
      %add3A_142 = arith.addi %mul3A_140, %add3A_141 : i32
      %dma_wait3A_143 = arith.constant 0 : i32
      %dma_wait3A_144 = arith.constant 0 : i32
      %dma_wait3A_145 = tpu.memref_slice %arg9[%dma_wait3A_143, %dma_wait3A_144] : memref<80x128xf32, #tpu.memory_space<vmem>> -> memref<40x128xf32, #tpu.memory_space<vmem>>
      %dma_wait3A_146 = tpu.memref_slice %arg6[%add3A_142] : memref<10000xi32, #tpu.memory_space<vmem>> -> memref<40xi32, #tpu.memory_space<vmem>>
      %dma_wait3A_147 = arith.constant 0 : i32
      %dma_wait3A_148 = arith.constant 0 : i32
      %dma_wait3A_149 = tpu.memref_slice %arg2[%dma_wait3A_147, %dma_wait3A_148] : memref<10000x128xf32, #tpu.memory_space<hbm>> -> memref<10000x128xf32, #tpu.memory_space<hbm>>
      tpu.wait_indirect_dma semaphore(%arg13 : memref<!tpu.dma_semaphore, #tpu.memory_space<semaphore_mem>>) src(%dma_wait3A_149 : memref<10000x128xf32, #tpu.memory_space<hbm>>) dst(%dma_wait3A_145 : memref<40x128xf32, #tpu.memory_space<vmem>>)
      %mul3A_150 = arith.constant 80 : i32
      %mul3A_151 = arith.muli %add3A_92, %mul3A_150 : i32
      %add3A_152 = arith.constant 40 : i32
      %add3A_153 = arith.addi %mul3A_151, %add3A_152 : i32
      %dma_wait3A_154 = arith.constant 40 : i32
      %dma_wait3A_155 = arith.constant 0 : i32
      %dma_wait3A_156 = tpu.memref_slice %arg9[%dma_wait3A_154, %dma_wait3A_155] : memref<80x128xf32, #tpu.memory_space<vmem>> -> memref<40x128xf32, #tpu.memory_space<vmem>>
      %dma_wait3A_157 = tpu.memref_slice %arg6[%add3A_153] : memref<10000xi32, #tpu.memory_space<vmem>> -> memref<40xi32, #tpu.memory_space<vmem>>
      %dma_wait3A_158 = arith.constant 0 : i32
      %dma_wait3A_159 = arith.constant 0 : i32
      %dma_wait3A_160 = tpu.memref_slice %arg2[%dma_wait3A_158, %dma_wait3A_159] : memref<10000x128xf32, #tpu.memory_space<hbm>> -> memref<10000x128xf32, #tpu.memory_space<hbm>>
      tpu.wait_indirect_dma semaphore(%arg14 : memref<!tpu.dma_semaphore, #tpu.memory_space<semaphore_mem>>) src(%dma_wait3A_160 : memref<10000x128xf32, #tpu.memory_space<hbm>>) dst(%dma_wait3A_156 : memref<40x128xf32, #tpu.memory_space<vmem>>)
      "tpu.region"() ({
        %run_scoped3A_168 = tpu.sem_alloc : memref<!tpu.dma_semaphore, #tpu.memory_space<semaphore_mem>>
        %dma_start3A_169 = arith.constant 0 : i32
        %dma_start3A_170 = tpu.memref_slice %arg7[%add3A_92, %dma_start3A_169] : memref<125x80xi32, #tpu.memory_space<vmem>> -> memref<1x80xi32, #tpu.memory_space<vmem>>
        %dma_start3A_171 = tpu.memref_squeeze %dma_start3A_170 : memref<1x80xi32, #tpu.memory_space<vmem>> -> memref<80xi32, #tpu.memory_space<vmem>>
        %dma_start3A_172 = arith.constant 0 : i32
        %dma_start3A_173 = arith.constant 0 : i32
        %dma_start3A_174 = tpu.memref_slice %arg10[%dma_start3A_172, %dma_start3A_173] : memref<10000x128xf32, #tpu.memory_space<vmem_shared>> -> memref<10000x128xf32, #tpu.memory_space<vmem_shared>>
        tpu.enqueue_indirect_dma source(%arg9 : memref<80x128xf32, #tpu.memory_space<vmem>>) target(%dma_start3A_174 : memref<10000x128xf32, #tpu.memory_space<vmem_shared>>) offsets(%dma_start3A_171 : memref<80xi32, #tpu.memory_space<vmem>>) semaphore(%run_scoped3A_168 : memref<!tpu.dma_semaphore, #tpu.memory_space<semaphore_mem>>) {add = true}
        %dma_wait3A_175 = arith.constant 0 : i32
        %dma_wait3A_176 = tpu.memref_slice %arg7[%add3A_92, %dma_wait3A_175] : memref<125x80xi32, #tpu.memory_space<vmem>> -> memref<1x80xi32, #tpu.memory_space<vmem>>
        %dma_wait3A_177 = tpu.memref_squeeze %dma_wait3A_176 : memref<1x80xi32, #tpu.memory_space<vmem>> -> memref<80xi32, #tpu.memory_space<vmem>>
        %dma_wait3A_178 = arith.constant 0 : i32
        %dma_wait3A_179 = arith.constant 0 : i32
        %dma_wait3A_180 = tpu.memref_slice %arg10[%dma_wait3A_178, %dma_wait3A_179] : memref<10000x128xf32, #tpu.memory_space<vmem_shared>> -> memref<10000x128xf32, #tpu.memory_space<vmem_shared>>
        tpu.wait_indirect_dma semaphore(%run_scoped3A_168 : memref<!tpu.dma_semaphore, #tpu.memory_space<semaphore_mem>>) src(%arg9 : memref<80x128xf32, #tpu.memory_space<vmem>>) dst(%dma_wait3A_180 : memref<10000x128xf32, #tpu.memory_space<vmem_shared>>)
        tpu.yield
      }) : () -> ()
      %add3A_161 = arith.constant 2 : i32
      %add3A_162 = arith.addi %add3A_92, %add3A_161 : i32
      %lt3A = arith.constant 125 : i32
      %lt3A_163 = arith.cmpi slt, %add3A_162, %lt3A : i32
      %convert_element_type3A_164 = arith.extui %lt3A_163 : i1 to i32
      %cond3A_165 = arith.constant 0 : i32
      %cond3A_166 = arith.cmpi ne, %convert_element_type3A_164, %cond3A_165 : i32
      scf.if %cond3A_166 {
        %add3A_168 = arith.constant 2 : i32
        %add3A_169 = arith.addi %add3A_92, %add3A_168 : i32
        %mul3A_170 = arith.constant 80 : i32
        %mul3A_171 = arith.muli %add3A_169, %mul3A_170 : i32
        %add3A_172 = arith.constant 0 : i32
        %add3A_173 = arith.addi %mul3A_171, %add3A_172 : i32
        %dma_start3A_174 = arith.constant 0 : i32
        %dma_start3A_175 = arith.constant 0 : i32
        %dma_start3A_176 = tpu.memref_slice %arg9[%dma_start3A_174, %dma_start3A_175] : memref<80x128xf32, #tpu.memory_space<vmem>> -> memref<40x128xf32, #tpu.memory_space<vmem>>
        %dma_start3A_177 = tpu.memref_slice %arg6[%add3A_173] : memref<10000xi32, #tpu.memory_space<vmem>> -> memref<40xi32, #tpu.memory_space<vmem>>
        %dma_start3A_178 = arith.constant 0 : i32
        %dma_start3A_179 = arith.constant 0 : i32
        %dma_start3A_180 = tpu.memref_slice %arg2[%dma_start3A_178, %dma_start3A_179] : memref<10000x128xf32, #tpu.memory_space<hbm>> -> memref<10000x128xf32, #tpu.memory_space<hbm>>
        tpu.enqueue_indirect_dma source(%dma_start3A_180 : memref<10000x128xf32, #tpu.memory_space<hbm>>) target(%dma_start3A_176 : memref<40x128xf32, #tpu.memory_space<vmem>>) offsets(%dma_start3A_177 : memref<40xi32, #tpu.memory_space<vmem>>) semaphore(%arg13 : memref<!tpu.dma_semaphore, #tpu.memory_space<semaphore_mem>>)
        %mul3A_181 = arith.constant 80 : i32
        %mul3A_182 = arith.muli %add3A_169, %mul3A_181 : i32
        %add3A_183 = arith.constant 40 : i32
        %add3A_184 = arith.addi %mul3A_182, %add3A_183 : i32
        %dma_start3A_185 = arith.constant 40 : i32
        %dma_start3A_186 = arith.constant 0 : i32
        %dma_start3A_187 = tpu.memref_slice %arg9[%dma_start3A_185, %dma_start3A_186] : memref<80x128xf32, #tpu.memory_space<vmem>> -> memref<40x128xf32, #tpu.memory_space<vmem>>
        %dma_start3A_188 = tpu.memref_slice %arg6[%add3A_184] : memref<10000xi32, #tpu.memory_space<vmem>> -> memref<40xi32, #tpu.memory_space<vmem>>
        %dma_start3A_189 = arith.constant 0 : i32
        %dma_start3A_190 = arith.constant 0 : i32
        %dma_start3A_191 = tpu.memref_slice %arg2[%dma_start3A_189, %dma_start3A_190] : memref<10000x128xf32, #tpu.memory_space<hbm>> -> memref<10000x128xf32, #tpu.memory_space<hbm>>
        tpu.enqueue_indirect_dma source(%dma_start3A_191 : memref<10000x128xf32, #tpu.memory_space<hbm>>) target(%dma_start3A_187 : memref<40x128xf32, #tpu.memory_space<vmem>>) offsets(%dma_start3A_188 : memref<40xi32, #tpu.memory_space<vmem>>) semaphore(%arg14 : memref<!tpu.dma_semaphore, #tpu.memory_space<semaphore_mem>>)
      } else {
      }
      %scan3A_167 = arith.constant 0 : i32
      scf.yield %scan3A_167 : i32
    }
    %scan3A_58 = arith.constant 62 : i32
    %dma_wait3A = arith.constant 0 : i32
    %dma_wait3A_59 = arith.constant 0 : i32
    %dma_wait3A_60 = tpu.memref_slice %arg8[%dma_wait3A, %dma_wait3A_59] : memref<80x128xf32, #tpu.memory_space<vmem>> -> memref<40x128xf32, #tpu.memory_space<vmem>>
    %dma_wait3A_61 = arith.constant 9920 : i32
    %dma_wait3A_62 = tpu.memref_slice %arg6[%dma_wait3A_61] : memref<10000xi32, #tpu.memory_space<vmem>> -> memref<40xi32, #tpu.memory_space<vmem>>
    %dma_wait3A_63 = arith.constant 0 : i32
    %dma_wait3A_64 = arith.constant 0 : i32
    %dma_wait3A_65 = tpu.memref_slice %arg2[%dma_wait3A_63, %dma_wait3A_64] : memref<10000x128xf32, #tpu.memory_space<hbm>> -> memref<10000x128xf32, #tpu.memory_space<hbm>>
    tpu.wait_indirect_dma semaphore(%arg11 : memref<!tpu.dma_semaphore, #tpu.memory_space<semaphore_mem>>) src(%dma_wait3A_65 : memref<10000x128xf32, #tpu.memory_space<hbm>>) dst(%dma_wait3A_60 : memref<40x128xf32, #tpu.memory_space<vmem>>)
    %dma_wait3A_66 = arith.constant 40 : i32
    %dma_wait3A_67 = arith.constant 0 : i32
    %dma_wait3A_68 = tpu.memref_slice %arg8[%dma_wait3A_66, %dma_wait3A_67] : memref<80x128xf32, #tpu.memory_space<vmem>> -> memref<40x128xf32, #tpu.memory_space<vmem>>
    %dma_wait3A_69 = arith.constant 9960 : i32
    %dma_wait3A_70 = tpu.memref_slice %arg6[%dma_wait3A_69] : memref<10000xi32, #tpu.memory_space<vmem>> -> memref<40xi32, #tpu.memory_space<vmem>>
    %dma_wait3A_71 = arith.constant 0 : i32
    %dma_wait3A_72 = arith.constant 0 : i32
    %dma_wait3A_73 = tpu.memref_slice %arg2[%dma_wait3A_71, %dma_wait3A_72] : memref<10000x128xf32, #tpu.memory_space<hbm>> -> memref<10000x128xf32, #tpu.memory_space<hbm>>
    tpu.wait_indirect_dma semaphore(%arg12 : memref<!tpu.dma_semaphore, #tpu.memory_space<semaphore_mem>>) src(%dma_wait3A_73 : memref<10000x128xf32, #tpu.memory_space<hbm>>) dst(%dma_wait3A_68 : memref<40x128xf32, #tpu.memory_space<vmem>>)
    %run_scoped3A = arith.constant 124 : i32
    "tpu.region"() ({
      %run_scoped3A_87 = tpu.sem_alloc : memref<!tpu.dma_semaphore, #tpu.memory_space<semaphore_mem>>
      %dma_start3A_88 = arith.constant 0 : i32
      %dma_start3A_89 = tpu.memref_slice %arg7[%run_scoped3A, %dma_start3A_88] : memref<125x80xi32, #tpu.memory_space<vmem>> -> memref<1x80xi32, #tpu.memory_space<vmem>>
      %dma_start3A_90 = tpu.memref_squeeze %dma_start3A_89 : memref<1x80xi32, #tpu.memory_space<vmem>> -> memref<80xi32, #tpu.memory_space<vmem>>
      %dma_start3A_91 = arith.constant 0 : i32
      %dma_start3A_92 = arith.constant 0 : i32
      %dma_start3A_93 = tpu.memref_slice %arg10[%dma_start3A_91, %dma_start3A_92] : memref<10000x128xf32, #tpu.memory_space<vmem_shared>> -> memref<10000x128xf32, #tpu.memory_space<vmem_shared>>
      tpu.enqueue_indirect_dma source(%arg8 : memref<80x128xf32, #tpu.memory_space<vmem>>) target(%dma_start3A_93 : memref<10000x128xf32, #tpu.memory_space<vmem_shared>>) offsets(%dma_start3A_90 : memref<80xi32, #tpu.memory_space<vmem>>) semaphore(%run_scoped3A_87 : memref<!tpu.dma_semaphore, #tpu.memory_space<semaphore_mem>>) {add = true}
      %dma_wait3A_94 = arith.constant 0 : i32
      %dma_wait3A_95 = tpu.memref_slice %arg7[%run_scoped3A, %dma_wait3A_94] : memref<125x80xi32, #tpu.memory_space<vmem>> -> memref<1x80xi32, #tpu.memory_space<vmem>>
      %dma_wait3A_96 = tpu.memref_squeeze %dma_wait3A_95 : memref<1x80xi32, #tpu.memory_space<vmem>> -> memref<80xi32, #tpu.memory_space<vmem>>
      %dma_wait3A_97 = arith.constant 0 : i32
      %dma_wait3A_98 = arith.constant 0 : i32
      %dma_wait3A_99 = tpu.memref_slice %arg10[%dma_wait3A_97, %dma_wait3A_98] : memref<10000x128xf32, #tpu.memory_space<vmem_shared>> -> memref<10000x128xf32, #tpu.memory_space<vmem_shared>>
      tpu.wait_indirect_dma semaphore(%run_scoped3A_87 : memref<!tpu.dma_semaphore, #tpu.memory_space<semaphore_mem>>) src(%arg8 : memref<80x128xf32, #tpu.memory_space<vmem>>) dst(%dma_wait3A_99 : memref<10000x128xf32, #tpu.memory_space<vmem_shared>>)
      tpu.yield
    }) : () -> ()
    %barrier3A_74 = arith.constant 0 : index
    tpu.barrier barrier_id(%barrier3A_74)
    %mul3A_75 = arith.constant 624 : i32
    %mul3A_76 = arith.muli %arg1, %mul3A_75 : i32
    %mul3A_77 = arith.constant 10000 : i32
    %mul3A_78 = arith.muli %arg0, %mul3A_77 : i32
    %mul3A_79 = arith.constant 624 : i32
    %mul3A_80 = arith.muli %arg1, %mul3A_79 : i32
    %add3A_81 = arith.addi %mul3A_78, %mul3A_80 : i32
    "tpu.region"() ({
      %run_scoped3A_87 = tpu.sem_alloc : memref<!tpu.dma_semaphore, #tpu.memory_space<semaphore_mem>>
      %dma_start3A_88 = arith.constant 0 : i32
      %dma_start3A_89 = tpu.memref_slice %arg5[%add3A_81, %dma_start3A_88] : memref<20000x128xf32, #tpu.memory_space<hbm>> -> memref<624x128xf32, #tpu.memory_space<hbm>>
      %dma_start3A_90 = arith.constant 0 : i32
      %dma_start3A_91 = tpu.memref_slice %arg10[%mul3A_76, %dma_start3A_90] : memref<10000x128xf32, #tpu.memory_space<vmem_shared>> -> memref<624x128xf32, #tpu.memory_space<vmem_shared>>
      tpu.enqueue_dma source(%dma_start3A_91 : memref<624x128xf32, #tpu.memory_space<vmem_shared>>) target(%dma_start3A_89 : memref<624x128xf32, #tpu.memory_space<hbm>>) target_semaphore(%run_scoped3A_87 : memref<!tpu.dma_semaphore, #tpu.memory_space<semaphore_mem>>)
      %dma_wait3A_92 = arith.constant 0 : i32
      %dma_wait3A_93 = tpu.memref_slice %arg5[%add3A_81, %dma_wait3A_92] : memref<20000x128xf32, #tpu.memory_space<hbm>> -> memref<624x128xf32, #tpu.memory_space<hbm>>
      %dma_wait3A_94 = arith.constant 0 : i32
      %dma_wait3A_95 = tpu.memref_slice %arg10[%mul3A_76, %dma_wait3A_94] : memref<10000x128xf32, #tpu.memory_space<vmem_shared>> -> memref<624x128xf32, #tpu.memory_space<vmem_shared>>
      tpu.wait_dma2 semaphore(%run_scoped3A_87 : memref<!tpu.dma_semaphore, #tpu.memory_space<semaphore_mem>>) src(%dma_wait3A_95 : memref<624x128xf32, #tpu.memory_space<vmem_shared>>) dst(%dma_wait3A_93 : memref<624x128xf32, #tpu.memory_space<hbm>>)
      tpu.yield
    }) : () -> ()
    %eq3A_82 = arith.constant 15 : i32
    %eq3A_83 = arith.cmpi eq, %arg1, %eq3A_82 : i32
    %convert_element_type3A_84 = arith.extui %eq3A_83 : i1 to i32
    %cond3A_85 = arith.constant 0 : i32
    %cond3A_86 = arith.cmpi ne, %convert_element_type3A_84, %cond3A_85 : i32
    scf.if %cond3A_86 {
      %mul3A_87 = arith.constant 10000 : i32
      %mul3A_88 = arith.muli %arg0, %mul3A_87 : i32
      %add3A_89 = arith.constant 9984 : i32
      %add3A_90 = arith.addi %mul3A_88, %add3A_89 : i32
      "tpu.region"() ({
        %run_scoped3A_91 = tpu.sem_alloc : memref<!tpu.dma_semaphore, #tpu.memory_space<semaphore_mem>>
        %dma_start3A_92 = arith.constant 0 : i32
        %dma_start3A_93 = tpu.memref_slice %arg5[%add3A_90, %dma_start3A_92] : memref<20000x128xf32, #tpu.memory_space<hbm>> -> memref<16x128xf32, #tpu.memory_space<hbm>>
        %dma_start3A_94 = arith.constant 9984 : i32
        %dma_start3A_95 = arith.constant 0 : i32
        %dma_start3A_96 = tpu.memref_slice %arg10[%dma_start3A_94, %dma_start3A_95] : memref<10000x128xf32, #tpu.memory_space<vmem_shared>> -> memref<16x128xf32, #tpu.memory_space<vmem_shared>>
        tpu.enqueue_dma source(%dma_start3A_96 : memref<16x128xf32, #tpu.memory_space<vmem_shared>>) target(%dma_start3A_93 : memref<16x128xf32, #tpu.memory_space<hbm>>) target_semaphore(%run_scoped3A_91 : memref<!tpu.dma_semaphore, #tpu.memory_space<semaphore_mem>>)
        %dma_wait3A_97 = arith.constant 0 : i32
        %dma_wait3A_98 = tpu.memref_slice %arg5[%add3A_90, %dma_wait3A_97] : memref<20000x128xf32, #tpu.memory_space<hbm>> -> memref<16x128xf32, #tpu.memory_space<hbm>>
        %dma_wait3A_99 = arith.constant 9984 : i32
        %dma_wait3A_100 = arith.constant 0 : i32
        %dma_wait3A_101 = tpu.memref_slice %arg10[%dma_wait3A_99, %dma_wait3A_100] : memref<10000x128xf32, #tpu.memory_space<vmem_shared>> -> memref<16x128xf32, #tpu.memory_space<vmem_shared>>
        tpu.wait_dma2 semaphore(%run_scoped3A_91 : memref<!tpu.dma_semaphore, #tpu.memory_space<semaphore_mem>>) src(%dma_wait3A_101 : memref<16x128xf32, #tpu.memory_space<vmem_shared>>) dst(%dma_wait3A_98 : memref<16x128xf32, #tpu.memory_space<hbm>>)
        tpu.yield
      }) : () -> ()
    } else {
    }
    return
  }
}

#map = affine_map<(d0, d1) -> (0, 0)>
#map1 = affine_map<(d0, d1) -> (0, 0, 0)>
module attributes {stable_mosaic.version = 14 : i64} {
  func.func @sc_agg(%arg0: i32, %arg1: i32, %arg2: memref<10000x128xf32, #tpu.memory_space<hbm>>, %arg3: memref<32x10000xi32, #tpu.memory_space<hbm>>, %arg4: memref<32x125x80xi32, #tpu.memory_space<hbm>>, %arg5: memref<20000x128xf32, #tpu.memory_space<hbm>>, %arg6: memref<10000xi32, #tpu.memory_space<vmem>>, %arg7: memref<125x80xi32, #tpu.memory_space<vmem>>, %arg8: memref<80x128xf32, #tpu.memory_space<vmem>>, %arg9: memref<80x128xf32, #tpu.memory_space<vmem>>, %arg10: memref<10000x128xf32, #tpu.memory_space<vmem_shared>>, %arg11: memref<!tpu.dma_semaphore, #tpu.memory_space<semaphore_mem>>, %arg12: memref<!tpu.dma_semaphore, #tpu.memory_space<semaphore_mem>>, %arg13: memref<!tpu.dma_semaphore, #tpu.memory_space<semaphore_mem>>, %arg14: memref<!tpu.dma_semaphore, #tpu.memory_space<semaphore_mem>>) attributes {dimension_semantics = [#tpu.dimension_semantics<core_parallel>, #tpu.dimension_semantics<subcore_parallel>], iteration_bounds = array<i64: 2, 16>, scalar_prefetch = 0 : i64, scratch_operands = 9 : i64, tpu.core_type = #tpu.core_type<sc_vector_subcore>, window_params = [{transform_indices = #map}, {transform_indices = #map}, {transform_indices = #map1}, {transform_indices = #map}]} {
    %mul3A = arith.constant 16 : i32
    %mul3A_0 = arith.muli %arg0, %mul3A : i32
    %add3A = arith.addi %mul3A_0, %arg1 : i32
    "tpu.region"() ({
      %run_scoped3A_87 = tpu.sem_alloc : memref<!tpu.dma_semaphore, #tpu.memory_space<semaphore_mem>>
      %dma_start3A_88 = arith.constant 0 : i32
      %dma_start3A_89 = tpu.memref_slice %arg3[%add3A, %dma_start3A_88] : memref<32x10000xi32, #tpu.memory_space<hbm>> -> memref<1x10000xi32, #tpu.memory_space<hbm>>
      %dma_start3A_90 = tpu.memref_squeeze %dma_start3A_89 : memref<1x10000xi32, #tpu.memory_space<hbm>> -> memref<10000xi32, #tpu.memory_space<hbm>>
      %dma_start3A_91 = arith.constant 0 : i32
      %dma_start3A_92 = tpu.memref_slice %arg3[%add3A, %dma_start3A_91] : memref<32x10000xi32, #tpu.memory_space<hbm>> -> memref<1x10000xi32, #tpu.memory_space<hbm>>
      %dma_start3A_93 = tpu.memref_squeeze %dma_start3A_92 : memref<1x10000xi32, #tpu.memory_space<hbm>> -> memref<10000xi32, #tpu.memory_space<hbm>>
      tpu.enqueue_dma source(%dma_start3A_93 : memref<10000xi32, #tpu.memory_space<hbm>>) target(%arg6 : memref<10000xi32, #tpu.memory_space<vmem>>) target_semaphore(%run_scoped3A_87 : memref<!tpu.dma_semaphore, #tpu.memory_space<semaphore_mem>>)
      %dma_wait3A_94 = arith.constant 0 : i32
      %dma_wait3A_95 = tpu.memref_slice %arg3[%add3A, %dma_wait3A_94] : memref<32x10000xi32, #tpu.memory_space<hbm>> -> memref<1x10000xi32, #tpu.memory_space<hbm>>
      %dma_wait3A_96 = tpu.memref_squeeze %dma_wait3A_95 : memref<1x10000xi32, #tpu.memory_space<hbm>> -> memref<10000xi32, #tpu.memory_space<hbm>>
      %dma_wait3A_97 = arith.constant 0 : i32
      %dma_wait3A_98 = tpu.memref_slice %arg3[%add3A, %dma_wait3A_97] : memref<32x10000xi32, #tpu.memory_space<hbm>> -> memref<1x10000xi32, #tpu.memory_space<hbm>>
      %dma_wait3A_99 = tpu.memref_squeeze %dma_wait3A_98 : memref<1x10000xi32, #tpu.memory_space<hbm>> -> memref<10000xi32, #tpu.memory_space<hbm>>
      tpu.wait_dma2 semaphore(%run_scoped3A_87 : memref<!tpu.dma_semaphore, #tpu.memory_space<semaphore_mem>>) src(%dma_wait3A_99 : memref<10000xi32, #tpu.memory_space<hbm>>) dst(%arg6 : memref<10000xi32, #tpu.memory_space<vmem>>)
      tpu.yield
    }) : () -> ()
    "tpu.region"() ({
      %run_scoped3A_87 = tpu.sem_alloc : memref<!tpu.dma_semaphore, #tpu.memory_space<semaphore_mem>>
      %dma_start3A_88 = arith.constant 0 : i32
      %dma_start3A_89 = arith.constant 0 : i32
      %dma_start3A_90 = tpu.memref_slice %arg4[%add3A, %dma_start3A_88, %dma_start3A_89] : memref<32x125x80xi32, #tpu.memory_space<hbm>> -> memref<1x125x80xi32, #tpu.memory_space<hbm>>
      %dma_start3A_91 = tpu.memref_squeeze %dma_start3A_90 : memref<1x125x80xi32, #tpu.memory_space<hbm>> -> memref<125x80xi32, #tpu.memory_space<hbm>>
      %dma_start3A_92 = arith.constant 0 : i32
      %dma_start3A_93 = arith.constant 0 : i32
      %dma_start3A_94 = tpu.memref_slice %arg4[%add3A, %dma_start3A_92, %dma_start3A_93] : memref<32x125x80xi32, #tpu.memory_space<hbm>> -> memref<1x125x80xi32, #tpu.memory_space<hbm>>
      %dma_start3A_95 = tpu.memref_squeeze %dma_start3A_94 : memref<1x125x80xi32, #tpu.memory_space<hbm>> -> memref<125x80xi32, #tpu.memory_space<hbm>>
      tpu.enqueue_dma source(%dma_start3A_95 : memref<125x80xi32, #tpu.memory_space<hbm>>) target(%arg7 : memref<125x80xi32, #tpu.memory_space<vmem>>) target_semaphore(%run_scoped3A_87 : memref<!tpu.dma_semaphore, #tpu.memory_space<semaphore_mem>>)
      %dma_wait3A_96 = arith.constant 0 : i32
      %dma_wait3A_97 = arith.constant 0 : i32
      %dma_wait3A_98 = tpu.memref_slice %arg4[%add3A, %dma_wait3A_96, %dma_wait3A_97] : memref<32x125x80xi32, #tpu.memory_space<hbm>> -> memref<1x125x80xi32, #tpu.memory_space<hbm>>
      %dma_wait3A_99 = tpu.memref_squeeze %dma_wait3A_98 : memref<1x125x80xi32, #tpu.memory_space<hbm>> -> memref<125x80xi32, #tpu.memory_space<hbm>>
      %dma_wait3A_100 = arith.constant 0 : i32
      %dma_wait3A_101 = arith.constant 0 : i32
      %dma_wait3A_102 = tpu.memref_slice %arg4[%add3A, %dma_wait3A_100, %dma_wait3A_101] : memref<32x125x80xi32, #tpu.memory_space<hbm>> -> memref<1x125x80xi32, #tpu.memory_space<hbm>>
      %dma_wait3A_103 = tpu.memref_squeeze %dma_wait3A_102 : memref<1x125x80xi32, #tpu.memory_space<hbm>> -> memref<125x80xi32, #tpu.memory_space<hbm>>
      tpu.wait_dma2 semaphore(%run_scoped3A_87 : memref<!tpu.dma_semaphore, #tpu.memory_space<semaphore_mem>>) src(%dma_wait3A_103 : memref<125x80xi32, #tpu.memory_space<hbm>>) dst(%arg7 : memref<125x80xi32, #tpu.memory_space<vmem>>)
      tpu.yield
    }) : () -> ()
    %scan3A = arith.constant 0 : i32
    %scan3A_1 = arith.constant 0 : i32
    %scan3A_2 = arith.constant 640 : i32
    %scan3A_3 = arith.addi %scan3A_1, %scan3A_2 : i32
    %scan3A_4 = arith.constant 1 : i32
    %scan3A_5 = scf.for %scan3A_87 = %scan3A_1 to %scan3A_3 step %scan3A_4 iter_args(%scan3A_88 = %scan3A) -> (i32)  : i32 {
      %jit3A = arith.constant 8 : i32
      %div3A = arith.divsi %scan3A_87, %jit3A : i32
      %sign3A = arith.constant 0 : i32
      %sign3A_89 = arith.cmpi sgt, %scan3A_87, %sign3A : i32
      %sign3A_90 = arith.extui %sign3A_89 : i1 to i32
      %sign3A_91 = arith.constant 0 : i32
      %sign3A_92 = arith.cmpi slt, %scan3A_87, %sign3A_91 : i32
      %sign3A_93 = arith.extui %sign3A_92 : i1 to i32
      %sign3A_94 = arith.subi %sign3A_90, %sign3A_93 : i32
      %sign3A_95 = arith.constant 0 : i32
      %sign3A_96 = arith.cmpi sgt, %jit3A, %sign3A_95 : i32
      %sign3A_97 = arith.extui %sign3A_96 : i1 to i32
      %sign3A_98 = arith.constant 0 : i32
      %sign3A_99 = arith.cmpi slt, %jit3A, %sign3A_98 : i32
      %sign3A_100 = arith.extui %sign3A_99 : i1 to i32
      %sign3A_101 = arith.subi %sign3A_97, %sign3A_100 : i32
      %ne3A = arith.cmpi ne, %sign3A_94, %sign3A_101 : i32
      %rem3A = arith.remsi %scan3A_87, %jit3A : i32
      %ne3A_102 = arith.constant 0 : i32
      %ne3A_103 = arith.cmpi ne, %rem3A, %ne3A_102 : i32
      %and3A = arith.andi %ne3A, %ne3A_103 : i1
      %sub3A_104 = arith.constant 1 : i32
      %sub3A_105 = arith.subi %div3A, %sub3A_104 : i32
      %select_n3A = arith.select %and3A, %sub3A_105, %div3A : i32
      %jit3A_106 = arith.constant 8 : i32
      %eq3A_107 = arith.constant 0 : i32
      %eq3A_108 = arith.cmpi eq, %jit3A_106, %eq3A_107 : i32
      %jit3A_109 = arith.constant 1 : i32
      %select_n3A_110 = arith.select %eq3A_108, %jit3A_109, %jit3A_106 : i32
      %rem3A_111 = arith.remsi %scan3A_87, %select_n3A_110 : i32
      %ne3A_112 = arith.constant 0 : i32
      %ne3A_113 = arith.cmpi ne, %rem3A_111, %ne3A_112 : i32
      %lt3A = arith.constant 0 : i32
      %lt3A_114 = arith.cmpi slt, %rem3A_111, %lt3A : i32
      %lt3A_115 = arith.constant 0 : i32
      %lt3A_116 = arith.cmpi slt, %select_n3A_110, %lt3A_115 : i32
      %ne3A_117 = arith.xori %lt3A_114, %lt3A_116 : i1
      %and3A_118 = arith.andi %ne3A_117, %ne3A_113 : i1
      %add3A_119 = arith.addi %rem3A_111, %select_n3A_110 : i32
      %select_n3A_120 = arith.select %and3A_118, %add3A_119, %rem3A_111 : i32
      %broadcast_in_dim3A = arith.constant 0.000000e+00 : f32
      %broadcast_in_dim3A_121 = vector.broadcast %broadcast_in_dim3A : f32 to vector<16xf32>
      %mul3A_122 = arith.constant 16 : i32
      %mul3A_123 = arith.muli %select_n3A_120, %mul3A_122 : i32
      %swap3A = arith.index_cast %select_n3A : i32 to index
      %swap3A_124 = arith.index_cast %mul3A_123 : i32 to index
      %swap3A_125 = tpu.vector_load %arg8[%swap3A, %swap3A_124] {strides = array<i32>} : memref<80x128xf32, #tpu.memory_space<vmem>>, vector<1x16xf32>,
      %swap3A_126 = vector.shape_cast %swap3A_125 : vector<1x16xf32> to vector<16xf32>
      %swap3A_127 = vector.shape_cast %broadcast_in_dim3A_121 : vector<16xf32> to vector<1x16xf32>
      tpu.vector_store %arg8[%swap3A, %swap3A_124], %swap3A_127 {strides = array<i32>} : memref<80x128xf32, #tpu.memory_space<vmem>>, vector<1x16xf32>,
      %scan3A_128 = arith.constant 0 : i32
      scf.yield %scan3A_128 : i32
    }
    %scan3A_6 = arith.constant 640 : i32
    %scan3A_7 = arith.constant 0 : i32
    %scan3A_8 = arith.constant 0 : i32
    %scan3A_9 = arith.constant 7 : i32
    %scan3A_10 = arith.addi %scan3A_8, %scan3A_9 : i32
    %scan3A_11 = arith.constant 1 : i32
    %scan3A_12 = scf.for %scan3A_87 = %scan3A_8 to %scan3A_10 step %scan3A_11 iter_args(%scan3A_88 = %scan3A_7) -> (i32)  : i32 {
      %mul3A_89 = arith.constant 624 : i32
      %mul3A_90 = arith.muli %arg1, %mul3A_89 : i32
      %mul3A_91 = arith.constant 80 : i32
      %mul3A_92 = arith.muli %scan3A_87, %mul3A_91 : i32
      %add3A_93 = arith.addi %mul3A_90, %mul3A_92 : i32
      "tpu.region"() ({
        %run_scoped3A_95 = tpu.sem_alloc : memref<!tpu.dma_semaphore, #tpu.memory_space<semaphore_mem>>
        %dma_start3A_96 = arith.constant 0 : i32
        %dma_start3A_97 = tpu.memref_slice %arg10[%add3A_93, %dma_start3A_96] : memref<10000x128xf32, #tpu.memory_space<vmem_shared>> -> memref<80x128xf32, #tpu.memory_space<vmem_shared>>
        %dma_start3A_98 = arith.constant 0 : i32
        %dma_start3A_99 = tpu.memref_slice %arg10[%add3A_93, %dma_start3A_98] : memref<10000x128xf32, #tpu.memory_space<vmem_shared>> -> memref<80x128xf32, #tpu.memory_space<vmem_shared>>
        tpu.enqueue_dma source(%arg8 : memref<80x128xf32, #tpu.memory_space<vmem>>) target(%dma_start3A_99 : memref<80x128xf32, #tpu.memory_space<vmem_shared>>) target_semaphore(%run_scoped3A_95 : memref<!tpu.dma_semaphore, #tpu.memory_space<semaphore_mem>>)
        %dma_wait3A_100 = arith.constant 0 : i32
        %dma_wait3A_101 = tpu.memref_slice %arg10[%add3A_93, %dma_wait3A_100] : memref<10000x128xf32, #tpu.memory_space<vmem_shared>> -> memref<80x128xf32, #tpu.memory_space<vmem_shared>>
        %dma_wait3A_102 = arith.constant 0 : i32
        %dma_wait3A_103 = tpu.memref_slice %arg10[%add3A_93, %dma_wait3A_102] : memref<10000x128xf32, #tpu.memory_space<vmem_shared>> -> memref<80x128xf32, #tpu.memory_space<vmem_shared>>
        tpu.wait_dma2 semaphore(%run_scoped3A_95 : memref<!tpu.dma_semaphore, #tpu.memory_space<semaphore_mem>>) src(%arg8 : memref<80x128xf32, #tpu.memory_space<vmem>>) dst(%dma_wait3A_103 : memref<80x128xf32, #tpu.memory_space<vmem_shared>>)
        tpu.yield
      }) : () -> ()
      %scan3A_94 = arith.constant 0 : i32
      scf.yield %scan3A_94 : i32
    }
    %scan3A_13 = arith.constant 7 : i32
    %mul3A_14 = arith.constant 624 : i32
    %mul3A_15 = arith.muli %arg1, %mul3A_14 : i32
    %add3A_16 = arith.constant 624 : i32
    %add3A_17 = arith.addi %mul3A_15, %add3A_16 : i32
    %sub3A = arith.constant 64 : i32
    %sub3A_18 = arith.subi %add3A_17, %sub3A : i32
    "tpu.region"() ({
      %run_scoped3A_87 = tpu.sem_alloc : memref<!tpu.dma_semaphore, #tpu.memory_space<semaphore_mem>>
      %dma_start3A_88 = arith.constant 0 : i32
      %dma_start3A_89 = arith.constant 0 : i32
      %dma_start3A_90 = tpu.memref_slice %arg8[%dma_start3A_88, %dma_start3A_89] : memref<80x128xf32, #tpu.memory_space<vmem>> -> memref<64x128xf32, #tpu.memory_space<vmem>>
      %dma_start3A_91 = arith.constant 0 : i32
      %dma_start3A_92 = tpu.memref_slice %arg10[%sub3A_18, %dma_start3A_91] : memref<10000x128xf32, #tpu.memory_space<vmem_shared>> -> memref<64x128xf32, #tpu.memory_space<vmem_shared>>
      %dma_start3A_93 = arith.constant 0 : i32
      %dma_start3A_94 = tpu.memref_slice %arg10[%sub3A_18, %dma_start3A_93] : memref<10000x128xf32, #tpu.memory_space<vmem_shared>> -> memref<64x128xf32, #tpu.memory_space<vmem_shared>>
      %dma_start3A_95 = arith.constant 0 : i32
      %dma_start3A_96 = arith.constant 0 : i32
      %dma_start3A_97 = tpu.memref_slice %arg8[%dma_start3A_95, %dma_start3A_96] : memref<80x128xf32, #tpu.memory_space<vmem>> -> memref<64x128xf32, #tpu.memory_space<vmem>>
      tpu.enqueue_dma source(%dma_start3A_97 : memref<64x128xf32, #tpu.memory_space<vmem>>) target(%dma_start3A_94 : memref<64x128xf32, #tpu.memory_space<vmem_shared>>) target_semaphore(%run_scoped3A_87 : memref<!tpu.dma_semaphore, #tpu.memory_space<semaphore_mem>>)
      %dma_wait3A_98 = arith.constant 0 : i32
      %dma_wait3A_99 = arith.constant 0 : i32
      %dma_wait3A_100 = tpu.memref_slice %arg8[%dma_wait3A_98, %dma_wait3A_99] : memref<80x128xf32, #tpu.memory_space<vmem>> -> memref<64x128xf32, #tpu.memory_space<vmem>>
      %dma_wait3A_101 = arith.constant 0 : i32
      %dma_wait3A_102 = tpu.memref_slice %arg10[%sub3A_18, %dma_wait3A_101] : memref<10000x128xf32, #tpu.memory_space<vmem_shared>> -> memref<64x128xf32, #tpu.memory_space<vmem_shared>>
      %dma_wait3A_103 = arith.constant 0 : i32
      %dma_wait3A_104 = tpu.memref_slice %arg10[%sub3A_18, %dma_wait3A_103] : memref<10000x128xf32, #tpu.memory_space<vmem_shared>> -> memref<64x128xf32, #tpu.memory_space<vmem_shared>>
      %dma_wait3A_105 = arith.constant 0 : i32
      %dma_wait3A_106 = arith.constant 0 : i32
      %dma_wait3A_107 = tpu.memref_slice %arg8[%dma_wait3A_105, %dma_wait3A_106] : memref<80x128xf32, #tpu.memory_space<vmem>> -> memref<64x128xf32, #tpu.memory_space<vmem>>
      tpu.wait_dma2 semaphore(%run_scoped3A_87 : memref<!tpu.dma_semaphore, #tpu.memory_space<semaphore_mem>>) src(%dma_wait3A_107 : memref<64x128xf32, #tpu.memory_space<vmem>>) dst(%dma_wait3A_104 : memref<64x128xf32, #tpu.memory_space<vmem_shared>>)
      tpu.yield
    }) : () -> ()
    %eq3A = arith.constant 15 : i32
    %eq3A_19 = arith.cmpi eq, %arg1, %eq3A : i32
    %convert_element_type3A = arith.extui %eq3A_19 : i1 to i32
    %cond3A = arith.constant 0 : i32
    %cond3A_20 = arith.cmpi ne, %convert_element_type3A, %cond3A : i32
    scf.if %cond3A_20 {
      "tpu.region"() ({
        %run_scoped3A_87 = tpu.sem_alloc : memref<!tpu.dma_semaphore, #tpu.memory_space<semaphore_mem>>
        %dma_start3A_88 = arith.constant 0 : i32
        %dma_start3A_89 = arith.constant 0 : i32
        %dma_start3A_90 = tpu.memref_slice %arg8[%dma_start3A_88, %dma_start3A_89] : memref<80x128xf32, #tpu.memory_space<vmem>> -> memref<16x128xf32, #tpu.memory_space<vmem>>
        %dma_start3A_91 = arith.constant 9984 : i32
        %dma_start3A_92 = arith.constant 0 : i32
        %dma_start3A_93 = tpu.memref_slice %arg10[%dma_start3A_91, %dma_start3A_92] : memref<10000x128xf32, #tpu.memory_space<vmem_shared>> -> memref<16x128xf32, #tpu.memory_space<vmem_shared>>
        %dma_start3A_94 = arith.constant 9984 : i32
        %dma_start3A_95 = arith.constant 0 : i32
        %dma_start3A_96 = tpu.memref_slice %arg10[%dma_start3A_94, %dma_start3A_95] : memref<10000x128xf32, #tpu.memory_space<vmem_shared>> -> memref<16x128xf32, #tpu.memory_space<vmem_shared>>
        %dma_start3A_97 = arith.constant 0 : i32
        %dma_start3A_98 = arith.constant 0 : i32
        %dma_start3A_99 = tpu.memref_slice %arg8[%dma_start3A_97, %dma_start3A_98] : memref<80x128xf32, #tpu.memory_space<vmem>> -> memref<16x128xf32, #tpu.memory_space<vmem>>
        tpu.enqueue_dma source(%dma_start3A_99 : memref<16x128xf32, #tpu.memory_space<vmem>>) target(%dma_start3A_96 : memref<16x128xf32, #tpu.memory_space<vmem_shared>>) target_semaphore(%run_scoped3A_87 : memref<!tpu.dma_semaphore, #tpu.memory_space<semaphore_mem>>)
        %dma_wait3A_100 = arith.constant 0 : i32
        %dma_wait3A_101 = arith.constant 0 : i32
        %dma_wait3A_102 = tpu.memref_slice %arg8[%dma_wait3A_100, %dma_wait3A_101] : memref<80x128xf32, #tpu.memory_space<vmem>> -> memref<16x128xf32, #tpu.memory_space<vmem>>
        %dma_wait3A_103 = arith.constant 9984 : i32
        %dma_wait3A_104 = arith.constant 0 : i32
        %dma_wait3A_105 = tpu.memref_slice %arg10[%dma_wait3A_103, %dma_wait3A_104] : memref<10000x128xf32, #tpu.memory_space<vmem_shared>> -> memref<16x128xf32, #tpu.memory_space<vmem_shared>>
        %dma_wait3A_106 = arith.constant 9984 : i32
        %dma_wait3A_107 = arith.constant 0 : i32
        %dma_wait3A_108 = tpu.memref_slice %arg10[%dma_wait3A_106, %dma_wait3A_107] : memref<10000x128xf32, #tpu.memory_space<vmem_shared>> -> memref<16x128xf32, #tpu.memory_space<vmem_shared>>
        %dma_wait3A_109 = arith.constant 0 : i32
        %dma_wait3A_110 = arith.constant 0 : i32
        %dma_wait3A_111 = tpu.memref_slice %arg8[%dma_wait3A_109, %dma_wait3A_110] : memref<80x128xf32, #tpu.memory_space<vmem>> -> memref<16x128xf32, #tpu.memory_space<vmem>>
        tpu.wait_dma2 semaphore(%run_scoped3A_87 : memref<!tpu.dma_semaphore, #tpu.memory_space<semaphore_mem>>) src(%dma_wait3A_111 : memref<16x128xf32, #tpu.memory_space<vmem>>) dst(%dma_wait3A_108 : memref<16x128xf32, #tpu.memory_space<vmem_shared>>)
        tpu.yield
      }) : () -> ()
    } else {
    }
    %barrier3A = arith.constant 0 : index
    tpu.barrier barrier_id(%barrier3A)
    %dma_start3A = arith.constant 0 : i32
    %dma_start3A_21 = arith.constant 0 : i32
    %dma_start3A_22 = tpu.memref_slice %arg8[%dma_start3A, %dma_start3A_21] : memref<80x128xf32, #tpu.memory_space<vmem>> -> memref<40x128xf32, #tpu.memory_space<vmem>>
    %dma_start3A_23 = arith.constant 0 : i32
    %dma_start3A_24 = tpu.memref_slice %arg6[%dma_start3A_23] : memref<10000xi32, #tpu.memory_space<vmem>> -> memref<40xi32, #tpu.memory_space<vmem>>
    %dma_start3A_25 = arith.constant 0 : i32
    %dma_start3A_26 = arith.constant 0 : i32
    %dma_start3A_27 = tpu.memref_slice %arg2[%dma_start3A_25, %dma_start3A_26] : memref<10000x128xf32, #tpu.memory_space<hbm>> -> memref<10000x128xf32, #tpu.memory_space<hbm>>
    tpu.enqueue_indirect_dma source(%dma_start3A_27 : memref<10000x128xf32, #tpu.memory_space<hbm>>) target(%dma_start3A_22 : memref<40x128xf32, #tpu.memory_space<vmem>>) offsets(%dma_start3A_24 : memref<40xi32, #tpu.memory_space<vmem>>) semaphore(%arg11 : memref<!tpu.dma_semaphore, #tpu.memory_space<semaphore_mem>>)
    %dma_start3A_28 = arith.constant 40 : i32
    %dma_start3A_29 = arith.constant 0 : i32
    %dma_start3A_30 = tpu.memref_slice %arg8[%dma_start3A_28, %dma_start3A_29] : memref<80x128xf32, #tpu.memory_space<vmem>> -> memref<40x128xf32, #tpu.memory_space<vmem>>
    %dma_start3A_31 = arith.constant 40 : i32
    %dma_start3A_32 = tpu.memref_slice %arg6[%dma_start3A_31] : memref<10000xi32, #tpu.memory_space<vmem>> -> memref<40xi32, #tpu.memory_space<vmem>>
    %dma_start3A_33 = arith.constant 0 : i32
    %dma_start3A_34 = arith.constant 0 : i32
    %dma_start3A_35 = tpu.memref_slice %arg2[%dma_start3A_33, %dma_start3A_34] : memref<10000x128xf32, #tpu.memory_space<hbm>> -> memref<10000x128xf32, #tpu.memory_space<hbm>>
    tpu.enqueue_indirect_dma source(%dma_start3A_35 : memref<10000x128xf32, #tpu.memory_space<hbm>>) target(%dma_start3A_30 : memref<40x128xf32, #tpu.memory_space<vmem>>) offsets(%dma_start3A_32 : memref<40xi32, #tpu.memory_space<vmem>>) semaphore(%arg12 : memref<!tpu.dma_semaphore, #tpu.memory_space<semaphore_mem>>)
    %dma_start3A_36 = arith.constant 0 : i32
    %dma_start3A_37 = arith.constant 0 : i32
    %dma_start3A_38 = tpu.memref_slice %arg9[%dma_start3A_36, %dma_start3A_37] : memref<80x128xf32, #tpu.memory_space<vmem>> -> memref<40x128xf32, #tpu.memory_space<vmem>>
    %dma_start3A_39 = arith.constant 80 : i32
    %dma_start3A_40 = tpu.memref_slice %arg6[%dma_start3A_39] : memref<10000xi32, #tpu.memory_space<vmem>> -> memref<40xi32, #tpu.memory_space<vmem>>
    %dma_start3A_41 = arith.constant 0 : i32
    %dma_start3A_42 = arith.constant 0 : i32
    %dma_start3A_43 = tpu.memref_slice %arg2[%dma_start3A_41, %dma_start3A_42] : memref<10000x128xf32, #tpu.memory_space<hbm>> -> memref<10000x128xf32, #tpu.memory_space<hbm>>
    tpu.enqueue_indirect_dma source(%dma_start3A_43 : memref<10000x128xf32, #tpu.memory_space<hbm>>) target(%dma_start3A_38 : memref<40x128xf32, #tpu.memory_space<vmem>>) offsets(%dma_start3A_40 : memref<40xi32, #tpu.memory_space<vmem>>) semaphore(%arg13 : memref<!tpu.dma_semaphore, #tpu.memory_space<semaphore_mem>>)
    %dma_start3A_44 = arith.constant 40 : i32
    %dma_start3A_45 = arith.constant 0 : i32
    %dma_start3A_46 = tpu.memref_slice %arg9[%dma_start3A_44, %dma_start3A_45] : memref<80x128xf32, #tpu.memory_space<vmem>> -> memref<40x128xf32, #tpu.memory_space<vmem>>
    %dma_start3A_47 = arith.constant 120 : i32
    %dma_start3A_48 = tpu.memref_slice %arg6[%dma_start3A_47] : memref<10000xi32, #tpu.memory_space<vmem>> -> memref<40xi32, #tpu.memory_space<vmem>>
    %dma_start3A_49 = arith.constant 0 : i32
    %dma_start3A_50 = arith.constant 0 : i32
    %dma_start3A_51 = tpu.memref_slice %arg2[%dma_start3A_49, %dma_start3A_50] : memref<10000x128xf32, #tpu.memory_space<hbm>> -> memref<10000x128xf32, #tpu.memory_space<hbm>>
    tpu.enqueue_indirect_dma source(%dma_start3A_51 : memref<10000x128xf32, #tpu.memory_space<hbm>>) target(%dma_start3A_46 : memref<40x128xf32, #tpu.memory_space<vmem>>) offsets(%dma_start3A_48 : memref<40xi32, #tpu.memory_space<vmem>>) semaphore(%arg14 : memref<!tpu.dma_semaphore, #tpu.memory_space<semaphore_mem>>)
    %scan3A_52 = arith.constant 0 : i32
    %scan3A_53 = arith.constant 0 : i32
    %scan3A_54 = arith.constant 62 : i32
    %scan3A_55 = arith.addi %scan3A_53, %scan3A_54 : i32
    %scan3A_56 = arith.constant 1 : i32
    %scan3A_57 = scf.for %scan3A_87 = %scan3A_53 to %scan3A_55 step %scan3A_56 iter_args(%scan3A_88 = %scan3A_52) -> (i32)  : i32 {
      %mul3A_89 = arith.constant 2 : i32
      %mul3A_90 = arith.muli %mul3A_89, %scan3A_87 : i32
      %add3A_91 = arith.constant 1 : i32
      %add3A_92 = arith.addi %mul3A_90, %add3A_91 : i32
      %mul3A_93 = arith.constant 80 : i32
      %mul3A_94 = arith.muli %mul3A_90, %mul3A_93 : i32
      %add3A_95 = arith.constant 0 : i32
      %add3A_96 = arith.addi %mul3A_94, %add3A_95 : i32
      %dma_wait3A_97 = arith.constant 0 : i32
      %dma_wait3A_98 = arith.constant 0 : i32
      %dma_wait3A_99 = tpu.memref_slice %arg8[%dma_wait3A_97, %dma_wait3A_98] : memref<80x128xf32, #tpu.memory_space<vmem>> -> memref<40x128xf32, #tpu.memory_space<vmem>>
      %dma_wait3A_100 = tpu.memref_slice %arg6[%add3A_96] : memref<10000xi32, #tpu.memory_space<vmem>> -> memref<40xi32, #tpu.memory_space<vmem>>
      %dma_wait3A_101 = arith.constant 0 : i32
      %dma_wait3A_102 = arith.constant 0 : i32
      %dma_wait3A_103 = tpu.memref_slice %arg2[%dma_wait3A_101, %dma_wait3A_102] : memref<10000x128xf32, #tpu.memory_space<hbm>> -> memref<10000x128xf32, #tpu.memory_space<hbm>>
      tpu.wait_indirect_dma semaphore(%arg11 : memref<!tpu.dma_semaphore, #tpu.memory_space<semaphore_mem>>) src(%dma_wait3A_103 : memref<10000x128xf32, #tpu.memory_space<hbm>>) dst(%dma_wait3A_99 : memref<40x128xf32, #tpu.memory_space<vmem>>)
      %mul3A_104 = arith.constant 80 : i32
      %mul3A_105 = arith.muli %mul3A_90, %mul3A_104 : i32
      %add3A_106 = arith.constant 40 : i32
      %add3A_107 = arith.addi %mul3A_105, %add3A_106 : i32
      %dma_wait3A_108 = arith.constant 40 : i32
      %dma_wait3A_109 = arith.constant 0 : i32
      %dma_wait3A_110 = tpu.memref_slice %arg8[%dma_wait3A_108, %dma_wait3A_109] : memref<80x128xf32, #tpu.memory_space<vmem>> -> memref<40x128xf32, #tpu.memory_space<vmem>>
      %dma_wait3A_111 = tpu.memref_slice %arg6[%add3A_107] : memref<10000xi32, #tpu.memory_space<vmem>> -> memref<40xi32, #tpu.memory_space<vmem>>
      %dma_wait3A_112 = arith.constant 0 : i32
      %dma_wait3A_113 = arith.constant 0 : i32
      %dma_wait3A_114 = tpu.memref_slice %arg2[%dma_wait3A_112, %dma_wait3A_113] : memref<10000x128xf32, #tpu.memory_space<hbm>> -> memref<10000x128xf32, #tpu.memory_space<hbm>>
      tpu.wait_indirect_dma semaphore(%arg12 : memref<!tpu.dma_semaphore, #tpu.memory_space<semaphore_mem>>) src(%dma_wait3A_114 : memref<10000x128xf32, #tpu.memory_space<hbm>>) dst(%dma_wait3A_110 : memref<40x128xf32, #tpu.memory_space<vmem>>)
      "tpu.region"() ({
        %run_scoped3A_168 = tpu.sem_alloc : memref<!tpu.dma_semaphore, #tpu.memory_space<semaphore_mem>>
        %dma_start3A_169 = arith.constant 0 : i32
        %dma_start3A_170 = tpu.memref_slice %arg7[%mul3A_90, %dma_start3A_169] : memref<125x80xi32, #tpu.memory_space<vmem>> -> memref<1x80xi32, #tpu.memory_space<vmem>>
        %dma_start3A_171 = tpu.memref_squeeze %dma_start3A_170 : memref<1x80xi32, #tpu.memory_space<vmem>> -> memref<80xi32, #tpu.memory_space<vmem>>
        %dma_start3A_172 = arith.constant 0 : i32
        %dma_start3A_173 = arith.constant 0 : i32
        %dma_start3A_174 = tpu.memref_slice %arg10[%dma_start3A_172, %dma_start3A_173] : memref<10000x128xf32, #tpu.memory_space<vmem_shared>> -> memref<10000x128xf32, #tpu.memory_space<vmem_shared>>
        tpu.enqueue_indirect_dma source(%arg8 : memref<80x128xf32, #tpu.memory_space<vmem>>) target(%dma_start3A_174 : memref<10000x128xf32, #tpu.memory_space<vmem_shared>>) offsets(%dma_start3A_171 : memref<80xi32, #tpu.memory_space<vmem>>) semaphore(%run_scoped3A_168 : memref<!tpu.dma_semaphore, #tpu.memory_space<semaphore_mem>>) {add = true}
        %dma_wait3A_175 = arith.constant 0 : i32
        %dma_wait3A_176 = tpu.memref_slice %arg7[%mul3A_90, %dma_wait3A_175] : memref<125x80xi32, #tpu.memory_space<vmem>> -> memref<1x80xi32, #tpu.memory_space<vmem>>
        %dma_wait3A_177 = tpu.memref_squeeze %dma_wait3A_176 : memref<1x80xi32, #tpu.memory_space<vmem>> -> memref<80xi32, #tpu.memory_space<vmem>>
        %dma_wait3A_178 = arith.constant 0 : i32
        %dma_wait3A_179 = arith.constant 0 : i32
        %dma_wait3A_180 = tpu.memref_slice %arg10[%dma_wait3A_178, %dma_wait3A_179] : memref<10000x128xf32, #tpu.memory_space<vmem_shared>> -> memref<10000x128xf32, #tpu.memory_space<vmem_shared>>
        tpu.wait_indirect_dma semaphore(%run_scoped3A_168 : memref<!tpu.dma_semaphore, #tpu.memory_space<semaphore_mem>>) src(%arg8 : memref<80x128xf32, #tpu.memory_space<vmem>>) dst(%dma_wait3A_180 : memref<10000x128xf32, #tpu.memory_space<vmem_shared>>)
        tpu.yield
      }) : () -> ()
      %add3A_115 = arith.constant 2 : i32
      %add3A_116 = arith.addi %mul3A_90, %add3A_115 : i32
      %mul3A_117 = arith.constant 80 : i32
      %mul3A_118 = arith.muli %add3A_116, %mul3A_117 : i32
      %add3A_119 = arith.constant 0 : i32
      %add3A_120 = arith.addi %mul3A_118, %add3A_119 : i32
      %dma_start3A_121 = arith.constant 0 : i32
      %dma_start3A_122 = arith.constant 0 : i32
      %dma_start3A_123 = tpu.memref_slice %arg8[%dma_start3A_121, %dma_start3A_122] : memref<80x128xf32, #tpu.memory_space<vmem>> -> memref<40x128xf32, #tpu.memory_space<vmem>>
      %dma_start3A_124 = tpu.memref_slice %arg6[%add3A_120] : memref<10000xi32, #tpu.memory_space<vmem>> -> memref<40xi32, #tpu.memory_space<vmem>>
      %dma_start3A_125 = arith.constant 0 : i32
      %dma_start3A_126 = arith.constant 0 : i32
      %dma_start3A_127 = tpu.memref_slice %arg2[%dma_start3A_125, %dma_start3A_126] : memref<10000x128xf32, #tpu.memory_space<hbm>> -> memref<10000x128xf32, #tpu.memory_space<hbm>>
      tpu.enqueue_indirect_dma source(%dma_start3A_127 : memref<10000x128xf32, #tpu.memory_space<hbm>>) target(%dma_start3A_123 : memref<40x128xf32, #tpu.memory_space<vmem>>) offsets(%dma_start3A_124 : memref<40xi32, #tpu.memory_space<vmem>>) semaphore(%arg11 : memref<!tpu.dma_semaphore, #tpu.memory_space<semaphore_mem>>)
      %mul3A_128 = arith.constant 80 : i32
      %mul3A_129 = arith.muli %add3A_116, %mul3A_128 : i32
      %add3A_130 = arith.constant 40 : i32
      %add3A_131 = arith.addi %mul3A_129, %add3A_130 : i32
      %dma_start3A_132 = arith.constant 40 : i32
      %dma_start3A_133 = arith.constant 0 : i32
      %dma_start3A_134 = tpu.memref_slice %arg8[%dma_start3A_132, %dma_start3A_133] : memref<80x128xf32, #tpu.memory_space<vmem>> -> memref<40x128xf32, #tpu.memory_space<vmem>>
      %dma_start3A_135 = tpu.memref_slice %arg6[%add3A_131] : memref<10000xi32, #tpu.memory_space<vmem>> -> memref<40xi32, #tpu.memory_space<vmem>>
      %dma_start3A_136 = arith.constant 0 : i32
      %dma_start3A_137 = arith.constant 0 : i32
      %dma_start3A_138 = tpu.memref_slice %arg2[%dma_start3A_136, %dma_start3A_137] : memref<10000x128xf32, #tpu.memory_space<hbm>> -> memref<10000x128xf32, #tpu.memory_space<hbm>>
      tpu.enqueue_indirect_dma source(%dma_start3A_138 : memref<10000x128xf32, #tpu.memory_space<hbm>>) target(%dma_start3A_134 : memref<40x128xf32, #tpu.memory_space<vmem>>) offsets(%dma_start3A_135 : memref<40xi32, #tpu.memory_space<vmem>>) semaphore(%arg12 : memref<!tpu.dma_semaphore, #tpu.memory_space<semaphore_mem>>)
      %mul3A_139 = arith.constant 80 : i32
      %mul3A_140 = arith.muli %add3A_92, %mul3A_139 : i32
      %add3A_141 = arith.constant 0 : i32
      %add3A_142 = arith.addi %mul3A_140, %add3A_141 : i32
      %dma_wait3A_143 = arith.constant 0 : i32
      %dma_wait3A_144 = arith.constant 0 : i32
      %dma_wait3A_145 = tpu.memref_slice %arg9[%dma_wait3A_143, %dma_wait3A_144] : memref<80x128xf32, #tpu.memory_space<vmem>> -> memref<40x128xf32, #tpu.memory_space<vmem>>
      %dma_wait3A_146 = tpu.memref_slice %arg6[%add3A_142] : memref<10000xi32, #tpu.memory_space<vmem>> -> memref<40xi32, #tpu.memory_space<vmem>>
      %dma_wait3A_147 = arith.constant 0 : i32
      %dma_wait3A_148 = arith.constant 0 : i32
      %dma_wait3A_149 = tpu.memref_slice %arg2[%dma_wait3A_147, %dma_wait3A_148] : memref<10000x128xf32, #tpu.memory_space<hbm>> -> memref<10000x128xf32, #tpu.memory_space<hbm>>
      tpu.wait_indirect_dma semaphore(%arg13 : memref<!tpu.dma_semaphore, #tpu.memory_space<semaphore_mem>>) src(%dma_wait3A_149 : memref<10000x128xf32, #tpu.memory_space<hbm>>) dst(%dma_wait3A_145 : memref<40x128xf32, #tpu.memory_space<vmem>>)
      %mul3A_150 = arith.constant 80 : i32
      %mul3A_151 = arith.muli %add3A_92, %mul3A_150 : i32
      %add3A_152 = arith.constant 40 : i32
      %add3A_153 = arith.addi %mul3A_151, %add3A_152 : i32
      %dma_wait3A_154 = arith.constant 40 : i32
      %dma_wait3A_155 = arith.constant 0 : i32
      %dma_wait3A_156 = tpu.memref_slice %arg9[%dma_wait3A_154, %dma_wait3A_155] : memref<80x128xf32, #tpu.memory_space<vmem>> -> memref<40x128xf32, #tpu.memory_space<vmem>>
      %dma_wait3A_157 = tpu.memref_slice %arg6[%add3A_153] : memref<10000xi32, #tpu.memory_space<vmem>> -> memref<40xi32, #tpu.memory_space<vmem>>
      %dma_wait3A_158 = arith.constant 0 : i32
      %dma_wait3A_159 = arith.constant 0 : i32
      %dma_wait3A_160 = tpu.memref_slice %arg2[%dma_wait3A_158, %dma_wait3A_159] : memref<10000x128xf32, #tpu.memory_space<hbm>> -> memref<10000x128xf32, #tpu.memory_space<hbm>>
      tpu.wait_indirect_dma semaphore(%arg14 : memref<!tpu.dma_semaphore, #tpu.memory_space<semaphore_mem>>) src(%dma_wait3A_160 : memref<10000x128xf32, #tpu.memory_space<hbm>>) dst(%dma_wait3A_156 : memref<40x128xf32, #tpu.memory_space<vmem>>)
      "tpu.region"() ({
        %run_scoped3A_168 = tpu.sem_alloc : memref<!tpu.dma_semaphore, #tpu.memory_space<semaphore_mem>>
        %dma_start3A_169 = arith.constant 0 : i32
        %dma_start3A_170 = tpu.memref_slice %arg7[%add3A_92, %dma_start3A_169] : memref<125x80xi32, #tpu.memory_space<vmem>> -> memref<1x80xi32, #tpu.memory_space<vmem>>
        %dma_start3A_171 = tpu.memref_squeeze %dma_start3A_170 : memref<1x80xi32, #tpu.memory_space<vmem>> -> memref<80xi32, #tpu.memory_space<vmem>>
        %dma_start3A_172 = arith.constant 0 : i32
        %dma_start3A_173 = arith.constant 0 : i32
        %dma_start3A_174 = tpu.memref_slice %arg10[%dma_start3A_172, %dma_start3A_173] : memref<10000x128xf32, #tpu.memory_space<vmem_shared>> -> memref<10000x128xf32, #tpu.memory_space<vmem_shared>>
        tpu.enqueue_indirect_dma source(%arg9 : memref<80x128xf32, #tpu.memory_space<vmem>>) target(%dma_start3A_174 : memref<10000x128xf32, #tpu.memory_space<vmem_shared>>) offsets(%dma_start3A_171 : memref<80xi32, #tpu.memory_space<vmem>>) semaphore(%run_scoped3A_168 : memref<!tpu.dma_semaphore, #tpu.memory_space<semaphore_mem>>) {add = true}
        %dma_wait3A_175 = arith.constant 0 : i32
        %dma_wait3A_176 = tpu.memref_slice %arg7[%add3A_92, %dma_wait3A_175] : memref<125x80xi32, #tpu.memory_space<vmem>> -> memref<1x80xi32, #tpu.memory_space<vmem>>
        %dma_wait3A_177 = tpu.memref_squeeze %dma_wait3A_176 : memref<1x80xi32, #tpu.memory_space<vmem>> -> memref<80xi32, #tpu.memory_space<vmem>>
        %dma_wait3A_178 = arith.constant 0 : i32
        %dma_wait3A_179 = arith.constant 0 : i32
        %dma_wait3A_180 = tpu.memref_slice %arg10[%dma_wait3A_178, %dma_wait3A_179] : memref<10000x128xf32, #tpu.memory_space<vmem_shared>> -> memref<10000x128xf32, #tpu.memory_space<vmem_shared>>
        tpu.wait_indirect_dma semaphore(%run_scoped3A_168 : memref<!tpu.dma_semaphore, #tpu.memory_space<semaphore_mem>>) src(%arg9 : memref<80x128xf32, #tpu.memory_space<vmem>>) dst(%dma_wait3A_180 : memref<10000x128xf32, #tpu.memory_space<vmem_shared>>)
        tpu.yield
      }) : () -> ()
      %add3A_161 = arith.constant 2 : i32
      %add3A_162 = arith.addi %add3A_92, %add3A_161 : i32
      %lt3A = arith.constant 125 : i32
      %lt3A_163 = arith.cmpi slt, %add3A_162, %lt3A : i32
      %convert_element_type3A_164 = arith.extui %lt3A_163 : i1 to i32
      %cond3A_165 = arith.constant 0 : i32
      %cond3A_166 = arith.cmpi ne, %convert_element_type3A_164, %cond3A_165 : i32
      scf.if %cond3A_166 {
        %add3A_168 = arith.constant 2 : i32
        %add3A_169 = arith.addi %add3A_92, %add3A_168 : i32
        %mul3A_170 = arith.constant 80 : i32
        %mul3A_171 = arith.muli %add3A_169, %mul3A_170 : i32
        %add3A_172 = arith.constant 0 : i32
        %add3A_173 = arith.addi %mul3A_171, %add3A_172 : i32
        %dma_start3A_174 = arith.constant 0 : i32
        %dma_start3A_175 = arith.constant 0 : i32
        %dma_start3A_176 = tpu.memref_slice %arg9[%dma_start3A_174, %dma_start3A_175] : memref<80x128xf32, #tpu.memory_space<vmem>> -> memref<40x128xf32, #tpu.memory_space<vmem>>
        %dma_start3A_177 = tpu.memref_slice %arg6[%add3A_173] : memref<10000xi32, #tpu.memory_space<vmem>> -> memref<40xi32, #tpu.memory_space<vmem>>
        %dma_start3A_178 = arith.constant 0 : i32
        %dma_start3A_179 = arith.constant 0 : i32
        %dma_start3A_180 = tpu.memref_slice %arg2[%dma_start3A_178, %dma_start3A_179] : memref<10000x128xf32, #tpu.memory_space<hbm>> -> memref<10000x128xf32, #tpu.memory_space<hbm>>
        tpu.enqueue_indirect_dma source(%dma_start3A_180 : memref<10000x128xf32, #tpu.memory_space<hbm>>) target(%dma_start3A_176 : memref<40x128xf32, #tpu.memory_space<vmem>>) offsets(%dma_start3A_177 : memref<40xi32, #tpu.memory_space<vmem>>) semaphore(%arg13 : memref<!tpu.dma_semaphore, #tpu.memory_space<semaphore_mem>>)
        %mul3A_181 = arith.constant 80 : i32
        %mul3A_182 = arith.muli %add3A_169, %mul3A_181 : i32
        %add3A_183 = arith.constant 40 : i32
        %add3A_184 = arith.addi %mul3A_182, %add3A_183 : i32
        %dma_start3A_185 = arith.constant 40 : i32
        %dma_start3A_186 = arith.constant 0 : i32
        %dma_start3A_187 = tpu.memref_slice %arg9[%dma_start3A_185, %dma_start3A_186] : memref<80x128xf32, #tpu.memory_space<vmem>> -> memref<40x128xf32, #tpu.memory_space<vmem>>
        %dma_start3A_188 = tpu.memref_slice %arg6[%add3A_184] : memref<10000xi32, #tpu.memory_space<vmem>> -> memref<40xi32, #tpu.memory_space<vmem>>
        %dma_start3A_189 = arith.constant 0 : i32
        %dma_start3A_190 = arith.constant 0 : i32
        %dma_start3A_191 = tpu.memref_slice %arg2[%dma_start3A_189, %dma_start3A_190] : memref<10000x128xf32, #tpu.memory_space<hbm>> -> memref<10000x128xf32, #tpu.memory_space<hbm>>
        tpu.enqueue_indirect_dma source(%dma_start3A_191 : memref<10000x128xf32, #tpu.memory_space<hbm>>) target(%dma_start3A_187 : memref<40x128xf32, #tpu.memory_space<vmem>>) offsets(%dma_start3A_188 : memref<40xi32, #tpu.memory_space<vmem>>) semaphore(%arg14 : memref<!tpu.dma_semaphore, #tpu.memory_space<semaphore_mem>>)
      } else {
      }
      %scan3A_167 = arith.constant 0 : i32
      scf.yield %scan3A_167 : i32
    }
    %scan3A_58 = arith.constant 62 : i32
    %dma_wait3A = arith.constant 0 : i32
    %dma_wait3A_59 = arith.constant 0 : i32
    %dma_wait3A_60 = tpu.memref_slice %arg8[%dma_wait3A, %dma_wait3A_59] : memref<80x128xf32, #tpu.memory_space<vmem>> -> memref<40x128xf32, #tpu.memory_space<vmem>>
    %dma_wait3A_61 = arith.constant 9920 : i32
    %dma_wait3A_62 = tpu.memref_slice %arg6[%dma_wait3A_61] : memref<10000xi32, #tpu.memory_space<vmem>> -> memref<40xi32, #tpu.memory_space<vmem>>
    %dma_wait3A_63 = arith.constant 0 : i32
    %dma_wait3A_64 = arith.constant 0 : i32
    %dma_wait3A_65 = tpu.memref_slice %arg2[%dma_wait3A_63, %dma_wait3A_64] : memref<10000x128xf32, #tpu.memory_space<hbm>> -> memref<10000x128xf32, #tpu.memory_space<hbm>>
    tpu.wait_indirect_dma semaphore(%arg11 : memref<!tpu.dma_semaphore, #tpu.memory_space<semaphore_mem>>) src(%dma_wait3A_65 : memref<10000x128xf32, #tpu.memory_space<hbm>>) dst(%dma_wait3A_60 : memref<40x128xf32, #tpu.memory_space<vmem>>)
    %dma_wait3A_66 = arith.constant 40 : i32
    %dma_wait3A_67 = arith.constant 0 : i32
    %dma_wait3A_68 = tpu.memref_slice %arg8[%dma_wait3A_66, %dma_wait3A_67] : memref<80x128xf32, #tpu.memory_space<vmem>> -> memref<40x128xf32, #tpu.memory_space<vmem>>
    %dma_wait3A_69 = arith.constant 9960 : i32
    %dma_wait3A_70 = tpu.memref_slice %arg6[%dma_wait3A_69] : memref<10000xi32, #tpu.memory_space<vmem>> -> memref<40xi32, #tpu.memory_space<vmem>>
    %dma_wait3A_71 = arith.constant 0 : i32
    %dma_wait3A_72 = arith.constant 0 : i32
    %dma_wait3A_73 = tpu.memref_slice %arg2[%dma_wait3A_71, %dma_wait3A_72] : memref<10000x128xf32, #tpu.memory_space<hbm>> -> memref<10000x128xf32, #tpu.memory_space<hbm>>
    tpu.wait_indirect_dma semaphore(%arg12 : memref<!tpu.dma_semaphore, #tpu.memory_space<semaphore_mem>>) src(%dma_wait3A_73 : memref<10000x128xf32, #tpu.memory_space<hbm>>) dst(%dma_wait3A_68 : memref<40x128xf32, #tpu.memory_space<vmem>>)
    %run_scoped3A = arith.constant 124 : i32
    "tpu.region"() ({
      %run_scoped3A_87 = tpu.sem_alloc : memref<!tpu.dma_semaphore, #tpu.memory_space<semaphore_mem>>
      %dma_start3A_88 = arith.constant 0 : i32
      %dma_start3A_89 = tpu.memref_slice %arg7[%run_scoped3A, %dma_start3A_88] : memref<125x80xi32, #tpu.memory_space<vmem>> -> memref<1x80xi32, #tpu.memory_space<vmem>>
      %dma_start3A_90 = tpu.memref_squeeze %dma_start3A_89 : memref<1x80xi32, #tpu.memory_space<vmem>> -> memref<80xi32, #tpu.memory_space<vmem>>
      %dma_start3A_91 = arith.constant 0 : i32
      %dma_start3A_92 = arith.constant 0 : i32
      %dma_start3A_93 = tpu.memref_slice %arg10[%dma_start3A_91, %dma_start3A_92] : memref<10000x128xf32, #tpu.memory_space<vmem_shared>> -> memref<10000x128xf32, #tpu.memory_space<vmem_shared>>
      tpu.enqueue_indirect_dma source(%arg8 : memref<80x128xf32, #tpu.memory_space<vmem>>) target(%dma_start3A_93 : memref<10000x128xf32, #tpu.memory_space<vmem_shared>>) offsets(%dma_start3A_90 : memref<80xi32, #tpu.memory_space<vmem>>) semaphore(%run_scoped3A_87 : memref<!tpu.dma_semaphore, #tpu.memory_space<semaphore_mem>>) {add = true}
      %dma_wait3A_94 = arith.constant 0 : i32
      %dma_wait3A_95 = tpu.memref_slice %arg7[%run_scoped3A, %dma_wait3A_94] : memref<125x80xi32, #tpu.memory_space<vmem>> -> memref<1x80xi32, #tpu.memory_space<vmem>>
      %dma_wait3A_96 = tpu.memref_squeeze %dma_wait3A_95 : memref<1x80xi32, #tpu.memory_space<vmem>> -> memref<80xi32, #tpu.memory_space<vmem>>
      %dma_wait3A_97 = arith.constant 0 : i32
      %dma_wait3A_98 = arith.constant 0 : i32
      %dma_wait3A_99 = tpu.memref_slice %arg10[%dma_wait3A_97, %dma_wait3A_98] : memref<10000x128xf32, #tpu.memory_space<vmem_shared>> -> memref<10000x128xf32, #tpu.memory_space<vmem_shared>>
      tpu.wait_indirect_dma semaphore(%run_scoped3A_87 : memref<!tpu.dma_semaphore, #tpu.memory_space<semaphore_mem>>) src(%arg8 : memref<80x128xf32, #tpu.memory_space<vmem>>) dst(%dma_wait3A_99 : memref<10000x128xf32, #tpu.memory_space<vmem_shared>>)
      tpu.yield
    }) : () -> ()
    %barrier3A_74 = arith.constant 0 : index
    tpu.barrier barrier_id(%barrier3A_74)
    %mul3A_75 = arith.constant 624 : i32
    %mul3A_76 = arith.muli %arg1, %mul3A_75 : i32
    %mul3A_77 = arith.constant 10000 : i32
    %mul3A_78 = arith.muli %arg0, %mul3A_77 : i32
    %mul3A_79 = arith.constant 624 : i32
    %mul3A_80 = arith.muli %arg1, %mul3A_79 : i32
    %add3A_81 = arith.addi %mul3A_78, %mul3A_80 : i32
    "tpu.region"() ({
      %run_scoped3A_87 = tpu.sem_alloc : memref<!tpu.dma_semaphore, #tpu.memory_space<semaphore_mem>>
      %dma_start3A_88 = arith.constant 0 : i32
      %dma_start3A_89 = tpu.memref_slice %arg5[%add3A_81, %dma_start3A_88] : memref<20000x128xf32, #tpu.memory_space<hbm>> -> memref<624x128xf32, #tpu.memory_space<hbm>>
      %dma_start3A_90 = arith.constant 0 : i32
      %dma_start3A_91 = tpu.memref_slice %arg10[%mul3A_76, %dma_start3A_90] : memref<10000x128xf32, #tpu.memory_space<vmem_shared>> -> memref<624x128xf32, #tpu.memory_space<vmem_shared>>
      tpu.enqueue_dma source(%dma_start3A_91 : memref<624x128xf32, #tpu.memory_space<vmem_shared>>) target(%dma_start3A_89 : memref<624x128xf32, #tpu.memory_space<hbm>>) target_semaphore(%run_scoped3A_87 : memref<!tpu.dma_semaphore, #tpu.memory_space<semaphore_mem>>)
      %dma_wait3A_92 = arith.constant 0 : i32
      %dma_wait3A_93 = tpu.memref_slice %arg5[%add3A_81, %dma_wait3A_92] : memref<20000x128xf32, #tpu.memory_space<hbm>> -> memref<624x128xf32, #tpu.memory_space<hbm>>
      %dma_wait3A_94 = arith.constant 0 : i32
      %dma_wait3A_95 = tpu.memref_slice %arg10[%mul3A_76, %dma_wait3A_94] : memref<10000x128xf32, #tpu.memory_space<vmem_shared>> -> memref<624x128xf32, #tpu.memory_space<vmem_shared>>
      tpu.wait_dma2 semaphore(%run_scoped3A_87 : memref<!tpu.dma_semaphore, #tpu.memory_space<semaphore_mem>>) src(%dma_wait3A_95 : memref<624x128xf32, #tpu.memory_space<vmem_shared>>) dst(%dma_wait3A_93 : memref<624x128xf32, #tpu.memory_space<hbm>>)
      tpu.yield
    }) : () -> ()
    %eq3A_82 = arith.constant 15 : i32
    %eq3A_83 = arith.cmpi eq, %arg1, %eq3A_82 : i32
    %convert_element_type3A_84 = arith.extui %eq3A_83 : i1 to i32
    %cond3A_85 = arith.constant 0 : i32
    %cond3A_86 = arith.cmpi ne, %convert_element_type3A_84, %cond3A_85 : i32
    scf.if %cond3A_86 {
      %mul3A_87 = arith.constant 10000 : i32
      %mul3A_88 = arith.muli %arg0, %mul3A_87 : i32
      %add3A_89 = arith.constant 9984 : i32
      %add3A_90 = arith.addi %mul3A_88, %add3A_89 : i32
      "tpu.region"() ({
        %run_scoped3A_91 = tpu.sem_alloc : memref<!tpu.dma_semaphore, #tpu.memory_space<semaphore_mem>>
        %dma_start3A_92 = arith.constant 0 : i32
        %dma_start3A_93 = tpu.memref_slice %arg5[%add3A_90, %dma_start3A_92] : memref<20000x128xf32, #tpu.memory_space<hbm>> -> memref<16x128xf32, #tpu.memory_space<hbm>>
        %dma_start3A_94 = arith.constant 9984 : i32
        %dma_start3A_95 = arith.constant 0 : i32
        %dma_start3A_96 = tpu.memref_slice %arg10[%dma_start3A_94, %dma_start3A_95] : memref<10000x128xf32, #tpu.memory_space<vmem_shared>> -> memref<16x128xf32, #tpu.memory_space<vmem_shared>>
        tpu.enqueue_dma source(%dma_start3A_96 : memref<16x128xf32, #tpu.memory_space<vmem_shared>>) target(%dma_start3A_93 : memref<16x128xf32, #tpu.memory_space<hbm>>) target_semaphore(%run_scoped3A_91 : memref<!tpu.dma_semaphore, #tpu.memory_space<semaphore_mem>>)
        %dma_wait3A_97 = arith.constant 0 : i32
        %dma_wait3A_98 = tpu.memref_slice %arg5[%add3A_90, %dma_wait3A_97] : memref<20000x128xf32, #tpu.memory_space<hbm>> -> memref<16x128xf32, #tpu.memory_space<hbm>>
        %dma_wait3A_99 = arith.constant 9984 : i32
        %dma_wait3A_100 = arith.constant 0 : i32
        %dma_wait3A_101 = tpu.memref_slice %arg10[%dma_wait3A_99, %dma_wait3A_100] : memref<10000x128xf32, #tpu.memory_space<vmem_shared>> -> memref<16x128xf32, #tpu.memory_space<vmem_shared>>
        tpu.wait_dma2 semaphore(%run_scoped3A_91 : memref<!tpu.dma_semaphore, #tpu.memory_space<semaphore_mem>>) src(%dma_wait3A_101 : memref<16x128xf32, #tpu.memory_space<vmem_shared>>) dst(%dma_wait3A_98 : memref<16x128xf32, #tpu.memory_space<hbm>>)
        tpu.yield
      }) : () -> ()
    } else {
    }
    return
  }
}

module attributes {stable_mosaic.version = 14 : i64} {
  func.func @_first_body(%arg0: i32, %arg1: memref<2000x128xf32, #tpu.memory_space<vmem>>, %arg2: memref<128x128xf32, #tpu.memory_space<vmem>>, %arg3: memref<2000x1xf32, #tpu.memory_space<vmem>>, %arg4: memref<2000x128xf32, #tpu.memory_space<vmem>>) attributes {dimension_semantics = [#tpu.dimension_semantics<arbitrary>], iteration_bounds = array<i64: 5>, scalar_prefetch = 0 : i64, scratch_operands = 0 : i64, tpu.core_type = #tpu.core_type<tc>, window_params = [{transform_indices = @transform_0, window_bounds = array<i64: 2000, 128>}, {pipeline_mode = #tpu.pipeline_mode<synchronous>, transform_indices = @transform_1, window_bounds = array<i64: 128, 128>}, {transform_indices = @transform_2, window_bounds = array<i64: 2000, 1>}, {transform_indices = @transform_3, window_bounds = array<i64: 2000, 128>}]} {
    %get3A = arith.constant 0 : index
    %get3A_0 = arith.constant 0 : index
    %get3A_1 = vector.load %arg1[%get3A, %get3A_0] : memref<2000x128xf32, #tpu.memory_space<vmem>>, vector<2000x128xf32>
    %get3A_2 = arith.constant 0 : index
    %get3A_3 = arith.constant 0 : index
    %get3A_4 = vector.load %arg2[%get3A_2, %get3A_3] : memref<128x128xf32, #tpu.memory_space<vmem>>, vector<128x128xf32>
    %dot_general3A = arith.constant dense<0.000000e+00> : vector<2000x128xf32>
    %dot_general3A_5 = tpu.matmul %get3A_1, %get3A_4, %dot_general3A {dimension_numbers = #tpu.dot_dimension_numbers<[1], [0], [0], [1], [0, 0, 1, 1], [], []>, transpose_lhs_hint = false} : vector<2000x128xf32>, vector<128x128xf32>, vector<2000x128xf32> -> vector<2000x128xf32>
    %get3A_6 = arith.constant 0 : index
    %get3A_7 = arith.constant 0 : index
    %get3A_8 = vector.load %arg3[%get3A_6, %get3A_7] : memref<2000x1xf32, #tpu.memory_space<vmem>>, vector<2000x1xf32>
    %mul3A = vector.broadcast %get3A_8 : vector<2000x1xf32> to vector<2000x128xf32>
    %mul3A_9 = arith.mulf %dot_general3A_5, %mul3A : vector<2000x128xf32>
    %swap3A = arith.constant 0 : index
    %swap3A_10 = arith.constant 0 : index
    %swap3A_11 = vector.load %arg4[%swap3A, %swap3A_10] : memref<2000x128xf32, #tpu.memory_space<vmem>>, vector<2000x128xf32>
    tpu.vector_store %arg4[%swap3A, %swap3A_10], %mul3A_9 {strides = array<i32>} : memref<2000x128xf32, #tpu.memory_space<vmem>>, vector<2000x128xf32>,
    return
  }
  func.func @transform_0(%arg0: i32) -> (i32, i32) {
    %c0_i32 = arith.constant 0 : i32
    %c0_i32_0 = arith.constant 0 : i32
    return %arg0, %c0_i32 : i32, i32
  }
  func.func @transform_1(%arg0: i32) -> (i32, i32) {
    %c0_i32 = arith.constant 0 : i32
    %c0_i32_0 = arith.constant 0 : i32
    %c0_i32_1 = arith.constant 0 : i32
    return %c0_i32, %c0_i32_0 : i32, i32
  }
  func.func @transform_2(%arg0: i32) -> (i32, i32) {
    %c0_i32 = arith.constant 0 : i32
    %c0_i32_0 = arith.constant 0 : i32
    return %arg0, %c0_i32 : i32, i32
  }
  func.func @transform_3(%arg0: i32) -> (i32, i32) {
    %c0_i32 = arith.constant 0 : i32
    %c0_i32_0 = arith.constant 0 : i32
    return %arg0, %c0_i32 : i32, i32
  }
}

module attributes {stable_mosaic.version = 14 : i64} {
  func.func @_mid_body(%arg0: i32, %arg1: memref<2x2000x128xf32, #tpu.memory_space<vmem>>, %arg2: memref<128x128xf32, #tpu.memory_space<vmem>>, %arg3: memref<2000x1xf32, #tpu.memory_space<vmem>>, %arg4: memref<2000x128xf32, #tpu.memory_space<vmem>>) attributes {dimension_semantics = [#tpu.dimension_semantics<arbitrary>], iteration_bounds = array<i64: 5>, scalar_prefetch = 0 : i64, scratch_operands = 0 : i64, tpu.core_type = #tpu.core_type<tc>, window_params = [{transform_indices = @transform_0, window_bounds = array<i64: 2, 2000, 128>}, {pipeline_mode = #tpu.pipeline_mode<synchronous>, transform_indices = @transform_1, window_bounds = array<i64: 128, 128>}, {transform_indices = @transform_2, window_bounds = array<i64: 2000, 1>}, {transform_indices = @transform_3, window_bounds = array<i64: 2000, 128>}]} {
    %get3A = arith.constant 0 : index
    %get3A_0 = arith.constant 0 : index
    %get3A_1 = vector.load %arg3[%get3A, %get3A_0] : memref<2000x1xf32, #tpu.memory_space<vmem>>, vector<2000x1xf32>
    %get3A_2 = arith.constant 0 : index
    %get3A_3 = arith.constant 0 : index
    %get3A_4 = arith.constant 0 : index
    %get3A_5 = vector.load %arg1[%get3A_2, %get3A_3, %get3A_4] : memref<2x2000x128xf32, #tpu.memory_space<vmem>>, vector<1x2000x128xf32>
    %get3A_6 = vector.shape_cast %get3A_5 : vector<1x2000x128xf32> to vector<2000x128xf32>
    %get3A_7 = arith.constant 1 : index
    %get3A_8 = arith.constant 0 : index
    %get3A_9 = arith.constant 0 : index
    %get3A_10 = vector.load %arg1[%get3A_7, %get3A_8, %get3A_9] : memref<2x2000x128xf32, #tpu.memory_space<vmem>>, vector<1x2000x128xf32>
    %get3A_11 = vector.shape_cast %get3A_10 : vector<1x2000x128xf32> to vector<2000x128xf32>
    %add3A = arith.addf %get3A_6, %get3A_11 : vector<2000x128xf32>
    %mul3A = vector.broadcast %get3A_1 : vector<2000x1xf32> to vector<2000x128xf32>
    %mul3A_12 = arith.mulf %add3A, %mul3A : vector<2000x128xf32>
    %max3A = arith.constant 0.000000e+00 : f32
    %max3A_13 = vector.broadcast %max3A : f32 to vector<2000x128xf32>
    %max3A_14 = arith.maximumf %mul3A_12, %max3A_13 : vector<2000x128xf32>
    %get3A_15 = arith.constant 0 : index
    %get3A_16 = arith.constant 0 : index
    %get3A_17 = vector.load %arg2[%get3A_15, %get3A_16] : memref<128x128xf32, #tpu.memory_space<vmem>>, vector<128x128xf32>
    %dot_general3A = arith.constant dense<0.000000e+00> : vector<2000x128xf32>
    %dot_general3A_18 = tpu.matmul %max3A_14, %get3A_17, %dot_general3A {dimension_numbers = #tpu.dot_dimension_numbers<[1], [0], [0], [1], [0, 0, 1, 1], [], []>, transpose_lhs_hint = false} : vector<2000x128xf32>, vector<128x128xf32>, vector<2000x128xf32> -> vector<2000x128xf32>
    %mul3A_19 = vector.broadcast %get3A_1 : vector<2000x1xf32> to vector<2000x128xf32>
    %mul3A_20 = arith.mulf %dot_general3A_18, %mul3A_19 : vector<2000x128xf32>
    %swap3A = arith.constant 0 : index
    %swap3A_21 = arith.constant 0 : index
    %swap3A_22 = vector.load %arg4[%swap3A, %swap3A_21] : memref<2000x128xf32, #tpu.memory_space<vmem>>, vector<2000x128xf32>
    tpu.vector_store %arg4[%swap3A, %swap3A_21], %mul3A_20 {strides = array<i32>} : memref<2000x128xf32, #tpu.memory_space<vmem>>, vector<2000x128xf32>,
    return
  }
  func.func @transform_0(%arg0: i32) -> (i32, i32, i32) {
    %c0_i32 = arith.constant 0 : i32
    %c0_i32_0 = arith.constant 0 : i32
    %c0_i32_1 = arith.constant 0 : i32
    return %c0_i32, %arg0, %c0_i32_0 : i32, i32, i32
  }
  func.func @transform_1(%arg0: i32) -> (i32, i32) {
    %c0_i32 = arith.constant 0 : i32
    %c0_i32_0 = arith.constant 0 : i32
    %c0_i32_1 = arith.constant 0 : i32
    return %c0_i32, %c0_i32_0 : i32, i32
  }
  func.func @transform_2(%arg0: i32) -> (i32, i32) {
    %c0_i32 = arith.constant 0 : i32
    %c0_i32_0 = arith.constant 0 : i32
    return %arg0, %c0_i32 : i32, i32
  }
  func.func @transform_3(%arg0: i32) -> (i32, i32) {
    %c0_i32 = arith.constant 0 : i32
    %c0_i32_0 = arith.constant 0 : i32
    return %arg0, %c0_i32 : i32, i32
  }
}

module attributes {stable_mosaic.version = 14 : i64} {
  func.func @_pre3_body(%arg0: i32, %arg1: memref<2x2000x128xf32, #tpu.memory_space<vmem>>, %arg2: memref<2000x1xf32, #tpu.memory_space<vmem>>, %arg3: memref<2000x128xf32, #tpu.memory_space<vmem>>) attributes {dimension_semantics = [#tpu.dimension_semantics<arbitrary>], iteration_bounds = array<i64: 5>, scalar_prefetch = 0 : i64, scratch_operands = 0 : i64, tpu.core_type = #tpu.core_type<tc>, window_params = [{transform_indices = @transform_0, window_bounds = array<i64: 2, 2000, 128>}, {transform_indices = @transform_1, window_bounds = array<i64: 2000, 1>}, {transform_indices = @transform_2, window_bounds = array<i64: 2000, 128>}]} {
    %get3A = arith.constant 0 : index
    %get3A_0 = arith.constant 0 : index
    %get3A_1 = vector.load %arg2[%get3A, %get3A_0] : memref<2000x1xf32, #tpu.memory_space<vmem>>, vector<2000x1xf32>
    %get3A_2 = arith.constant 0 : index
    %get3A_3 = arith.constant 0 : index
    %get3A_4 = arith.constant 0 : index
    %get3A_5 = vector.load %arg1[%get3A_2, %get3A_3, %get3A_4] : memref<2x2000x128xf32, #tpu.memory_space<vmem>>, vector<1x2000x128xf32>
    %get3A_6 = vector.shape_cast %get3A_5 : vector<1x2000x128xf32> to vector<2000x128xf32>
    %get3A_7 = arith.constant 1 : index
    %get3A_8 = arith.constant 0 : index
    %get3A_9 = arith.constant 0 : index
    %get3A_10 = vector.load %arg1[%get3A_7, %get3A_8, %get3A_9] : memref<2x2000x128xf32, #tpu.memory_space<vmem>>, vector<1x2000x128xf32>
    %get3A_11 = vector.shape_cast %get3A_10 : vector<1x2000x128xf32> to vector<2000x128xf32>
    %add3A = arith.addf %get3A_6, %get3A_11 : vector<2000x128xf32>
    %mul3A = vector.broadcast %get3A_1 : vector<2000x1xf32> to vector<2000x128xf32>
    %mul3A_12 = arith.mulf %add3A, %mul3A : vector<2000x128xf32>
    %max3A = arith.constant 0.000000e+00 : f32
    %max3A_13 = vector.broadcast %max3A : f32 to vector<2000x128xf32>
    %max3A_14 = arith.maximumf %mul3A_12, %max3A_13 : vector<2000x128xf32>
    %mul3A_15 = vector.broadcast %get3A_1 : vector<2000x1xf32> to vector<2000x128xf32>
    %mul3A_16 = arith.mulf %max3A_14, %mul3A_15 : vector<2000x128xf32>
    %swap3A = arith.constant 0 : index
    %swap3A_17 = arith.constant 0 : index
    %swap3A_18 = vector.load %arg3[%swap3A, %swap3A_17] : memref<2000x128xf32, #tpu.memory_space<vmem>>, vector<2000x128xf32>
    tpu.vector_store %arg3[%swap3A, %swap3A_17], %mul3A_16 {strides = array<i32>} : memref<2000x128xf32, #tpu.memory_space<vmem>>, vector<2000x128xf32>,
    return
  }
  func.func @transform_0(%arg0: i32) -> (i32, i32, i32) {
    %c0_i32 = arith.constant 0 : i32
    %c0_i32_0 = arith.constant 0 : i32
    %c0_i32_1 = arith.constant 0 : i32
    return %c0_i32, %arg0, %c0_i32_0 : i32, i32, i32
  }
  func.func @transform_1(%arg0: i32) -> (i32, i32) {
    %c0_i32 = arith.constant 0 : i32
    %c0_i32_0 = arith.constant 0 : i32
    return %arg0, %c0_i32 : i32, i32
  }
  func.func @transform_2(%arg0: i32) -> (i32, i32) {
    %c0_i32 = arith.constant 0 : i32
    %c0_i32_0 = arith.constant 0 : i32
    return %arg0, %c0_i32 : i32, i32
  }
}

module attributes {stable_mosaic.version = 14 : i64} {
  func.func @_final_body(%arg0: i32, %arg1: memref<2x2000x128xf32, #tpu.memory_space<vmem>>, %arg2: memref<128x64xf32, #tpu.memory_space<vmem>>, %arg3: memref<2000x1xf32, #tpu.memory_space<vmem>>, %arg4: memref<2000x64xf32, #tpu.memory_space<vmem>>) attributes {dimension_semantics = [#tpu.dimension_semantics<arbitrary>], iteration_bounds = array<i64: 5>, scalar_prefetch = 0 : i64, scratch_operands = 0 : i64, tpu.core_type = #tpu.core_type<tc>, window_params = [{transform_indices = @transform_0, window_bounds = array<i64: 2, 2000, 128>}, {pipeline_mode = #tpu.pipeline_mode<synchronous>, transform_indices = @transform_1, window_bounds = array<i64: 128, 64>}, {transform_indices = @transform_2, window_bounds = array<i64: 2000, 1>}, {transform_indices = @transform_3, window_bounds = array<i64: 2000, 64>}]} {
    %get3A = arith.constant 0 : index
    %get3A_0 = arith.constant 0 : index
    %get3A_1 = arith.constant 0 : index
    %get3A_2 = vector.load %arg1[%get3A, %get3A_0, %get3A_1] : memref<2x2000x128xf32, #tpu.memory_space<vmem>>, vector<1x2000x128xf32>
    %get3A_3 = vector.shape_cast %get3A_2 : vector<1x2000x128xf32> to vector<2000x128xf32>
    %get3A_4 = arith.constant 1 : index
    %get3A_5 = arith.constant 0 : index
    %get3A_6 = arith.constant 0 : index
    %get3A_7 = vector.load %arg1[%get3A_4, %get3A_5, %get3A_6] : memref<2x2000x128xf32, #tpu.memory_space<vmem>>, vector<1x2000x128xf32>
    %get3A_8 = vector.shape_cast %get3A_7 : vector<1x2000x128xf32> to vector<2000x128xf32>
    %add3A = arith.addf %get3A_3, %get3A_8 : vector<2000x128xf32>
    %get3A_9 = arith.constant 0 : index
    %get3A_10 = arith.constant 0 : index
    %get3A_11 = vector.load %arg2[%get3A_9, %get3A_10] : memref<128x64xf32, #tpu.memory_space<vmem>>, vector<128x64xf32>
    %dot_general3A = arith.constant dense<0.000000e+00> : vector<2000x64xf32>
    %dot_general3A_12 = tpu.matmul %add3A, %get3A_11, %dot_general3A {dimension_numbers = #tpu.dot_dimension_numbers<[1], [0], [0], [1], [0, 0, 1, 1], [], []>, transpose_lhs_hint = false} : vector<2000x128xf32>, vector<128x64xf32>, vector<2000x64xf32> -> vector<2000x64xf32>
    %get3A_13 = arith.constant 0 : index
    %get3A_14 = arith.constant 0 : index
    %get3A_15 = vector.load %arg3[%get3A_13, %get3A_14] : memref<2000x1xf32, #tpu.memory_space<vmem>>, vector<2000x1xf32>
    %mul3A = vector.broadcast %get3A_15 : vector<2000x1xf32> to vector<2000x64xf32>
    %mul3A_16 = arith.mulf %dot_general3A_12, %mul3A : vector<2000x64xf32>
    %swap3A = arith.constant 0 : index
    %swap3A_17 = arith.constant 0 : index
    %swap3A_18 = vector.load %arg4[%swap3A, %swap3A_17] : memref<2000x64xf32, #tpu.memory_space<vmem>>, vector<2000x64xf32>
    tpu.vector_store %arg4[%swap3A, %swap3A_17], %mul3A_16 {strides = array<i32>} : memref<2000x64xf32, #tpu.memory_space<vmem>>, vector<2000x64xf32>,
    return
  }
  func.func @transform_0(%arg0: i32) -> (i32, i32, i32) {
    %c0_i32 = arith.constant 0 : i32
    %c0_i32_0 = arith.constant 0 : i32
    %c0_i32_1 = arith.constant 0 : i32
    return %c0_i32, %arg0, %c0_i32_0 : i32, i32, i32
  }
  func.func @transform_1(%arg0: i32) -> (i32, i32) {
    %c0_i32 = arith.constant 0 : i32
    %c0_i32_0 = arith.constant 0 : i32
    %c0_i32_1 = arith.constant 0 : i32
    return %c0_i32, %c0_i32_0 : i32, i32
  }
  func.func @transform_2(%arg0: i32) -> (i32, i32) {
    %c0_i32 = arith.constant 0 : i32
    %c0_i32_0 = arith.constant 0 : i32
    return %arg0, %c0_i32 : i32, i32
  }
  func.func @transform_3(%arg0: i32) -> (i32, i32) {
    %c0_i32 = arith.constant 0 : i32
    %c0_i32_0 = arith.constant 0 : i32
    return %arg0, %c0_i32 : i32, i32
  }
}

</mosaic_0001>

<sc_bundles>
// kernel: kernel.12.cloned.1.call-start
scs
__scs_entry_jumppad:
0x0: {  	(pc) =	sbr.rel $0x88, $3  }
0x1: {  	(tag) =	ssettag $0x0;
	lr =	simm.s32 $0x1  }
0x2: {  	[smem:$0x3F9B] =	sst lr;
	_ =	strace $0xD0000000  }
0x3: {  	_ = 	snop  }
0x4: {  	_ = 	snop  }
0x5: {  	_ = 	snop  }
0x6: {  	_ = 	snop  }
0x7: {  	_ = 	snop  }
__scs_overlays_trampoline_lowered:
0x8: {  	[smem:$0x3FAA] =	sst s0  }
0x9: {  	[smem:$0x3FAB] =	sst s1  }
0xa: {  	[smem:$0x3FAC] =	sst s2  }
0xb: {  	[smem:$0x3FAD] =	sst s3  }
0xc: {  	[smem:$0x3FAE] =	sst s4  }
0xd: {  	[smem:$0x3FAF] =	sst s5  }
0xe: {  	[smem:$0x3FB0] =	sst s6  }
0xf: {  	[smem:$0x3FB1] =	sst s7  }
0x10: {  	[smem:$0x3FB2] =	sst s8  }
0x11: {  	[smem:$0x3FB3] =	sst s9;
	s0 =	simm.s32 @!p0 $0x0  }
0x12: {  	s1 =	sld [smem:$0x3F99];
	s0 =	simm.s32 @p0 $0x1  }
0x13: {  	[smem:$0x3FB4] =	sst s0;
	s0 =	simm.s32 @!p1 $0x0  }
0x14: {  	s2 =	sld [smem:$0x3F98];
	s0 =	simm.s32 @p1 $0x1  }
0x15: {  	[smem:$0x3FB5] =	sst s0;
	s0 =	simm.s32 @!p2 $0x0  }
0x16: {  	s3 =	sld [smem:$0x3FDB];
	s0 =	simm.s32 @p2 $0x1  }
0x17: {  	s4 =	simm.s32 $0x1BF5;
	[smem:$0x3FB7] =	sst s0  }
0x18: {  	s0 =	sld [smem:$0x3F9A];
	_ =	swait.ge [sflag:s4], $0x0  }
0x19: {  	s7 =	sld [smem:$0x3F9B]  }
0x1a: {  	s8 =	sadd.s32 $0xFFFFE003, lr  }
0x1b: {  	s9 =	sadd.s32 $0xFFFFFEF7, lr;
	s5 =	simm.s32 $0xFFFFFFFF;
	p2 =	slt.u32 s8, $0xFFFFF086  }
0x1c: {  	p1 =	slt.u32 s9, $0xF7A;
	s5 =	simm.s32 @!p2 $0x0  }
0x1d: {  	s5 =	simm.s32 @p1 $0x1;
	p0 =	seq.s32 s7, s2  }
0x1e: {  	s7 =	smul.u32 @!p0 $0xF7A, s2;
	p2 =	seq.s32 @!p0 s5, $0x0  }
0x1f: {  	s9 =	smul.u32 $0xF7A, s1;
	s8 =	simm.s32 @!p0 $0x1BF5;
	p2 =	por !p2, p0  }
0x20: {  	[sflag:s8] =	ssyncset.s32 @!p0 $0xFFFFF086;
	s6 =	sadd.s32 @!p0 s3, s7;
	s7 =	simm.s32 @!p0 $0x108  }
0x21: {  	s3 =	sadd.s32 s3, s9;
	s6 =	sadd.s32 @!p0 $0x88, s6;
	s7 =	simm.s32 @p2 $0x1082  }
0x22: {  	[simem:s7], [sflag:s8] =	dma.local @!p0 [hbm:s6], $0xF7A  }
0x23: {  	s9 =	sor.u32 $0xD0000000, s2;
	s6 =	simm.s32 $0x108;
	_ =	swait.ge @!p0 [sflag:s8], $0x0  }
0x24: {  	s3 =	sadd.s32 $0x88, s3;
	s6 =	simm.s32 @!p1 $0x1082;
	[sflag:s4] =	ssyncset.s32 $0xFFFFF086  }
0x25: {  	[simem:s6], [sflag:s4] =	dma.local [hbm:s3], $0xF7A  }
0x26: {  	[smem:$0x3F9B] =	sst s1;
	(tag) =	ssettag s2;
	_ =	strace s9  }
0x27: {  	s1 =	sld [smem:$0x3FAB]  }
0x28: {  	s2 =	sld [smem:$0x3FAC]  }
0x29: {  	s4 =	sld [smem:$0x3FAE]  }
0x2a: {  	p0 =	seq.s32 s5, $0x0;
	s5 =	sld [smem:$0x3FAF]  }
0x2b: {  	s6 =	sld [smem:$0x3FB0]  }
0x2c: {  	s7 =	sld [smem:$0x3FB1]  }
0x2d: {  	s3 =	simm.s32 $0x108;
	s8 =	sld [smem:$0x3FB2]  }
0x2e: {  	s3 =	simm.s32 @!p0 $0x1082;
	s9 =	sld [smem:$0x3FB3]  }
0x2f: {  	lr =	sadd.s32 s0, s3;
	s0 =	sld [smem:$0x3FAA]  }
0x30: {  	s3 =	sld [smem:$0x3FAD]  }
0x31: {  	[smem:$0x3FB6] =	sst s10  }
0x32: {  	s10 =	sld [smem:$0x3FB4];
	_ =	sdelay $0x3  }
0x33: {  	p0 =	seq.s32 s10, $0x1;
	s10 =	sld [smem:$0x3FB6];
	_ =	sdelay $0x3  }
0x34: {  	[smem:$0x3FB6] =	sst s10  }
0x35: {  	s10 =	sld [smem:$0x3FB5];
	_ =	sdelay $0x3  }
0x36: {  	p1 =	seq.s32 s10, $0x1;
	s10 =	sld [smem:$0x3FB6];
	_ =	sdelay $0x3  }
0x37: {  	[smem:$0x3FB6] =	sst s10  }
0x38: {  	s10 =	sld [smem:$0x3FB7]  }
0x39: {  	_ = 	snop;
	(pc) =	sbr.ind lr, $3  }
0x3a: {  	_ = 	snop  }
0x3b: {  	_ = 	snop  }
0x3c: {  	p2 =	seq.s32 s10, $0x1;
	s10 =	sld [smem:$0x3FB6]  }
0x3d: {  	_ =	shalt  }
0x3e: {  	_ =	shalt  }
0x3f: {  	_ =	shalt  }
0x40: {  	_ =	shalt  }
0x41: {  	_ =	shalt  }
0x42: {  	_ =	shalt  }
0x43: {  	_ =	shalt  }
0x44: {  	_ =	shalt  }
0x45: {  	_ =	shalt  }
0x46: {  	_ =	shalt  }
0x47: {  	_ =	shalt  }
0x48: {  	_ =	shalt  }
0x49: {  	_ =	shalt  }
0x4a: {  	_ =	shalt  }
0x4b: {  	_ =	shalt  }
0x4c: {  	_ =	shalt  }
0x4d: {  	_ =	shalt  }
0x4e: {  	_ =	shalt  }
0x4f: {  	_ =	shalt  }
0x50: {  	_ =	shalt  }
0x51: {  	_ =	shalt  }
0x52: {  	_ =	shalt  }
0x53: {  	_ =	shalt  }
0x54: {  	_ =	shalt  }
0x55: {  	_ =	shalt  }
0x56: {  	_ =	shalt  }
0x57: {  	_ =	shalt  }
0x58: {  	_ =	shalt  }
0x59: {  	_ =	shalt  }
0x5a: {  	_ =	shalt  }
0x5b: {  	_ =	shalt  }
0x5c: {  	_ =	shalt  }
0x5d: {  	_ =	shalt  }
0x5e: {  	_ =	shalt  }
0x5f: {  	_ =	shalt  }
0x60: {  	_ =	shalt  }
0x61: {  	_ =	shalt  }
0x62: {  	_ =	shalt  }
0x63: {  	_ =	shalt  }
0x64: {  	_ =	shalt  }
0x65: {  	_ =	shalt  }
0x66: {  	_ =	shalt  }
0x67: {  	_ =	shalt  }
0x68: {  	_ =	shalt  }
0x69: {  	_ =	shalt  }
0x6a: {  	_ =	shalt  }
0x6b: {  	_ =	shalt  }
0x6c: {  	_ =	shalt  }
0x6d: {  	_ =	shalt  }
0x6e: {  	_ =	shalt  }
0x6f: {  	_ =	shalt  }
0x70: {  	_ =	shalt  }
0x71: {  	_ =	shalt  }
0x72: {  	_ =	shalt  }
0x73: {  	_ =	shalt  }
0x74: {  	_ =	shalt  }
0x75: {  	_ =	shalt  }
0x76: {  	_ =	shalt  }
0x77: {  	_ =	shalt  }
0x78: {  	_ =	shalt  }
0x79: {  	_ =	shalt  }
0x7a: {  	_ =	shalt  }
0x7b: {  	_ =	shalt  }
0x7c: {  	_ =	shalt  }
0x7d: {  	_ =	shalt  }
0x7e: {  	_ =	shalt  }
0x7f: {  	_ =	shalt  }
0x80: {  	_ =	shalt  }
0x81: {  	_ =	shalt  }
0x82: {  	_ =	shalt  }
0x83: {  	_ =	shalt  }
0x84: {  	_ =	shalt  }
0x85: {  	_ =	shalt  }
0x86: {  	_ =	shalt  }
0x87: {  	_ =	shalt  }
.Lfunc_end0:
.L_simem_size_0:
called_computation.1_lowered:
.L_overlay_start_0:
0x88: {  	s2 =	sld [smem:$0x3FD9]  }
0x89: {  	s3 =	sld [smem:$0x3FFE];
	_ =	sdelay $0x1  }
0x8a: {  	s1 =	srdreg.scid  }
0x8b: {  	s0 =	sand.u32 $0x1, s1  }
0x8c: {  	s17 =	sshll.u32 s0, $0xA;
	s2 =	sadd.s32 s3, s2  }
0x8d: {  	s2 =	sadd.s32 s2, s17  }
0x8e: {  	[smem:$0x3FC2] =	sst s2  }
0x8f: {  	_ = 	snop  }
0x90: {  	s2 =	sld [smem:$0x3FD0];
	(tm) =	ssettm $0x1  }
0x91: {  	s18 =	sld [smem:$0x3FFB];
	_ =	sdelay $0x3  }
0x92: {  	_ =	strace s18  }
0x93: {  	s3 =	sld [smem:$0x3FFC];
	_ =	sdelay $0x3  }
0x94: {  	_ =	strace s3  }
0x95: {  	s3 =	sld [smem:$0x3FFD];
	_ =	sdelay $0x3  }
0x96: {  	_ =	strace s3  }
0x97: {  	_ =	strace $0x8FFFFFFF  }
0x98: {  	s19 =	sld [smem:$0x3FDB];
	_ =	sdelay $0x1  }
0x99: {  	s4 =	simm.s32 $_scs_section_size  }
0x9a: {  	s5 =	simm.s32 $_size__tile_overlayer_lowered;
	s6 =	simm.s32 $_tile_overlayer_lowered  }
0x9b: {  	s22 =	simm.s32 $0x1BFF;
	s21 =	sshll.u32 s6, $0x1;
	s3 =	sadd.s32 s4, s19  }
0x9c: {  	s7 =	simm.s32 $0x0;
	s20 =	sshll.u32 s5, $0x1;
	s5 =	sadd.s32 s21, s3  }
0x9d: {  	[timem:s7], [sflag:s22] =	dma.local [hbm:s5], s20  }
0x9e: {  	_ =	swait.ge [sflag:s22], s20  }
0x9f: {  	s4 =	ssub.s32 $0x0, s20;
	[sflag:s22] =	ssyncset.done $0x0  }
0xa0: {  	[sflag:s22] =	ssyncadd.s32 s4;
	_ =	sdelay $0x1  }
0xa1: {  	s23 =	simm.s32 $0x1B8B  }
0xa2: {  	_ =	swait.ge [sflag:s23], $0x1  }
0xa3: {  	[sflag:s23] =	ssyncset.done $0x0  }
0xa4: {  	s25 =	simm.s32 $0x1B8E;
	s24 =	sld [smem:$0x3FFE];
	[sflag:s23] =	ssyncadd.s32 $0xFFFFFFFF  }
0xa5: {  	s26 =	simm.s32 $execute0_lowered;
	[smem:$0x3FD2] =	sst s25  }
0xa6: {  	s5 =	sshll.u32 s26, $0x1;
	_ =	strace $0x80000049;
	[dreg:$0x1] =	wrdreg $0xFFFFFFFF  }
0xa7: {  	s28 =	simm.s32 $_size_execute0_lowered;
	s3 =	sadd.s32 s3, s5;
	[dreg:$0x0] =	wrdreg $0x0  }
0xa8: {  	s5 =	sshll.u32 s28, $0x1;
	[dreg:$0x2] =	wrdreg s3  }
0xa9: {  	[dreg:$0x3] =	wrdreg s5  }
0xaa: {  	[dreg:$0x4] =	wrdreg $0xC0  }
0xab: {  	_ =	task [dreg:s7], $0x5FFFF  }
0xac: {  	[dreg:$0x1] =	wrdreg $0xFFFFFFFF  }
0xad: {  	[dreg:$0x0] =	wrdreg $0x60  }
0xae: {  	[dreg:$0x2] =	wrdreg s24  }
0xaf: {  	[dreg:$0x3] =	wrdreg s2  }
0xb0: {  	[dreg:$0x4] =	wrdreg $0xB7800  }
0xb1: {  	[dreg:$0x5] =	wrdreg $0x9  }
0xb2: {  	_ =	task.clear_ibuf [dreg:s7], $0x6FFFF;
	_ =	strace $0x90000049  }
0xb3: {  	s29 =	simm.s32 $0x9;
	_ =	strace $0x8000004B  }
0xb4: {  	_ =	swait.ge [sflag:s29], $0x1  }
0xb5: {  	[sflag:s29] =	ssyncadd.s32 $0xFFFFFFFF  }
0xb6: {  	_ =	strace $0x9000004B  }
0xb7: {  	_ =	sfence  }
0xb8: {  	s30 =	sld [smem:$0x0];
	_ =	sdelay $0x2  }
0xb9: {  	s31 =	sshll.u32 s1, $0xD;
	s1 =	sshrl.u32 s1, $0x2  }
0xba: {  	s3 =	sand.u32 $0x4000, s31;
	s1 =	sadd.s32 s1, s30  }
0xbb: {  	s0 =	sor.u32 s3, s0;
	s1 =	sshll.u32 s1, $0x11  }
0xbc: {  	s0 =	sor.u32 s1, s0  }
0xbd: {  	s0 =	sadd.s32 $0x8F2B, s0  }
0xbe: {  	[sflag:s0] =	ssyncadd.remote.s32 $0x1  }
0xbf: {  	_ =	sfence.sel $0xFFFF  }
0xc0: {  	[dreg:$0x0] =	wrdreg $0xFFFFFFFF;
	(pc) =	sbr.abs _section_cstart, $3  }
0xc1: {  	[dreg:$0x1] =	wrdreg $0xFFFFFFFF  }
0xc2: {  	_ =	task.clear_ibuf [dreg:s7], $0x2FFFF;
	_ =	strace $0x9FFFFFFF  }
0xc3: {  	(tm) =	ssettm $0x7FFFFFFF  }
tec
execute0_lowered:
.L_overlay_start_1:
0x0: {  	(tag) =	ssettag $0x1  }
0x1: {  	s0 =	srdreg.scid;
	s1 =	rddreg [dreg:$0x0]  }
0x2: {  	s5 =	rddreg [dreg:$0x1];
	s19 =	stileid.u32  }
0x3: {  	s2 =	rddreg [dreg:$0x2];
	s21 =	simm.s32 $0x5;
	s28 =	simm.s32 $0x8F80  }
0x4: {  	s30 =	simm.s32 $0xA380;
	s31 =	simm.s32 $0x1;
	s20 =	simm.s32 $0x4  }
0x5: {  	s29 =	simm.s32 $0x0;
	s0 =	sand.u32 $0x1, s0;
	s9 =	smul.u32 $0x2700, s19  }
0x6: {  	s22 =	sshll.u32 s19, $0x7;
	s11 =	smul.u32 $0x4E000, s19;
	p0 =	sne.s32 s19, $0xF  }
0x7: {  	s3 =	sshll.u32 s0, $0x4;
	s8 =	sand.u32 $0x380, s22;
	s24 =	smul.u32 $0x27100, s0  }
0x8: {  	s23 =	ssub.s32 $0x2, s0;
	s0 =	smul.u32 $0x138800, s0;
	s6 =	sor.u32 s19, s3  }
0x9: {  	s3 =	simm.s32 $0x0;
	s10 =	sshrl.u32 s23, $0x1;
	s25 =	sshrl.u32 s11, $0x2  }
0xa: {  	s19 =	simm.s32 $0x3;
	s4 =	sshrl.u32 s6, $0x3;
	[smem:$0x7FF] =	sst s3  }
0xb: {  	s12 =	ssub.s32 s23, s10;
	s6 =	sshll.u32 s6, $0xB;
	s7 =	smul.u32 $0x13C00, s4  }
0xc: {  	s26 =	sadd.s32 s9, s24;
	s0 =	sshrl.u32 s0, $0x3;
	s9 =	sadd.s32 $0x138000, s2  }
0xd: {  	s23 =	simm.s32 $0x6780;
	s24 =	simm.s32 $0x28;
	s7 =	sor.u32 s8, s7  }
0xe: {  	_ =	strace $0x8000004A;
	s4 =	sadd.s32 $0xBE00, s1;
	s7 =	sshrl.u32 s7, $0x3  }
0xf: {  	s5 =	sadd.s32 s5, s6;
	s12 =	smax.u32 s12, $0x1;
	s7 =	sadd.s32 s7, s1  }
0x10: {  	[dreg:$0x5] =	wrdreg s5;
	s1 =	sadd.s32 $0x33000, s1;
	s7 =	sadd.s32 $0x2000, s7  }
0x11: {  	s10 =	sadd.s32 s1, s26;
	s0 =	sadd.s32 s1, s0;
	s26 =	simm.s32 $0x50  }
0x12: {  	s1 =	simm.s32 $0x2;
	[dreg:$0x4] =	wrdreg s7;
	s7 =	sadd.s32 s25, s2  }
0x13: {  	s11 =	sadd.s32 $0x27000, s0;
	s25 =	simm.s32 $0x7B80;
	s8 =	sadd.s32 $0x11800, s7  }
0x14: {  	s13 =	sadd.s32 $0x2800, s7;
	s14 =	sadd.s32 $0x5000, s7;
	s15 =	sadd.s32 $0x7800, s7  }
0x15: {  	v0 =	vimm.f32 $0.0e+00;
	s16 =	sadd.s32 $0xA000, s7;
	s17 =	sadd.s32 $0xC800, s7;
	s18 =	sadd.s32 $0xF000, s7  }
.LBB2_1:
0x16: {  	s0 =	rddreg [dreg:$0x4];
	s5 =	simm.s32 $0x80;
	s6 =	simm.s32 $0x400  }
0x17: {  	[tilespmem:s3], [sflag:$0x5] =	stream.strided.gather [hbm4b:s0+s5], $0x2780, s6, s5, $0x38;
	[tilespmem:$0x1F000] =	vst v63  }
0x18: {  	_ =	swait.ge [sflag:s21], $0x2780  }
0x19: {  	[sflag:s21] =	ssyncset.done $0x0  }
0x1a: {  	s22 =	simm.s32 $0x2780;
	s6 =	rddreg [dreg:$0x5];
	[sflag:s21] =	ssyncadd.s32 $0xFFFFD880  }
0x1b: {  	[tilespmem:s22], [sflag:$0x5] =	stream.linear.gather [hbm4b:s6+s3], $0x3E80, $0x38;
	[tilespmem:$0x1F000] =	vst v63  }
0x1c: {  	s5 =	sand.u32 $0xFE00, s3;
	s0 =	simm.s32 $0x40;
	_ =	swait.ge [sflag:s21], $0x3E80  }
0x1d: {  	s6 =	sand.u32 $0x70, s3;
	s22 =	sshrl.u32 s5, $0x2;
	[sflag:s21] =	ssyncset.done $0x0  }
0x1e: {  	s5 =	sor.u32 s6, s22;
	s22 =	simm.s32 $0x0;
	[sflag:s21] =	ssyncadd.s32 $0xFFFFC180  }
.LBB2_2:
0x1f: {  	p1 =	sne.s32 s0, $0x9FC0  }
0x20: {  	[tilespmem:s5+$0x6780] =	vst v0;
	s22 =	sadd.s32 $0x10, s22;
	s5 =	smov.u32 s0;
	s0 =	sadd.s32 $0x40, s0  }
.Ltmp0:
0x21: {  	(pc) =	sbr.rel @p1 .LBB2_2-.Ltmp0, $4  }
0x22: {  	_ = 	snop  }
0x23: {  	s5 =	sand.u32 $0xFE00, s5  }
0x24: {  	s6 =	sand.u32 $0x70, s22;
	s5 =	sshrl.u32 s5, $0x2  }
0x25: {  	s5 =	sor.u32 s6, s5  }
0x26: {  	[tilespmem:s5+$0x6780] =	vst v0  }
0x27: {  	[spmem:s7] =	stream.linear.scatter [tilespmem:s23], [sflag:$0x5], $0x2800, $0x38;
	[tilespmem:$0x1F000] =	vst v63  }
0x28: {  	_ =	swait.ge [sflag:s21], $0x2800  }
0x29: {  	[sflag:s21] =	ssyncset.done $0x0  }
0x2a: {  	[sflag:s21] =	ssyncadd.s32 $0xFFFFD800  }
0x2b: {  	[spmem:s13] =	stream.linear.scatter [tilespmem:s23], [sflag:$0x5], $0x2800, $0x38;
	[tilespmem:$0x1F000] =	vst v63  }
0x2c: {  	_ =	swait.ge [sflag:s21], $0x2800  }
0x2d: {  	[sflag:s21] =	ssyncset.done $0x0  }
0x2e: {  	[sflag:s21] =	ssyncadd.s32 $0xFFFFD800  }
0x2f: {  	[spmem:s14] =	stream.linear.scatter [tilespmem:s23], [sflag:$0x5], $0x2800, $0x38;
	[tilespmem:$0x1F000] =	vst v63  }
0x30: {  	_ =	swait.ge [sflag:s21], $0x2800  }
0x31: {  	[sflag:s21] =	ssyncset.done $0x0  }
0x32: {  	[sflag:s21] =	ssyncadd.s32 $0xFFFFD800  }
0x33: {  	[spmem:s15] =	stream.linear.scatter [tilespmem:s23], [sflag:$0x5], $0x2800, $0x38;
	[tilespmem:$0x1F000] =	vst v63  }
0x34: {  	_ =	swait.ge [sflag:s21], $0x2800  }
0x35: {  	[sflag:s21] =	ssyncset.done $0x0  }
0x36: {  	[sflag:s21] =	ssyncadd.s32 $0xFFFFD800  }
0x37: {  	[spmem:s16] =	stream.linear.scatter [tilespmem:s23], [sflag:$0x5], $0x2800, $0x38;
	[tilespmem:$0x1F000] =	vst v63  }
0x38: {  	_ =	swait.ge [sflag:s21], $0x2800  }
0x39: {  	[sflag:s21] =	ssyncset.done $0x0  }
0x3a: {  	[sflag:s21] =	ssyncadd.s32 $0xFFFFD800  }
0x3b: {  	[spmem:s17] =	stream.linear.scatter [tilespmem:s23], [sflag:$0x5], $0x2800, $0x38;
	[tilespmem:$0x1F000] =	vst v63  }
0x3c: {  	_ =	swait.ge [sflag:s21], $0x2800  }
0x3d: {  	[sflag:s21] =	ssyncset.done $0x0  }
0x3e: {  	[sflag:s21] =	ssyncadd.s32 $0xFFFFD800  }
0x3f: {  	[spmem:s18] =	stream.linear.scatter [tilespmem:s23], [sflag:$0x5], $0x2800, $0x38;
	[tilespmem:$0x1F000] =	vst v63  }
0x40: {  	_ =	swait.ge [sflag:s21], $0x2800  }
0x41: {  	[sflag:s21] =	ssyncset.done $0x0  }
0x42: {  	[sflag:s21] =	ssyncadd.s32 $0xFFFFD800  }
0x43: {  	[spmem:s8] =	stream.linear.scatter [tilespmem:s23], [sflag:$0x5], $0x2000, $0x38;
	[tilespmem:$0x1F000] =	vst v63  }
0x44: {  	_ =	swait.ge [sflag:s21], $0x2000  }
0x45: {  	[sflag:s21] =	ssyncset.done $0x0  }
0x46: {  	s0 =	simm.s32 @!p0 $0x6780;
	[sflag:s21] =	ssyncadd.s32 $0xFFFFE000  }
0x47: {  	[spmem:s9] =	stream.linear.scatter @!p0 [tilespmem:s0], [sflag:$0x5], $0x800, $0x38;
	[tilespmem:$0x1F000] =	vst v63  }
0x48: {  	s0 =	simm.s32 @!p0 $0x5  }
0x49: {  	_ =	swait.ge @!p0 [sflag:s0], $0x800  }
0x4a: {  	[sflag:s0] =	ssyncset.done @!p0 $0x0  }
0x4b: {  	[sflag:s0] =	ssyncadd.s32 @!p0 $0xFFFFF800  }
0x4c: {  	s22 =	simm.s32 $0x0;
	[bflag:$0x0] =	sbarrier.arrive $0xFFFF  }
0x4d: {  	[tilespmem:s23], [sflag:$0x1] =	stream.indirect.gather [hbm4b:s4+s24], $0x80, s22, s24, $0xb8;
	[tilespmem:$0x1F000] =	vst v63  }
0x4e: {  	_ = 	snop  }
0x4f: {  	[tilespmem:s25], [sflag:$0x2] =	stream.indirect.gather [hbm4b:s4+s24], $0x80, s24, s24, $0xb8;
	[tilespmem:$0x1F000] =	vst v63  }
0x50: {  	_ = 	snop  }
0x51: {  	[tilespmem:s28], [sflag:$0x3] =	stream.indirect.gather [hbm4b:s4+s24], $0x80, s26, s24, $0xb8;
	[tilespmem:$0x1F000] =	vst v63  }
0x52: {  	s5 =	simm.s32 $0x78  }
0x53: {  	[tilespmem:s30], [sflag:$0x4] =	stream.indirect.gather [hbm4b:s4+s24], $0x80, s5, s24, $0xb8;
	[tilespmem:$0x1F000] =	vst v63  }
0x54: {  	_ =	swait.ge [sflag:s31], $0x1400  }
0x55: {  	[sflag:s31] =	ssyncset.done $0x0  }
0x56: {  	[sflag:s31] =	ssyncadd.s32 $0xFFFFEC00  }
0x57: {  	_ =	swait.ge [sflag:s1], $0x1400  }
0x58: {  	[sflag:s1] =	ssyncset.done $0x0  }
0x59: {  	s6 =	simm.s32 $0x2780;
	[sflag:s1] =	ssyncadd.s32 $0xFFFFEC00  }
0x5a: {  	[spmem:s2] =	stream.indirect.scatter.add.f32 [tilespmem:s23], [sflag:$0x5], $0x80, s6, s26, $0xb8;
	[tilespmem:$0x1F000] =	vst v63  }
0x5b: {  	_ =	swait.ge [sflag:s21], $0x2800  }
0x5c: {  	[sflag:s21] =	ssyncset.done $0x0  }
0x5d: {  	s22 =	simm.s32 $0xA0;
	[sflag:s21] =	ssyncadd.s32 $0xFFFFD800  }
0x5e: {  	[tilespmem:s23], [sflag:$0x1] =	stream.indirect.gather [hbm4b:s4+s24], $0x80, s22, s24, $0xb8;
	[tilespmem:$0x1F000] =	vst v63  }
0x5f: {  	s5 =	simm.s32 $0xC8  }
0x60: {  	[tilespmem:s25], [sflag:$0x2] =	stream.indirect.gather [hbm4b:s4+s24], $0x80, s5, s24, $0xb8;
	[tilespmem:$0x1F000] =	vst v63  }
0x61: {  	_ =	swait.ge [sflag:s19], $0x1400  }
0x62: {  	[sflag:s19] =	ssyncset.done $0x0  }
0x63: {  	[sflag:s19] =	ssyncadd.s32 $0xFFFFEC00  }
0x64: {  	_ =	swait.ge [sflag:s20], $0x1400  }
0x65: {  	[sflag:s20] =	ssyncset.done $0x0  }
0x66: {  	s6 =	simm.s32 $0x2800;
	[sflag:s20] =	ssyncadd.s32 $0xFFFFEC00  }
0x67: {  	[spmem:s2] =	stream.indirect.scatter.add.f32 [tilespmem:s28], [sflag:$0x5], $0x80, s6, s26, $0xb8;
	[tilespmem:$0x1F000] =	vst v63  }
0x68: {  	_ =	swait.ge [sflag:s21], $0x2800  }
0x69: {  	[sflag:s21] =	ssyncset.done $0x0  }
0x6a: {  	s22 =	simm.s32 $0xF0;
	[sflag:s21] =	ssyncadd.s32 $0xFFFFD800  }
0x6b: {  	[tilespmem:s28], [sflag:$0x3] =	stream.indirect.gather [hbm4b:s4+s24], $0x80, s22, s24, $0xb8;
	[tilespmem:$0x1F000] =	vst v63  }
0x6c: {  	s0 =	simm.s32 $0x280;
	s5 =	simm.s32 $0x118;
	s22 =	simm.s32 $0x2900  }
.LBB2_4:
0x6d: {  	[tilespmem:s30], [sflag:$0x4] =	stream.indirect.gather [hbm4b:s4+s24], $0x80, s5, s24, $0xb8;
	[tilespmem:$0x1F000] =	vst v63  }
0x6e: {  	s5 =	smov.u32 s0  }
0x6f: {  	p1 =	sne.s32 s0, $0x9600;
	s0 =	sadd.s32 $0x280, s0;
	_ =	swait.ge [sflag:s31], $0x1400  }
0x70: {  	[sflag:s31] =	ssyncset.done $0x0  }
0x71: {  	[sflag:s31] =	ssyncadd.s32 $0xFFFFEC00  }
0x72: {  	_ =	swait.ge [sflag:s1], $0x1400  }
0x73: {  	[sflag:s1] =	ssyncset.done $0x0  }
0x74: {  	s6 =	sadd.s32 $0xFFFFFF80, s22;
	[sflag:s1] =	ssyncadd.s32 $0xFFFFEC00  }
0x75: {  	[spmem:s2] =	stream.indirect.scatter.add.f32 [tilespmem:s23], [sflag:$0x5], $0x80, s6, s26, $0xb8;
	[tilespmem:$0x1F000] =	vst v63  }
0x76: {  	_ =	swait.ge [sflag:s21], $0x2800  }
0x77: {  	s5 =	sshra.s32 s5, $0x2;
	[sflag:s21] =	ssyncset.done $0x0  }
0x78: {  	s6 =	sadd.s32 $0xA0, s5;
	[sflag:s21] =	ssyncadd.s32 $0xFFFFD800  }
0x79: {  	[tilespmem:s23], [sflag:$0x1] =	stream.indirect.gather [hbm4b:s4+s24], $0x80, s6, s24, $0xb8;
	[tilespmem:$0x1F000] =	vst v63  }
0x7a: {  	s6 =	sadd.s32 $0xC8, s5  }
0x7b: {  	[tilespmem:s25], [sflag:$0x2] =	stream.indirect.gather [hbm4b:s4+s24], $0x80, s6, s24, $0xb8;
	[tilespmem:$0x1F000] =	vst v63  }
0x7c: {  	_ =	swait.ge [sflag:s19], $0x1400  }
0x7d: {  	[sflag:s19] =	ssyncset.done $0x0  }
0x7e: {  	[sflag:s19] =	ssyncadd.s32 $0xFFFFEC00  }
0x7f: {  	_ =	swait.ge [sflag:s20], $0x1400  }
0x80: {  	[sflag:s20] =	ssyncset.done $0x0  }
0x81: {  	[sflag:s20] =	ssyncadd.s32 $0xFFFFEC00  }
0x82: {  	[spmem:s2] =	stream.indirect.scatter.add.f32 [tilespmem:s28], [sflag:$0x5], $0x80, s22, s26, $0xb8;
	[tilespmem:$0x1F000] =	vst v63  }
.Ltmp1:
0x83: {  	_ =	swait.ge [sflag:s21], $0x2800;
	(pc) =	sbr.rel @p1 .LBB2_4-.Ltmp1, $4  }
0x84: {  	[sflag:s21] =	ssyncset.done $0x0  }
0x85: {  	s6 =	sadd.s32 $0xF0, s5;
	[sflag:s21] =	ssyncadd.s32 $0xFFFFD800  }
0x86: {  	[tilespmem:s28], [sflag:$0x3] =	stream.indirect.gather [hbm4b:s4+s24], $0x80, s6, s24, $0xb8;
	[tilespmem:$0x1F000] =	vst v63  }
0x87: {  	s5 =	sadd.s32 $0x118, s5;
	s22 =	sadd.s32 $0x100, s22  }
0x88: {  	[tilespmem:s30], [sflag:$0x4] =	stream.indirect.gather [hbm4b:s4+s24], $0x80, s5, s24, $0xb8;
	[tilespmem:$0x1F000] =	vst v63  }
0x89: {  	_ =	swait.ge [sflag:s31], $0x1400  }
0x8a: {  	[sflag:s31] =	ssyncset.done $0x0  }
0x8b: {  	[sflag:s31] =	ssyncadd.s32 $0xFFFFEC00  }
0x8c: {  	_ =	swait.ge [sflag:s1], $0x1400  }
0x8d: {  	[sflag:s1] =	ssyncset.done $0x0  }
0x8e: {  	s0 =	simm.s32 $0x6480;
	[sflag:s1] =	ssyncadd.s32 $0xFFFFEC00  }
0x8f: {  	[spmem:s2] =	stream.indirect.scatter.add.f32 [tilespmem:s23], [sflag:$0x5], $0x80, s0, s26, $0xb8;
	[tilespmem:$0x1F000] =	vst v63  }
0x90: {  	_ =	swait.ge [sflag:s21], $0x2800  }
0x91: {  	[sflag:s21] =	ssyncset.done $0x0  }
0x92: {  	s5 =	simm.s32 $0x26C0;
	[sflag:s21] =	ssyncadd.s32 $0xFFFFD800  }
0x93: {  	[tilespmem:s23], [sflag:$0x1] =	stream.indirect.gather [hbm4b:s4+s24], $0x80, s5, s24, $0xb8;
	[tilespmem:$0x1F000] =	vst v63  }
0x94: {  	s6 =	simm.s32 $0x26E8  }
0x95: {  	[tilespmem:s25], [sflag:$0x2] =	stream.indirect.gather [hbm4b:s4+s24], $0x80, s6, s24, $0xb8;
	[tilespmem:$0x1F000] =	vst v63  }
0x96: {  	_ =	swait.ge [sflag:s19], $0x1400  }
0x97: {  	[sflag:s19] =	ssyncset.done $0x0  }
0x98: {  	[sflag:s19] =	ssyncadd.s32 $0xFFFFEC00  }
0x99: {  	_ =	swait.ge [sflag:s20], $0x1400  }
0x9a: {  	[sflag:s20] =	ssyncset.done $0x0  }
0x9b: {  	s22 =	simm.s32 $0x6500;
	[sflag:s20] =	ssyncadd.s32 $0xFFFFEC00  }
0x9c: {  	[spmem:s2] =	stream.indirect.scatter.add.f32 [tilespmem:s28], [sflag:$0x5], $0x80, s22, s26, $0xb8;
	[tilespmem:$0x1F000] =	vst v63  }
0x9d: {  	_ =	swait.ge [sflag:s21], $0x2800  }
0x9e: {  	[sflag:s21] =	ssyncset.done $0x0  }
0x9f: {  	[sflag:s21] =	ssyncadd.s32 $0xFFFFD800  }
0xa0: {  	_ =	swait.ge [sflag:s31], $0x1400  }
0xa1: {  	[sflag:s31] =	ssyncset.done $0x0  }
0xa2: {  	[sflag:s31] =	ssyncadd.s32 $0xFFFFEC00  }
0xa3: {  	_ =	swait.ge [sflag:s1], $0x1400  }
0xa4: {  	[sflag:s1] =	ssyncset.done $0x0  }
0xa5: {  	s5 =	simm.s32 $0x6580;
	[sflag:s1] =	ssyncadd.s32 $0xFFFFEC00  }
0xa6: {  	[spmem:s2] =	stream.indirect.scatter.add.f32 [tilespmem:s23], [sflag:$0x5], $0x80, s5, s26, $0xb8;
	[tilespmem:$0x1F000] =	vst v63  }
0xa7: {  	_ =	swait.ge [sflag:s21], $0x2800  }
0xa8: {  	s6 =	stileid.u32;
	[sflag:s21] =	ssyncset.done $0x0  }
0xa9: {  	s0 =	sshll.u32 s6, $0x6;
	[sflag:s21] =	ssyncadd.s32 $0xFFFFD800  }
0xaa: {  	s0 =	sor.u32 $0x1C05, s0;
	s22 =	sshrl.u32 s7, $0x3;
	[bflag:$0x0] =	sbarrier.arrive $0xFFFF  }
0xab: {  	[hbm:s10], [sflag:s0] =	dma.local [spmem:s22], $0x2700  }
0xac: {  	_ =	swait.ge [sflag:s21], $0x2700  }
0xad: {  	s29 =	sadd.s32 $0x1, s29;
	[sflag:s21] =	ssyncset.done $0x0  }
0xae: {  	p1 =	sne.s32 s29, s12;
	s5 =	sshrl.u32 @!p0 s9, $0x3;
	[sflag:s21] =	ssyncadd.s32 $0xFFFFD900  }
0xaf: {  	[hbm:s11], [sflag:s0] =	dma.local @!p0 [spmem:s5], $0x100  }
.Ltmp2:
0xb0: {  	_ = 	snop;
	(pc) =	sbr.rel @p1 .LBB2_1-.Ltmp2, $4  }
0xb1: {  	s0 =	simm.s32 @!p0 $0x5  }
0xb2: {  	_ =	swait.ge @!p0 [sflag:s0], $0x100  }
0xb3: {  	[sflag:s0] =	ssyncset.done @!p0 $0x0  }
0xb4: {  	[sflag:s0] =	ssyncadd.s32 @!p0 $0xFFFFFF00  }
0xb5: {  	_ =	sfence.sel $0x180000  }
0xb6: {  	[bflag:$0x0] =	sbarrier.arrive $0xFFFF  }
0xb7: {  	_ =	strace $0x9000004A  }
0xb8: {  	s0 =	stileid.u32;
	[bflag:$0x2] =	sbarrier.arrive $0xFFFF  }
0xb9: {  	p0 =	sne.s32 s0, $0x0;
	s0 =	rddreg [dreg:$0x3]  }
0xba: {  	s0 =	sadd.s32 @!p0 $0x100000, s0  }
0xbb: {  	[sflag:s0] =	ssyncadd.tile.s32 @!p0 $0x1;
	_ =	shalt  }
.Lfunc_end2:
_tile_overlayer_lowered:
.L_overlay_start_2:
0xbc: {  	(tag) =	ssettag $0x2  }
0xbd: {  	s0 =	rddreg [dreg:$0x0];
	s2 =	stileid.u32  }
0xbe: {  	s1 =	rddreg [dreg:$0x1];
	p0 =	sne.s32 s2, $0x0  }
0xbf: {  	s3 =	rddreg [dreg:$0x2];
	[bflag:$0x3] =	sbarrier.arrive $0xFFFF;
	s2 =	simm.s32 @!p0 $0x1C05  }
0xc0: {  	[timem:s3], [sflag:s2] =	dma.local @!p0 [hbm:s0], s1  }
0xc1: {  	s0 =	simm.s32 @!p0 $0x5  }
0xc2: {  	_ =	swait.ge @!p0 [sflag:s0], s1  }
0xc3: {  	s1 =	ssub.s32 @!p0 $0x0, s1;
	[sflag:s0] =	ssyncset.done @!p0 $0x0  }
0xc4: {  	[sflag:s0] =	ssyncadd.s32 @!p0 s1  }
0xc5: {  	[bflag:$0x3] =	sbarrier.arrive $0xFFFF  }
0xc6: {  	_ =	shalt  }

// kernel: kernel.15.cloned.1.call-start
scs
__scs_entry_jumppad:
0x0: {  	(pc) =	sbr.rel $0x88, $3  }
0x1: {  	(tag) =	ssettag $0x0;
	lr =	simm.s32 $0x1  }
0x2: {  	[smem:$0x3F9B] =	sst lr;
	_ =	strace $0xD0000000  }
0x3: {  	_ = 	snop  }
0x4: {  	_ = 	snop  }
0x5: {  	_ = 	snop  }
0x6: {  	_ = 	snop  }
0x7: {  	_ = 	snop  }
__scs_overlays_trampoline_lowered:
0x8: {  	[smem:$0x3FAA] =	sst s0  }
0x9: {  	[smem:$0x3FAB] =	sst s1  }
0xa: {  	[smem:$0x3FAC] =	sst s2  }
0xb: {  	[smem:$0x3FAD] =	sst s3  }
0xc: {  	[smem:$0x3FAE] =	sst s4  }
0xd: {  	[smem:$0x3FAF] =	sst s5  }
0xe: {  	[smem:$0x3FB0] =	sst s6  }
0xf: {  	[smem:$0x3FB1] =	sst s7  }
0x10: {  	[smem:$0x3FB2] =	sst s8  }
0x11: {  	[smem:$0x3FB3] =	sst s9;
	s0 =	simm.s32 @!p0 $0x0  }
0x12: {  	s1 =	sld [smem:$0x3F99];
	s0 =	simm.s32 @p0 $0x1  }
0x13: {  	[smem:$0x3FB4] =	sst s0;
	s0 =	simm.s32 @!p1 $0x0  }
0x14: {  	s2 =	sld [smem:$0x3F98];
	s0 =	simm.s32 @p1 $0x1  }
0x15: {  	[smem:$0x3FB5] =	sst s0;
	s0 =	simm.s32 @!p2 $0x0  }
0x16: {  	s3 =	sld [smem:$0x3FDB];
	s0 =	simm.s32 @p2 $0x1  }
0x17: {  	s4 =	simm.s32 $0x1BF5;
	[smem:$0x3FB7] =	sst s0  }
0x18: {  	s0 =	sld [smem:$0x3F9A];
	_ =	swait.ge [sflag:s4], $0x0  }
0x19: {  	s7 =	sld [smem:$0x3F9B]  }
0x1a: {  	s8 =	sadd.s32 $0xFFFFE003, lr  }
0x1b: {  	s9 =	sadd.s32 $0xFFFFFEF7, lr;
	s5 =	simm.s32 $0xFFFFFFFF;
	p2 =	slt.u32 s8, $0xFFFFF086  }
0x1c: {  	p1 =	slt.u32 s9, $0xF7A;
	s5 =	simm.s32 @!p2 $0x0  }
0x1d: {  	s5 =	simm.s32 @p1 $0x1;
	p0 =	seq.s32 s7, s2  }
0x1e: {  	s7 =	smul.u32 @!p0 $0xF7A, s2;
	p2 =	seq.s32 @!p0 s5, $0x0  }
0x1f: {  	s9 =	smul.u32 $0xF7A, s1;
	s8 =	simm.s32 @!p0 $0x1BF5;
	p2 =	por !p2, p0  }
0x20: {  	[sflag:s8] =	ssyncset.s32 @!p0 $0xFFFFF086;
	s6 =	sadd.s32 @!p0 s3, s7;
	s7 =	simm.s32 @!p0 $0x108  }
0x21: {  	s3 =	sadd.s32 s3, s9;
	s6 =	sadd.s32 @!p0 $0x88, s6;
	s7 =	simm.s32 @p2 $0x1082  }
0x22: {  	[simem:s7], [sflag:s8] =	dma.local @!p0 [hbm:s6], $0xF7A  }
0x23: {  	s9 =	sor.u32 $0xD0000000, s2;
	s6 =	simm.s32 $0x108;
	_ =	swait.ge @!p0 [sflag:s8], $0x0  }
0x24: {  	s3 =	sadd.s32 $0x88, s3;
	s6 =	simm.s32 @!p1 $0x1082;
	[sflag:s4] =	ssyncset.s32 $0xFFFFF086  }
0x25: {  	[simem:s6], [sflag:s4] =	dma.local [hbm:s3], $0xF7A  }
0x26: {  	[smem:$0x3F9B] =	sst s1;
	(tag) =	ssettag s2;
	_ =	strace s9  }
0x27: {  	s1 =	sld [smem:$0x3FAB]  }
0x28: {  	s2 =	sld [smem:$0x3FAC]  }
0x29: {  	s4 =	sld [smem:$0x3FAE]  }
0x2a: {  	p0 =	seq.s32 s5, $0x0;
	s5 =	sld [smem:$0x3FAF]  }
0x2b: {  	s6 =	sld [smem:$0x3FB0]  }
0x2c: {  	s7 =	sld [smem:$0x3FB1]  }
0x2d: {  	s3 =	simm.s32 $0x108;
	s8 =	sld [smem:$0x3FB2]  }
0x2e: {  	s3 =	simm.s32 @!p0 $0x1082;
	s9 =	sld [smem:$0x3FB3]  }
0x2f: {  	lr =	sadd.s32 s0, s3;
	s0 =	sld [smem:$0x3FAA]  }
0x30: {  	s3 =	sld [smem:$0x3FAD]  }
0x31: {  	[smem:$0x3FB6] =	sst s10  }
0x32: {  	s10 =	sld [smem:$0x3FB4];
	_ =	sdelay $0x3  }
0x33: {  	p0 =	seq.s32 s10, $0x1;
	s10 =	sld [smem:$0x3FB6];
	_ =	sdelay $0x3  }
0x34: {  	[smem:$0x3FB6] =	sst s10  }
0x35: {  	s10 =	sld [smem:$0x3FB5];
	_ =	sdelay $0x3  }
0x36: {  	p1 =	seq.s32 s10, $0x1;
	s10 =	sld [smem:$0x3FB6];
	_ =	sdelay $0x3  }
0x37: {  	[smem:$0x3FB6] =	sst s10  }
0x38: {  	s10 =	sld [smem:$0x3FB7]  }
0x39: {  	_ = 	snop;
	(pc) =	sbr.ind lr, $3  }
0x3a: {  	_ = 	snop  }
0x3b: {  	_ = 	snop  }
0x3c: {  	p2 =	seq.s32 s10, $0x1;
	s10 =	sld [smem:$0x3FB6]  }
0x3d: {  	_ =	shalt  }
0x3e: {  	_ =	shalt  }
0x3f: {  	_ =	shalt  }
0x40: {  	_ =	shalt  }
0x41: {  	_ =	shalt  }
0x42: {  	_ =	shalt  }
0x43: {  	_ =	shalt  }
0x44: {  	_ =	shalt  }
0x45: {  	_ =	shalt  }
0x46: {  	_ =	shalt  }
0x47: {  	_ =	shalt  }
0x48: {  	_ =	shalt  }
0x49: {  	_ =	shalt  }
0x4a: {  	_ =	shalt  }
0x4b: {  	_ =	shalt  }
0x4c: {  	_ =	shalt  }
0x4d: {  	_ =	shalt  }
0x4e: {  	_ =	shalt  }
0x4f: {  	_ =	shalt  }
0x50: {  	_ =	shalt  }
0x51: {  	_ =	shalt  }
0x52: {  	_ =	shalt  }
0x53: {  	_ =	shalt  }
0x54: {  	_ =	shalt  }
0x55: {  	_ =	shalt  }
0x56: {  	_ =	shalt  }
0x57: {  	_ =	shalt  }
0x58: {  	_ =	shalt  }
0x59: {  	_ =	shalt  }
0x5a: {  	_ =	shalt  }
0x5b: {  	_ =	shalt  }
0x5c: {  	_ =	shalt  }
0x5d: {  	_ =	shalt  }
0x5e: {  	_ =	shalt  }
0x5f: {  	_ =	shalt  }
0x60: {  	_ =	shalt  }
0x61: {  	_ =	shalt  }
0x62: {  	_ =	shalt  }
0x63: {  	_ =	shalt  }
0x64: {  	_ =	shalt  }
0x65: {  	_ =	shalt  }
0x66: {  	_ =	shalt  }
0x67: {  	_ =	shalt  }
0x68: {  	_ =	shalt  }
0x69: {  	_ =	shalt  }
0x6a: {  	_ =	shalt  }
0x6b: {  	_ =	shalt  }
0x6c: {  	_ =	shalt  }
0x6d: {  	_ =	shalt  }
0x6e: {  	_ =	shalt  }
0x6f: {  	_ =	shalt  }
0x70: {  	_ =	shalt  }
0x71: {  	_ =	shalt  }
0x72: {  	_ =	shalt  }
0x73: {  	_ =	shalt  }
0x74: {  	_ =	shalt  }
0x75: {  	_ =	shalt  }
0x76: {  	_ =	shalt  }
0x77: {  	_ =	shalt  }
0x78: {  	_ =	shalt  }
0x79: {  	_ =	shalt  }
0x7a: {  	_ =	shalt  }
0x7b: {  	_ =	shalt  }
0x7c: {  	_ =	shalt  }
0x7d: {  	_ =	shalt  }
0x7e: {  	_ =	shalt  }
0x7f: {  	_ =	shalt  }
0x80: {  	_ =	shalt  }
0x81: {  	_ =	shalt  }
0x82: {  	_ =	shalt  }
0x83: {  	_ =	shalt  }
0x84: {  	_ =	shalt  }
0x85: {  	_ =	shalt  }
0x86: {  	_ =	shalt  }
0x87: {  	_ =	shalt  }
.Lfunc_end0:
.L_simem_size_0:
called_computation.2_lowered:
.L_overlay_start_0:
0x88: {  	s2 =	sld [smem:$0x3FD9]  }
0x89: {  	s3 =	sld [smem:$0x3FFE];
	_ =	sdelay $0x1  }
0x8a: {  	s1 =	srdreg.scid  }
0x8b: {  	s0 =	sand.u32 $0x1, s1  }
0x8c: {  	s17 =	sshll.u32 s0, $0xA;
	s2 =	sadd.s32 s3, s2  }
0x8d: {  	s2 =	sadd.s32 s2, s17  }
0x8e: {  	[smem:$0x3FC2] =	sst s2  }
0x8f: {  	_ = 	snop  }
0x90: {  	s2 =	sld [smem:$0x3FD0];
	(tm) =	ssettm $0x1  }
0x91: {  	s18 =	sld [smem:$0x3FFB];
	_ =	sdelay $0x3  }
0x92: {  	_ =	strace s18  }
0x93: {  	s3 =	sld [smem:$0x3FFC];
	_ =	sdelay $0x3  }
0x94: {  	_ =	strace s3  }
0x95: {  	s3 =	sld [smem:$0x3FFD];
	_ =	sdelay $0x3  }
0x96: {  	_ =	strace s3  }
0x97: {  	_ =	strace $0x8FFFFFFF  }
0x98: {  	s19 =	sld [smem:$0x3FDB];
	_ =	sdelay $0x1  }
0x99: {  	s4 =	simm.s32 $_scs_section_size  }
0x9a: {  	s5 =	simm.s32 $_size__tile_overlayer_lowered;
	s6 =	simm.s32 $_tile_overlayer_lowered  }
0x9b: {  	s22 =	simm.s32 $0x1BFF;
	s21 =	sshll.u32 s6, $0x1;
	s3 =	sadd.s32 s4, s19  }
0x9c: {  	s7 =	simm.s32 $0x0;
	s20 =	sshll.u32 s5, $0x1;
	s5 =	sadd.s32 s21, s3  }
0x9d: {  	[timem:s7], [sflag:s22] =	dma.local [hbm:s5], s20  }
0x9e: {  	_ =	swait.ge [sflag:s22], s20  }
0x9f: {  	s4 =	ssub.s32 $0x0, s20;
	[sflag:s22] =	ssyncset.done $0x0  }
0xa0: {  	[sflag:s22] =	ssyncadd.s32 s4;
	_ =	sdelay $0x1  }
0xa1: {  	s23 =	simm.s32 $0x1B8B  }
0xa2: {  	_ =	swait.ge [sflag:s23], $0x1  }
0xa3: {  	[sflag:s23] =	ssyncset.done $0x0  }
0xa4: {  	s25 =	simm.s32 $0x1B8E;
	s24 =	sld [smem:$0x3FFE];
	[sflag:s23] =	ssyncadd.s32 $0xFFFFFFFF  }
0xa5: {  	s26 =	simm.s32 $execute0_lowered;
	[smem:$0x3FD2] =	sst s25  }
0xa6: {  	s5 =	sshll.u32 s26, $0x1;
	_ =	strace $0x8000004C;
	[dreg:$0x1] =	wrdreg $0xFFFFFFFF  }
0xa7: {  	s28 =	simm.s32 $_size_execute0_lowered;
	s3 =	sadd.s32 s3, s5;
	[dreg:$0x0] =	wrdreg $0x0  }
0xa8: {  	s5 =	sshll.u32 s28, $0x1;
	[dreg:$0x2] =	wrdreg s3  }
0xa9: {  	[dreg:$0x3] =	wrdreg s5  }
0xaa: {  	[dreg:$0x4] =	wrdreg $0xC0  }
0xab: {  	_ =	task [dreg:s7], $0x5FFFF  }
0xac: {  	[dreg:$0x1] =	wrdreg $0xFFFFFFFF  }
0xad: {  	[dreg:$0x0] =	wrdreg $0x60  }
0xae: {  	[dreg:$0x2] =	wrdreg s24  }
0xaf: {  	[dreg:$0x3] =	wrdreg s2  }
0xb0: {  	[dreg:$0x4] =	wrdreg $0xB7800  }
0xb1: {  	[dreg:$0x5] =	wrdreg $0x9  }
0xb2: {  	_ =	task.clear_ibuf [dreg:s7], $0x6FFFF;
	_ =	strace $0x9000004C  }
0xb3: {  	s29 =	simm.s32 $0x9;
	_ =	strace $0x8000004E  }
0xb4: {  	_ =	swait.ge [sflag:s29], $0x1  }
0xb5: {  	[sflag:s29] =	ssyncadd.s32 $0xFFFFFFFF  }
0xb6: {  	_ =	strace $0x9000004E  }
0xb7: {  	_ =	sfence  }
0xb8: {  	s30 =	sld [smem:$0x0];
	_ =	sdelay $0x2  }
0xb9: {  	s31 =	sshll.u32 s1, $0xD;
	s1 =	sshrl.u32 s1, $0x2  }
0xba: {  	s3 =	sand.u32 $0x4000, s31;
	s1 =	sadd.s32 s1, s30  }
0xbb: {  	s0 =	sor.u32 s3, s0;
	s1 =	sshll.u32 s1, $0x11  }
0xbc: {  	s0 =	sor.u32 s1, s0  }
0xbd: {  	s0 =	sadd.s32 $0x8F2B, s0  }
0xbe: {  	[sflag:s0] =	ssyncadd.remote.s32 $0x1  }
0xbf: {  	_ =	sfence.sel $0xFFFF  }
0xc0: {  	[dreg:$0x0] =	wrdreg $0xFFFFFFFF;
	(pc) =	sbr.abs _section_cstart, $3  }
0xc1: {  	[dreg:$0x1] =	wrdreg $0xFFFFFFFF  }
0xc2: {  	_ =	task.clear_ibuf [dreg:s7], $0x2FFFF;
	_ =	strace $0x9FFFFFFF  }
0xc3: {  	(tm) =	ssettm $0x7FFFFFFF  }
tec
execute0_lowered:
.L_overlay_start_1:
0x0: {  	(tag) =	ssettag $0x1  }
0x1: {  	s0 =	srdreg.scid;
	s1 =	rddreg [dreg:$0x0]  }
0x2: {  	s5 =	rddreg [dreg:$0x1];
	s19 =	stileid.u32  }
0x3: {  	s2 =	rddreg [dreg:$0x2];
	s21 =	simm.s32 $0x5;
	s28 =	simm.s32 $0x8F80  }
0x4: {  	s30 =	simm.s32 $0xA380;
	s31 =	simm.s32 $0x1;
	s20 =	simm.s32 $0x4  }
0x5: {  	s29 =	simm.s32 $0x0;
	s0 =	sand.u32 $0x1, s0;
	s9 =	smul.u32 $0x2700, s19  }
0x6: {  	s22 =	sshll.u32 s19, $0x7;
	s11 =	smul.u32 $0x4E000, s19;
	p0 =	sne.s32 s19, $0xF  }
0x7: {  	s3 =	sshll.u32 s0, $0x4;
	s8 =	sand.u32 $0x380, s22;
	s24 =	smul.u32 $0x27100, s0  }
0x8: {  	s23 =	ssub.s32 $0x2, s0;
	s0 =	smul.u32 $0x138800, s0;
	s6 =	sor.u32 s19, s3  }
0x9: {  	s3 =	simm.s32 $0x0;
	s10 =	sshrl.u32 s23, $0x1;
	s25 =	sshrl.u32 s11, $0x2  }
0xa: {  	s19 =	simm.s32 $0x3;
	s4 =	sshrl.u32 s6, $0x3;
	[smem:$0x7FF] =	sst s3  }
0xb: {  	s12 =	ssub.s32 s23, s10;
	s6 =	sshll.u32 s6, $0xB;
	s7 =	smul.u32 $0x13C00, s4  }
0xc: {  	s26 =	sadd.s32 s9, s24;
	s0 =	sshrl.u32 s0, $0x3;
	s9 =	sadd.s32 $0x138000, s2  }
0xd: {  	s23 =	simm.s32 $0x6780;
	s24 =	simm.s32 $0x28;
	s7 =	sor.u32 s8, s7  }
0xe: {  	_ =	strace $0x8000004D;
	s4 =	sadd.s32 $0xBE00, s1;
	s7 =	sshrl.u32 s7, $0x3  }
0xf: {  	s5 =	sadd.s32 s5, s6;
	s12 =	smax.u32 s12, $0x1;
	s7 =	sadd.s32 s7, s1  }
0x10: {  	[dreg:$0x5] =	wrdreg s5;
	s1 =	sadd.s32 $0x33000, s1;
	s7 =	sadd.s32 $0x2000, s7  }
0x11: {  	s10 =	sadd.s32 s1, s26;
	s0 =	sadd.s32 s1, s0;
	s26 =	simm.s32 $0x50  }
0x12: {  	s1 =	simm.s32 $0x2;
	[dreg:$0x4] =	wrdreg s7;
	s7 =	sadd.s32 s25, s2  }
0x13: {  	s11 =	sadd.s32 $0x27000, s0;
	s25 =	simm.s32 $0x7B80;
	s8 =	sadd.s32 $0x11800, s7  }
0x14: {  	s13 =	sadd.s32 $0x2800, s7;
	s14 =	sadd.s32 $0x5000, s7;
	s15 =	sadd.s32 $0x7800, s7  }
0x15: {  	v0 =	vimm.f32 $0.0e+00;
	s16 =	sadd.s32 $0xA000, s7;
	s17 =	sadd.s32 $0xC800, s7;
	s18 =	sadd.s32 $0xF000, s7  }
.LBB2_1:
0x16: {  	s0 =	rddreg [dreg:$0x4];
	s5 =	simm.s32 $0x80;
	s6 =	simm.s32 $0x400  }
0x17: {  	[tilespmem:s3], [sflag:$0x5] =	stream.strided.gather [hbm4b:s0+s5], $0x2780, s6, s5, $0x38;
	[tilespmem:$0x1F000] =	vst v63  }
0x18: {  	_ =	swait.ge [sflag:s21], $0x2780  }
0x19: {  	[sflag:s21] =	ssyncset.done $0x0  }
0x1a: {  	s22 =	simm.s32 $0x2780;
	s6 =	rddreg [dreg:$0x5];
	[sflag:s21] =	ssyncadd.s32 $0xFFFFD880  }
0x1b: {  	[tilespmem:s22], [sflag:$0x5] =	stream.linear.gather [hbm4b:s6+s3], $0x3E80, $0x38;
	[tilespmem:$0x1F000] =	vst v63  }
0x1c: {  	s5 =	sand.u32 $0xFE00, s3;
	s0 =	simm.s32 $0x40;
	_ =	swait.ge [sflag:s21], $0x3E80  }
0x1d: {  	s6 =	sand.u32 $0x70, s3;
	s22 =	sshrl.u32 s5, $0x2;
	[sflag:s21] =	ssyncset.done $0x0  }
0x1e: {  	s5 =	sor.u32 s6, s22;
	s22 =	simm.s32 $0x0;
	[sflag:s21] =	ssyncadd.s32 $0xFFFFC180  }
.LBB2_2:
0x1f: {  	p1 =	sne.s32 s0, $0x9FC0  }
0x20: {  	[tilespmem:s5+$0x6780] =	vst v0;
	s22 =	sadd.s32 $0x10, s22;
	s5 =	smov.u32 s0;
	s0 =	sadd.s32 $0x40, s0  }
.Ltmp0:
0x21: {  	(pc) =	sbr.rel @p1 .LBB2_2-.Ltmp0, $4  }
0x22: {  	_ = 	snop  }
0x23: {  	s5 =	sand.u32 $0xFE00, s5  }
0x24: {  	s6 =	sand.u32 $0x70, s22;
	s5 =	sshrl.u32 s5, $0x2  }
0x25: {  	s5 =	sor.u32 s6, s5  }
0x26: {  	[tilespmem:s5+$0x6780] =	vst v0  }
0x27: {  	[spmem:s7] =	stream.linear.scatter [tilespmem:s23], [sflag:$0x5], $0x2800, $0x38;
	[tilespmem:$0x1F000] =	vst v63  }
0x28: {  	_ =	swait.ge [sflag:s21], $0x2800  }
0x29: {  	[sflag:s21] =	ssyncset.done $0x0  }
0x2a: {  	[sflag:s21] =	ssyncadd.s32 $0xFFFFD800  }
0x2b: {  	[spmem:s13] =	stream.linear.scatter [tilespmem:s23], [sflag:$0x5], $0x2800, $0x38;
	[tilespmem:$0x1F000] =	vst v63  }
0x2c: {  	_ =	swait.ge [sflag:s21], $0x2800  }
0x2d: {  	[sflag:s21] =	ssyncset.done $0x0  }
0x2e: {  	[sflag:s21] =	ssyncadd.s32 $0xFFFFD800  }
0x2f: {  	[spmem:s14] =	stream.linear.scatter [tilespmem:s23], [sflag:$0x5], $0x2800, $0x38;
	[tilespmem:$0x1F000] =	vst v63  }
0x30: {  	_ =	swait.ge [sflag:s21], $0x2800  }
0x31: {  	[sflag:s21] =	ssyncset.done $0x0  }
0x32: {  	[sflag:s21] =	ssyncadd.s32 $0xFFFFD800  }
0x33: {  	[spmem:s15] =	stream.linear.scatter [tilespmem:s23], [sflag:$0x5], $0x2800, $0x38;
	[tilespmem:$0x1F000] =	vst v63  }
0x34: {  	_ =	swait.ge [sflag:s21], $0x2800  }
0x35: {  	[sflag:s21] =	ssyncset.done $0x0  }
0x36: {  	[sflag:s21] =	ssyncadd.s32 $0xFFFFD800  }
0x37: {  	[spmem:s16] =	stream.linear.scatter [tilespmem:s23], [sflag:$0x5], $0x2800, $0x38;
	[tilespmem:$0x1F000] =	vst v63  }
0x38: {  	_ =	swait.ge [sflag:s21], $0x2800  }
0x39: {  	[sflag:s21] =	ssyncset.done $0x0  }
0x3a: {  	[sflag:s21] =	ssyncadd.s32 $0xFFFFD800  }
0x3b: {  	[spmem:s17] =	stream.linear.scatter [tilespmem:s23], [sflag:$0x5], $0x2800, $0x38;
	[tilespmem:$0x1F000] =	vst v63  }
0x3c: {  	_ =	swait.ge [sflag:s21], $0x2800  }
0x3d: {  	[sflag:s21] =	ssyncset.done $0x0  }
0x3e: {  	[sflag:s21] =	ssyncadd.s32 $0xFFFFD800  }
0x3f: {  	[spmem:s18] =	stream.linear.scatter [tilespmem:s23], [sflag:$0x5], $0x2800, $0x38;
	[tilespmem:$0x1F000] =	vst v63  }
0x40: {  	_ =	swait.ge [sflag:s21], $0x2800  }
0x41: {  	[sflag:s21] =	ssyncset.done $0x0  }
0x42: {  	[sflag:s21] =	ssyncadd.s32 $0xFFFFD800  }
0x43: {  	[spmem:s8] =	stream.linear.scatter [tilespmem:s23], [sflag:$0x5], $0x2000, $0x38;
	[tilespmem:$0x1F000] =	vst v63  }
0x44: {  	_ =	swait.ge [sflag:s21], $0x2000  }
0x45: {  	[sflag:s21] =	ssyncset.done $0x0  }
0x46: {  	s0 =	simm.s32 @!p0 $0x6780;
	[sflag:s21] =	ssyncadd.s32 $0xFFFFE000  }
0x47: {  	[spmem:s9] =	stream.linear.scatter @!p0 [tilespmem:s0], [sflag:$0x5], $0x800, $0x38;
	[tilespmem:$0x1F000] =	vst v63  }
0x48: {  	s0 =	simm.s32 @!p0 $0x5  }
0x49: {  	_ =	swait.ge @!p0 [sflag:s0], $0x800  }
0x4a: {  	[sflag:s0] =	ssyncset.done @!p0 $0x0  }
0x4b: {  	[sflag:s0] =	ssyncadd.s32 @!p0 $0xFFFFF800  }
0x4c: {  	s22 =	simm.s32 $0x0;
	[bflag:$0x0] =	sbarrier.arrive $0xFFFF  }
0x4d: {  	[tilespmem:s23], [sflag:$0x1] =	stream.indirect.gather [hbm4b:s4+s24], $0x80, s22, s24, $0xb8;
	[tilespmem:$0x1F000] =	vst v63  }
0x4e: {  	_ = 	snop  }
0x4f: {  	[tilespmem:s25], [sflag:$0x2] =	stream.indirect.gather [hbm4b:s4+s24], $0x80, s24, s24, $0xb8;
	[tilespmem:$0x1F000] =	vst v63  }
0x50: {  	_ = 	snop  }
0x51: {  	[tilespmem:s28], [sflag:$0x3] =	stream.indirect.gather [hbm4b:s4+s24], $0x80, s26, s24, $0xb8;
	[tilespmem:$0x1F000] =	vst v63  }
0x52: {  	s5 =	simm.s32 $0x78  }
0x53: {  	[tilespmem:s30], [sflag:$0x4] =	stream.indirect.gather [hbm4b:s4+s24], $0x80, s5, s24, $0xb8;
	[tilespmem:$0x1F000] =	vst v63  }
0x54: {  	_ =	swait.ge [sflag:s31], $0x1400  }
0x55: {  	[sflag:s31] =	ssyncset.done $0x0  }
0x56: {  	[sflag:s31] =	ssyncadd.s32 $0xFFFFEC00  }
0x57: {  	_ =	swait.ge [sflag:s1], $0x1400  }
0x58: {  	[sflag:s1] =	ssyncset.done $0x0  }
0x59: {  	s6 =	simm.s32 $0x2780;
	[sflag:s1] =	ssyncadd.s32 $0xFFFFEC00  }
0x5a: {  	[spmem:s2] =	stream.indirect.scatter.add.f32 [tilespmem:s23], [sflag:$0x5], $0x80, s6, s26, $0xb8;
	[tilespmem:$0x1F000] =	vst v63  }
0x5b: {  	_ =	swait.ge [sflag:s21], $0x2800  }
0x5c: {  	[sflag:s21] =	ssyncset.done $0x0  }
0x5d: {  	s22 =	simm.s32 $0xA0;
	[sflag:s21] =	ssyncadd.s32 $0xFFFFD800  }
0x5e: {  	[tilespmem:s23], [sflag:$0x1] =	stream.indirect.gather [hbm4b:s4+s24], $0x80, s22, s24, $0xb8;
	[tilespmem:$0x1F000] =	vst v63  }
0x5f: {  	s5 =	simm.s32 $0xC8  }
0x60: {  	[tilespmem:s25], [sflag:$0x2] =	stream.indirect.gather [hbm4b:s4+s24], $0x80, s5, s24, $0xb8;
	[tilespmem:$0x1F000] =	vst v63  }
0x61: {  	_ =	swait.ge [sflag:s19], $0x1400  }
0x62: {  	[sflag:s19] =	ssyncset.done $0x0  }
0x63: {  	[sflag:s19] =	ssyncadd.s32 $0xFFFFEC00  }
0x64: {  	_ =	swait.ge [sflag:s20], $0x1400  }
0x65: {  	[sflag:s20] =	ssyncset.done $0x0  }
0x66: {  	s6 =	simm.s32 $0x2800;
	[sflag:s20] =	ssyncadd.s32 $0xFFFFEC00  }
0x67: {  	[spmem:s2] =	stream.indirect.scatter.add.f32 [tilespmem:s28], [sflag:$0x5], $0x80, s6, s26, $0xb8;
	[tilespmem:$0x1F000] =	vst v63  }
0x68: {  	_ =	swait.ge [sflag:s21], $0x2800  }
0x69: {  	[sflag:s21] =	ssyncset.done $0x0  }
0x6a: {  	s22 =	simm.s32 $0xF0;
	[sflag:s21] =	ssyncadd.s32 $0xFFFFD800  }
0x6b: {  	[tilespmem:s28], [sflag:$0x3] =	stream.indirect.gather [hbm4b:s4+s24], $0x80, s22, s24, $0xb8;
	[tilespmem:$0x1F000] =	vst v63  }
0x6c: {  	s0 =	simm.s32 $0x280;
	s5 =	simm.s32 $0x118;
	s22 =	simm.s32 $0x2900  }
.LBB2_4:
0x6d: {  	[tilespmem:s30], [sflag:$0x4] =	stream.indirect.gather [hbm4b:s4+s24], $0x80, s5, s24, $0xb8;
	[tilespmem:$0x1F000] =	vst v63  }
0x6e: {  	s5 =	smov.u32 s0  }
0x6f: {  	p1 =	sne.s32 s0, $0x9600;
	s0 =	sadd.s32 $0x280, s0;
	_ =	swait.ge [sflag:s31], $0x1400  }
0x70: {  	[sflag:s31] =	ssyncset.done $0x0  }
0x71: {  	[sflag:s31] =	ssyncadd.s32 $0xFFFFEC00  }
0x72: {  	_ =	swait.ge [sflag:s1], $0x1400  }
0x73: {  	[sflag:s1] =	ssyncset.done $0x0  }
0x74: {  	s6 =	sadd.s32 $0xFFFFFF80, s22;
	[sflag:s1] =	ssyncadd.s32 $0xFFFFEC00  }
0x75: {  	[spmem:s2] =	stream.indirect.scatter.add.f32 [tilespmem:s23], [sflag:$0x5], $0x80, s6, s26, $0xb8;
	[tilespmem:$0x1F000] =	vst v63  }
0x76: {  	_ =	swait.ge [sflag:s21], $0x2800  }
0x77: {  	s5 =	sshra.s32 s5, $0x2;
	[sflag:s21] =	ssyncset.done $0x0  }
0x78: {  	s6 =	sadd.s32 $0xA0, s5;
	[sflag:s21] =	ssyncadd.s32 $0xFFFFD800  }
0x79: {  	[tilespmem:s23], [sflag:$0x1] =	stream.indirect.gather [hbm4b:s4+s24], $0x80, s6, s24, $0xb8;
	[tilespmem:$0x1F000] =	vst v63  }
0x7a: {  	s6 =	sadd.s32 $0xC8, s5  }
0x7b: {  	[tilespmem:s25], [sflag:$0x2] =	stream.indirect.gather [hbm4b:s4+s24], $0x80, s6, s24, $0xb8;
	[tilespmem:$0x1F000] =	vst v63  }
0x7c: {  	_ =	swait.ge [sflag:s19], $0x1400  }
0x7d: {  	[sflag:s19] =	ssyncset.done $0x0  }
0x7e: {  	[sflag:s19] =	ssyncadd.s32 $0xFFFFEC00  }
0x7f: {  	_ =	swait.ge [sflag:s20], $0x1400  }
0x80: {  	[sflag:s20] =	ssyncset.done $0x0  }
0x81: {  	[sflag:s20] =	ssyncadd.s32 $0xFFFFEC00  }
0x82: {  	[spmem:s2] =	stream.indirect.scatter.add.f32 [tilespmem:s28], [sflag:$0x5], $0x80, s22, s26, $0xb8;
	[tilespmem:$0x1F000] =	vst v63  }
.Ltmp1:
0x83: {  	_ =	swait.ge [sflag:s21], $0x2800;
	(pc) =	sbr.rel @p1 .LBB2_4-.Ltmp1, $4  }
0x84: {  	[sflag:s21] =	ssyncset.done $0x0  }
0x85: {  	s6 =	sadd.s32 $0xF0, s5;
	[sflag:s21] =	ssyncadd.s32 $0xFFFFD800  }
0x86: {  	[tilespmem:s28], [sflag:$0x3] =	stream.indirect.gather [hbm4b:s4+s24], $0x80, s6, s24, $0xb8;
	[tilespmem:$0x1F000] =	vst v63  }
0x87: {  	s5 =	sadd.s32 $0x118, s5;
	s22 =	sadd.s32 $0x100, s22  }
0x88: {  	[tilespmem:s30], [sflag:$0x4] =	stream.indirect.gather [hbm4b:s4+s24], $0x80, s5, s24, $0xb8;
	[tilespmem:$0x1F000] =	vst v63  }
0x89: {  	_ =	swait.ge [sflag:s31], $0x1400  }
0x8a: {  	[sflag:s31] =	ssyncset.done $0x0  }
0x8b: {  	[sflag:s31] =	ssyncadd.s32 $0xFFFFEC00  }
0x8c: {  	_ =	swait.ge [sflag:s1], $0x1400  }
0x8d: {  	[sflag:s1] =	ssyncset.done $0x0  }
0x8e: {  	s0 =	simm.s32 $0x6480;
	[sflag:s1] =	ssyncadd.s32 $0xFFFFEC00  }
0x8f: {  	[spmem:s2] =	stream.indirect.scatter.add.f32 [tilespmem:s23], [sflag:$0x5], $0x80, s0, s26, $0xb8;
	[tilespmem:$0x1F000] =	vst v63  }
0x90: {  	_ =	swait.ge [sflag:s21], $0x2800  }
0x91: {  	[sflag:s21] =	ssyncset.done $0x0  }
0x92: {  	s5 =	simm.s32 $0x26C0;
	[sflag:s21] =	ssyncadd.s32 $0xFFFFD800  }
0x93: {  	[tilespmem:s23], [sflag:$0x1] =	stream.indirect.gather [hbm4b:s4+s24], $0x80, s5, s24, $0xb8;
	[tilespmem:$0x1F000] =	vst v63  }
0x94: {  	s6 =	simm.s32 $0x26E8  }
0x95: {  	[tilespmem:s25], [sflag:$0x2] =	stream.indirect.gather [hbm4b:s4+s24], $0x80, s6, s24, $0xb8;
	[tilespmem:$0x1F000] =	vst v63  }
0x96: {  	_ =	swait.ge [sflag:s19], $0x1400  }
0x97: {  	[sflag:s19] =	ssyncset.done $0x0  }
0x98: {  	[sflag:s19] =	ssyncadd.s32 $0xFFFFEC00  }
0x99: {  	_ =	swait.ge [sflag:s20], $0x1400  }
0x9a: {  	[sflag:s20] =	ssyncset.done $0x0  }
0x9b: {  	s22 =	simm.s32 $0x6500;
	[sflag:s20] =	ssyncadd.s32 $0xFFFFEC00  }
0x9c: {  	[spmem:s2] =	stream.indirect.scatter.add.f32 [tilespmem:s28], [sflag:$0x5], $0x80, s22, s26, $0xb8;
	[tilespmem:$0x1F000] =	vst v63  }
0x9d: {  	_ =	swait.ge [sflag:s21], $0x2800  }
0x9e: {  	[sflag:s21] =	ssyncset.done $0x0  }
0x9f: {  	[sflag:s21] =	ssyncadd.s32 $0xFFFFD800  }
0xa0: {  	_ =	swait.ge [sflag:s31], $0x1400  }
0xa1: {  	[sflag:s31] =	ssyncset.done $0x0  }
0xa2: {  	[sflag:s31] =	ssyncadd.s32 $0xFFFFEC00  }
0xa3: {  	_ =	swait.ge [sflag:s1], $0x1400  }
0xa4: {  	[sflag:s1] =	ssyncset.done $0x0  }
0xa5: {  	s5 =	simm.s32 $0x6580;
	[sflag:s1] =	ssyncadd.s32 $0xFFFFEC00  }
0xa6: {  	[spmem:s2] =	stream.indirect.scatter.add.f32 [tilespmem:s23], [sflag:$0x5], $0x80, s5, s26, $0xb8;
	[tilespmem:$0x1F000] =	vst v63  }
0xa7: {  	_ =	swait.ge [sflag:s21], $0x2800  }
0xa8: {  	s6 =	stileid.u32;
	[sflag:s21] =	ssyncset.done $0x0  }
0xa9: {  	s0 =	sshll.u32 s6, $0x6;
	[sflag:s21] =	ssyncadd.s32 $0xFFFFD800  }
0xaa: {  	s0 =	sor.u32 $0x1C05, s0;
	s22 =	sshrl.u32 s7, $0x3;
	[bflag:$0x0] =	sbarrier.arrive $0xFFFF  }
0xab: {  	[hbm:s10], [sflag:s0] =	dma.local [spmem:s22], $0x2700  }
0xac: {  	_ =	swait.ge [sflag:s21], $0x2700  }
0xad: {  	s29 =	sadd.s32 $0x1, s29;
	[sflag:s21] =	ssyncset.done $0x0  }
0xae: {  	p1 =	sne.s32 s29, s12;
	s5 =	sshrl.u32 @!p0 s9, $0x3;
	[sflag:s21] =	ssyncadd.s32 $0xFFFFD900  }
0xaf: {  	[hbm:s11], [sflag:s0] =	dma.local @!p0 [spmem:s5], $0x100  }
.Ltmp2:
0xb0: {  	_ = 	snop;
	(pc) =	sbr.rel @p1 .LBB2_1-.Ltmp2, $4  }
0xb1: {  	s0 =	simm.s32 @!p0 $0x5  }
0xb2: {  	_ =	swait.ge @!p0 [sflag:s0], $0x100  }
0xb3: {  	[sflag:s0] =	ssyncset.done @!p0 $0x0  }
0xb4: {  	[sflag:s0] =	ssyncadd.s32 @!p0 $0xFFFFFF00  }
0xb5: {  	_ =	sfence.sel $0x180000  }
0xb6: {  	[bflag:$0x0] =	sbarrier.arrive $0xFFFF  }
0xb7: {  	_ =	strace $0x9000004D  }
0xb8: {  	s0 =	stileid.u32;
	[bflag:$0x2] =	sbarrier.arrive $0xFFFF  }
0xb9: {  	p0 =	sne.s32 s0, $0x0;
	s0 =	rddreg [dreg:$0x3]  }
0xba: {  	s0 =	sadd.s32 @!p0 $0x100000, s0  }
0xbb: {  	[sflag:s0] =	ssyncadd.tile.s32 @!p0 $0x1;
	_ =	shalt  }
.Lfunc_end2:
_tile_overlayer_lowered:
.L_overlay_start_2:
0xbc: {  	(tag) =	ssettag $0x2  }
0xbd: {  	s0 =	rddreg [dreg:$0x0];
	s2 =	stileid.u32  }
0xbe: {  	s1 =	rddreg [dreg:$0x1];
	p0 =	sne.s32 s2, $0x0  }
0xbf: {  	s3 =	rddreg [dreg:$0x2];
	[bflag:$0x3] =	sbarrier.arrive $0xFFFF;
	s2 =	simm.s32 @!p0 $0x1C05  }
0xc0: {  	[timem:s3], [sflag:s2] =	dma.local @!p0 [hbm:s0], s1  }
0xc1: {  	s0 =	simm.s32 @!p0 $0x5  }
0xc2: {  	_ =	swait.ge @!p0 [sflag:s0], s1  }
0xc3: {  	s1 =	ssub.s32 @!p0 $0x0, s1;
	[sflag:s0] =	ssyncset.done @!p0 $0x0  }
0xc4: {  	[sflag:s0] =	ssyncadd.s32 @!p0 s1  }
0xc5: {  	[bflag:$0x3] =	sbarrier.arrive $0xFFFF  }
0xc6: {  	_ =	shalt  }

// kernel: kernel.9.cloned.1.call-start
scs
__scs_entry_jumppad:
0x0: {  	(pc) =	sbr.rel $0x88, $3  }
0x1: {  	(tag) =	ssettag $0x0;
	lr =	simm.s32 $0x1  }
0x2: {  	[smem:$0x3F9B] =	sst lr;
	_ =	strace $0xD0000000  }
0x3: {  	_ = 	snop  }
0x4: {  	_ = 	snop  }
0x5: {  	_ = 	snop  }
0x6: {  	_ = 	snop  }
0x7: {  	_ = 	snop  }
__scs_overlays_trampoline_lowered:
0x8: {  	[smem:$0x3FAA] =	sst s0  }
0x9: {  	[smem:$0x3FAB] =	sst s1  }
0xa: {  	[smem:$0x3FAC] =	sst s2  }
0xb: {  	[smem:$0x3FAD] =	sst s3  }
0xc: {  	[smem:$0x3FAE] =	sst s4  }
0xd: {  	[smem:$0x3FAF] =	sst s5  }
0xe: {  	[smem:$0x3FB0] =	sst s6  }
0xf: {  	[smem:$0x3FB1] =	sst s7  }
0x10: {  	[smem:$0x3FB2] =	sst s8  }
0x11: {  	[smem:$0x3FB3] =	sst s9;
	s0 =	simm.s32 @!p0 $0x0  }
0x12: {  	s1 =	sld [smem:$0x3F99];
	s0 =	simm.s32 @p0 $0x1  }
0x13: {  	[smem:$0x3FB4] =	sst s0;
	s0 =	simm.s32 @!p1 $0x0  }
0x14: {  	s2 =	sld [smem:$0x3F98];
	s0 =	simm.s32 @p1 $0x1  }
0x15: {  	[smem:$0x3FB5] =	sst s0;
	s0 =	simm.s32 @!p2 $0x0  }
0x16: {  	s3 =	sld [smem:$0x3FDB];
	s0 =	simm.s32 @p2 $0x1  }
0x17: {  	s4 =	simm.s32 $0x1BF5;
	[smem:$0x3FB7] =	sst s0  }
0x18: {  	s0 =	sld [smem:$0x3F9A];
	_ =	swait.ge [sflag:s4], $0x0  }
0x19: {  	s7 =	sld [smem:$0x3F9B]  }
0x1a: {  	s8 =	sadd.s32 $0xFFFFE003, lr  }
0x1b: {  	s9 =	sadd.s32 $0xFFFFFEF7, lr;
	s5 =	simm.s32 $0xFFFFFFFF;
	p2 =	slt.u32 s8, $0xFFFFF086  }
0x1c: {  	p1 =	slt.u32 s9, $0xF7A;
	s5 =	simm.s32 @!p2 $0x0  }
0x1d: {  	s5 =	simm.s32 @p1 $0x1;
	p0 =	seq.s32 s7, s2  }
0x1e: {  	s7 =	smul.u32 @!p0 $0xF7A, s2;
	p2 =	seq.s32 @!p0 s5, $0x0  }
0x1f: {  	s9 =	smul.u32 $0xF7A, s1;
	s8 =	simm.s32 @!p0 $0x1BF5;
	p2 =	por !p2, p0  }
0x20: {  	[sflag:s8] =	ssyncset.s32 @!p0 $0xFFFFF086;
	s6 =	sadd.s32 @!p0 s3, s7;
	s7 =	simm.s32 @!p0 $0x108  }
0x21: {  	s3 =	sadd.s32 s3, s9;
	s6 =	sadd.s32 @!p0 $0x88, s6;
	s7 =	simm.s32 @p2 $0x1082  }
0x22: {  	[simem:s7], [sflag:s8] =	dma.local @!p0 [hbm:s6], $0xF7A  }
0x23: {  	s9 =	sor.u32 $0xD0000000, s2;
	s6 =	simm.s32 $0x108;
	_ =	swait.ge @!p0 [sflag:s8], $0x0  }
0x24: {  	s3 =	sadd.s32 $0x88, s3;
	s6 =	simm.s32 @!p1 $0x1082;
	[sflag:s4] =	ssyncset.s32 $0xFFFFF086  }
0x25: {  	[simem:s6], [sflag:s4] =	dma.local [hbm:s3], $0xF7A  }
0x26: {  	[smem:$0x3F9B] =	sst s1;
	(tag) =	ssettag s2;
	_ =	strace s9  }
0x27: {  	s1 =	sld [smem:$0x3FAB]  }
0x28: {  	s2 =	sld [smem:$0x3FAC]  }
0x29: {  	s4 =	sld [smem:$0x3FAE]  }
0x2a: {  	p0 =	seq.s32 s5, $0x0;
	s5 =	sld [smem:$0x3FAF]  }
0x2b: {  	s6 =	sld [smem:$0x3FB0]  }
0x2c: {  	s7 =	sld [smem:$0x3FB1]  }
0x2d: {  	s3 =	simm.s32 $0x108;
	s8 =	sld [smem:$0x3FB2]  }
0x2e: {  	s3 =	simm.s32 @!p0 $0x1082;
	s9 =	sld [smem:$0x3FB3]  }
0x2f: {  	lr =	sadd.s32 s0, s3;
	s0 =	sld [smem:$0x3FAA]  }
0x30: {  	s3 =	sld [smem:$0x3FAD]  }
0x31: {  	[smem:$0x3FB6] =	sst s10  }
0x32: {  	s10 =	sld [smem:$0x3FB4];
	_ =	sdelay $0x3  }
0x33: {  	p0 =	seq.s32 s10, $0x1;
	s10 =	sld [smem:$0x3FB6];
	_ =	sdelay $0x3  }
0x34: {  	[smem:$0x3FB6] =	sst s10  }
0x35: {  	s10 =	sld [smem:$0x3FB5];
	_ =	sdelay $0x3  }
0x36: {  	p1 =	seq.s32 s10, $0x1;
	s10 =	sld [smem:$0x3FB6];
	_ =	sdelay $0x3  }
0x37: {  	[smem:$0x3FB6] =	sst s10  }
0x38: {  	s10 =	sld [smem:$0x3FB7]  }
0x39: {  	_ = 	snop;
	(pc) =	sbr.ind lr, $3  }
0x3a: {  	_ = 	snop  }
0x3b: {  	_ = 	snop  }
0x3c: {  	p2 =	seq.s32 s10, $0x1;
	s10 =	sld [smem:$0x3FB6]  }
0x3d: {  	_ =	shalt  }
0x3e: {  	_ =	shalt  }
0x3f: {  	_ =	shalt  }
0x40: {  	_ =	shalt  }
0x41: {  	_ =	shalt  }
0x42: {  	_ =	shalt  }
0x43: {  	_ =	shalt  }
0x44: {  	_ =	shalt  }
0x45: {  	_ =	shalt  }
0x46: {  	_ =	shalt  }
0x47: {  	_ =	shalt  }
0x48: {  	_ =	shalt  }
0x49: {  	_ =	shalt  }
0x4a: {  	_ =	shalt  }
0x4b: {  	_ =	shalt  }
0x4c: {  	_ =	shalt  }
0x4d: {  	_ =	shalt  }
0x4e: {  	_ =	shalt  }
0x4f: {  	_ =	shalt  }
0x50: {  	_ =	shalt  }
0x51: {  	_ =	shalt  }
0x52: {  	_ =	shalt  }
0x53: {  	_ =	shalt  }
0x54: {  	_ =	shalt  }
0x55: {  	_ =	shalt  }
0x56: {  	_ =	shalt  }
0x57: {  	_ =	shalt  }
0x58: {  	_ =	shalt  }
0x59: {  	_ =	shalt  }
0x5a: {  	_ =	shalt  }
0x5b: {  	_ =	shalt  }
0x5c: {  	_ =	shalt  }
0x5d: {  	_ =	shalt  }
0x5e: {  	_ =	shalt  }
0x5f: {  	_ =	shalt  }
0x60: {  	_ =	shalt  }
0x61: {  	_ =	shalt  }
0x62: {  	_ =	shalt  }
0x63: {  	_ =	shalt  }
0x64: {  	_ =	shalt  }
0x65: {  	_ =	shalt  }
0x66: {  	_ =	shalt  }
0x67: {  	_ =	shalt  }
0x68: {  	_ =	shalt  }
0x69: {  	_ =	shalt  }
0x6a: {  	_ =	shalt  }
0x6b: {  	_ =	shalt  }
0x6c: {  	_ =	shalt  }
0x6d: {  	_ =	shalt  }
0x6e: {  	_ =	shalt  }
0x6f: {  	_ =	shalt  }
0x70: {  	_ =	shalt  }
0x71: {  	_ =	shalt  }
0x72: {  	_ =	shalt  }
0x73: {  	_ =	shalt  }
0x74: {  	_ =	shalt  }
0x75: {  	_ =	shalt  }
0x76: {  	_ =	shalt  }
0x77: {  	_ =	shalt  }
0x78: {  	_ =	shalt  }
0x79: {  	_ =	shalt  }
0x7a: {  	_ =	shalt  }
0x7b: {  	_ =	shalt  }
0x7c: {  	_ =	shalt  }
0x7d: {  	_ =	shalt  }
0x7e: {  	_ =	shalt  }
0x7f: {  	_ =	shalt  }
0x80: {  	_ =	shalt  }
0x81: {  	_ =	shalt  }
0x82: {  	_ =	shalt  }
0x83: {  	_ =	shalt  }
0x84: {  	_ =	shalt  }
0x85: {  	_ =	shalt  }
0x86: {  	_ =	shalt  }
0x87: {  	_ =	shalt  }
.Lfunc_end0:
.L_simem_size_0:
called_computation_lowered:
.L_overlay_start_0:
0x88: {  	s2 =	sld [smem:$0x3FD9]  }
0x89: {  	s3 =	sld [smem:$0x3FFE];
	_ =	sdelay $0x1  }
0x8a: {  	s1 =	srdreg.scid  }
0x8b: {  	s0 =	sand.u32 $0x1, s1  }
0x8c: {  	s17 =	sshll.u32 s0, $0xA;
	s2 =	sadd.s32 s3, s2  }
0x8d: {  	s2 =	sadd.s32 s2, s17  }
0x8e: {  	[smem:$0x3FC2] =	sst s2  }
0x8f: {  	_ = 	snop  }
0x90: {  	s2 =	sld [smem:$0x3FD0];
	(tm) =	ssettm $0x1  }
0x91: {  	s18 =	sld [smem:$0x3FFB];
	_ =	sdelay $0x3  }
0x92: {  	_ =	strace s18  }
0x93: {  	s3 =	sld [smem:$0x3FFC];
	_ =	sdelay $0x3  }
0x94: {  	_ =	strace s3  }
0x95: {  	s3 =	sld [smem:$0x3FFD];
	_ =	sdelay $0x3  }
0x96: {  	_ =	strace s3  }
0x97: {  	_ =	strace $0x8FFFFFFF  }
0x98: {  	s19 =	sld [smem:$0x3FDB];
	_ =	sdelay $0x1  }
0x99: {  	s4 =	simm.s32 $_scs_section_size  }
0x9a: {  	s5 =	simm.s32 $_size__tile_overlayer_lowered;
	s6 =	simm.s32 $_tile_overlayer_lowered  }
0x9b: {  	s22 =	simm.s32 $0x1BFF;
	s21 =	sshll.u32 s6, $0x1;
	s3 =	sadd.s32 s4, s19  }
0x9c: {  	s7 =	simm.s32 $0x0;
	s20 =	sshll.u32 s5, $0x1;
	s5 =	sadd.s32 s21, s3  }
0x9d: {  	[timem:s7], [sflag:s22] =	dma.local [hbm:s5], s20  }
0x9e: {  	_ =	swait.ge [sflag:s22], s20  }
0x9f: {  	s4 =	ssub.s32 $0x0, s20;
	[sflag:s22] =	ssyncset.done $0x0  }
0xa0: {  	[sflag:s22] =	ssyncadd.s32 s4;
	_ =	sdelay $0x1  }
0xa1: {  	s23 =	simm.s32 $0x1B8B  }
0xa2: {  	_ =	swait.ge [sflag:s23], $0x1  }
0xa3: {  	[sflag:s23] =	ssyncset.done $0x0  }
0xa4: {  	s25 =	simm.s32 $0x1B8E;
	s24 =	sld [smem:$0x3FFE];
	[sflag:s23] =	ssyncadd.s32 $0xFFFFFFFF  }
0xa5: {  	s26 =	simm.s32 $execute0_lowered;
	[smem:$0x3FD2] =	sst s25  }
0xa6: {  	s5 =	sshll.u32 s26, $0x1;
	_ =	strace $0x80000046;
	[dreg:$0x1] =	wrdreg $0xFFFFFFFF  }
0xa7: {  	s28 =	simm.s32 $_size_execute0_lowered;
	s3 =	sadd.s32 s3, s5;
	[dreg:$0x0] =	wrdreg $0x0  }
0xa8: {  	s5 =	sshll.u32 s28, $0x1;
	[dreg:$0x2] =	wrdreg s3  }
0xa9: {  	[dreg:$0x3] =	wrdreg s5  }
0xaa: {  	[dreg:$0x4] =	wrdreg $0xC0  }
0xab: {  	_ =	task [dreg:s7], $0x5FFFF  }
0xac: {  	[dreg:$0x1] =	wrdreg $0xFFFFFFFF  }
0xad: {  	[dreg:$0x0] =	wrdreg $0x60  }
0xae: {  	[dreg:$0x2] =	wrdreg s24  }
0xaf: {  	[dreg:$0x3] =	wrdreg s2  }
0xb0: {  	[dreg:$0x4] =	wrdreg $0xB7800  }
0xb1: {  	[dreg:$0x5] =	wrdreg $0x9  }
0xb2: {  	_ =	task.clear_ibuf [dreg:s7], $0x6FFFF;
	_ =	strace $0x90000046  }
0xb3: {  	s29 =	simm.s32 $0x9;
	_ =	strace $0x80000048  }
0xb4: {  	_ =	swait.ge [sflag:s29], $0x1  }
0xb5: {  	[sflag:s29] =	ssyncadd.s32 $0xFFFFFFFF  }
0xb6: {  	_ =	strace $0x90000048  }
0xb7: {  	_ =	sfence  }
0xb8: {  	s30 =	sld [smem:$0x0];
	_ =	sdelay $0x2  }
0xb9: {  	s31 =	sshll.u32 s1, $0xD;
	s1 =	sshrl.u32 s1, $0x2  }
0xba: {  	s3 =	sand.u32 $0x4000, s31;
	s1 =	sadd.s32 s1, s30  }
0xbb: {  	s0 =	sor.u32 s3, s0;
	s1 =	sshll.u32 s1, $0x11  }
0xbc: {  	s0 =	sor.u32 s1, s0  }
0xbd: {  	s0 =	sadd.s32 $0x8F2B, s0  }
0xbe: {  	[sflag:s0] =	ssyncadd.remote.s32 $0x1  }
0xbf: {  	_ =	sfence.sel $0xFFFF  }
0xc0: {  	[dreg:$0x0] =	wrdreg $0xFFFFFFFF;
	(pc) =	sbr.abs _section_cstart, $3  }
0xc1: {  	[dreg:$0x1] =	wrdreg $0xFFFFFFFF  }
0xc2: {  	_ =	task.clear_ibuf [dreg:s7], $0x2FFFF;
	_ =	strace $0x9FFFFFFF  }
0xc3: {  	(tm) =	ssettm $0x7FFFFFFF  }
tec
execute0_lowered:
.L_overlay_start_1:
0x0: {  	(tag) =	ssettag $0x1  }
0x1: {  	s0 =	srdreg.scid;
	s1 =	rddreg [dreg:$0x0]  }
0x2: {  	s5 =	rddreg [dreg:$0x1];
	s19 =	stileid.u32  }
0x3: {  	s2 =	rddreg [dreg:$0x2];
	s21 =	simm.s32 $0x5;
	s28 =	simm.s32 $0x8F80  }
0x4: {  	s30 =	simm.s32 $0xA380;
	s31 =	simm.s32 $0x1;
	s20 =	simm.s32 $0x4  }
0x5: {  	s29 =	simm.s32 $0x0;
	s0 =	sand.u32 $0x1, s0;
	s9 =	smul.u32 $0x2700, s19  }
0x6: {  	s22 =	sshll.u32 s19, $0x7;
	s11 =	smul.u32 $0x4E000, s19;
	p0 =	sne.s32 s19, $0xF  }
0x7: {  	s3 =	sshll.u32 s0, $0x4;
	s8 =	sand.u32 $0x380, s22;
	s24 =	smul.u32 $0x27100, s0  }
0x8: {  	s23 =	ssub.s32 $0x2, s0;
	s0 =	smul.u32 $0x138800, s0;
	s6 =	sor.u32 s19, s3  }
0x9: {  	s3 =	simm.s32 $0x0;
	s10 =	sshrl.u32 s23, $0x1;
	s25 =	sshrl.u32 s11, $0x2  }
0xa: {  	s19 =	simm.s32 $0x3;
	s4 =	sshrl.u32 s6, $0x3;
	[smem:$0x7FF] =	sst s3  }
0xb: {  	s12 =	ssub.s32 s23, s10;
	s6 =	sshll.u32 s6, $0xB;
	s7 =	smul.u32 $0x13C00, s4  }
0xc: {  	s26 =	sadd.s32 s9, s24;
	s0 =	sshrl.u32 s0, $0x3;
	s9 =	sadd.s32 $0x138000, s2  }
0xd: {  	s23 =	simm.s32 $0x6780;
	s24 =	simm.s32 $0x28;
	s7 =	sor.u32 s8, s7  }
0xe: {  	_ =	strace $0x80000047;
	s4 =	sadd.s32 $0xBE00, s1;
	s7 =	sshrl.u32 s7, $0x3  }
0xf: {  	s5 =	sadd.s32 s5, s6;
	s12 =	smax.u32 s12, $0x1;
	s7 =	sadd.s32 s7, s1  }
0x10: {  	[dreg:$0x5] =	wrdreg s5;
	s1 =	sadd.s32 $0x33000, s1;
	s7 =	sadd.s32 $0x2000, s7  }
0x11: {  	s10 =	sadd.s32 s1, s26;
	s0 =	sadd.s32 s1, s0;
	s26 =	simm.s32 $0x50  }
0x12: {  	s1 =	simm.s32 $0x2;
	[dreg:$0x4] =	wrdreg s7;
	s7 =	sadd.s32 s25, s2  }
0x13: {  	s11 =	sadd.s32 $0x27000, s0;
	s25 =	simm.s32 $0x7B80;
	s8 =	sadd.s32 $0x11800, s7  }
0x14: {  	s13 =	sadd.s32 $0x2800, s7;
	s14 =	sadd.s32 $0x5000, s7;
	s15 =	sadd.s32 $0x7800, s7  }
0x15: {  	v0 =	vimm.f32 $0.0e+00;
	s16 =	sadd.s32 $0xA000, s7;
	s17 =	sadd.s32 $0xC800, s7;
	s18 =	sadd.s32 $0xF000, s7  }
.LBB2_1:
0x16: {  	s0 =	rddreg [dreg:$0x4];
	s5 =	simm.s32 $0x80;
	s6 =	simm.s32 $0x400  }
0x17: {  	[tilespmem:s3], [sflag:$0x5] =	stream.strided.gather [hbm4b:s0+s5], $0x2780, s6, s5, $0x38;
	[tilespmem:$0x1F000] =	vst v63  }
0x18: {  	_ =	swait.ge [sflag:s21], $0x2780  }
0x19: {  	[sflag:s21] =	ssyncset.done $0x0  }
0x1a: {  	s22 =	simm.s32 $0x2780;
	s6 =	rddreg [dreg:$0x5];
	[sflag:s21] =	ssyncadd.s32 $0xFFFFD880  }
0x1b: {  	[tilespmem:s22], [sflag:$0x5] =	stream.linear.gather [hbm4b:s6+s3], $0x3E80, $0x38;
	[tilespmem:$0x1F000] =	vst v63  }
0x1c: {  	s5 =	sand.u32 $0xFE00, s3;
	s0 =	simm.s32 $0x40;
	_ =	swait.ge [sflag:s21], $0x3E80  }
0x1d: {  	s6 =	sand.u32 $0x70, s3;
	s22 =	sshrl.u32 s5, $0x2;
	[sflag:s21] =	ssyncset.done $0x0  }
0x1e: {  	s5 =	sor.u32 s6, s22;
	s22 =	simm.s32 $0x0;
	[sflag:s21] =	ssyncadd.s32 $0xFFFFC180  }
.LBB2_2:
0x1f: {  	p1 =	sne.s32 s0, $0x9FC0  }
0x20: {  	[tilespmem:s5+$0x6780] =	vst v0;
	s22 =	sadd.s32 $0x10, s22;
	s5 =	smov.u32 s0;
	s0 =	sadd.s32 $0x40, s0  }
.Ltmp0:
0x21: {  	(pc) =	sbr.rel @p1 .LBB2_2-.Ltmp0, $4  }
0x22: {  	_ = 	snop  }
0x23: {  	s5 =	sand.u32 $0xFE00, s5  }
0x24: {  	s6 =	sand.u32 $0x70, s22;
	s5 =	sshrl.u32 s5, $0x2  }
0x25: {  	s5 =	sor.u32 s6, s5  }
0x26: {  	[tilespmem:s5+$0x6780] =	vst v0  }
0x27: {  	[spmem:s7] =	stream.linear.scatter [tilespmem:s23], [sflag:$0x5], $0x2800, $0x38;
	[tilespmem:$0x1F000] =	vst v63  }
0x28: {  	_ =	swait.ge [sflag:s21], $0x2800  }
0x29: {  	[sflag:s21] =	ssyncset.done $0x0  }
0x2a: {  	[sflag:s21] =	ssyncadd.s32 $0xFFFFD800  }
0x2b: {  	[spmem:s13] =	stream.linear.scatter [tilespmem:s23], [sflag:$0x5], $0x2800, $0x38;
	[tilespmem:$0x1F000] =	vst v63  }
0x2c: {  	_ =	swait.ge [sflag:s21], $0x2800  }
0x2d: {  	[sflag:s21] =	ssyncset.done $0x0  }
0x2e: {  	[sflag:s21] =	ssyncadd.s32 $0xFFFFD800  }
0x2f: {  	[spmem:s14] =	stream.linear.scatter [tilespmem:s23], [sflag:$0x5], $0x2800, $0x38;
	[tilespmem:$0x1F000] =	vst v63  }
0x30: {  	_ =	swait.ge [sflag:s21], $0x2800  }
0x31: {  	[sflag:s21] =	ssyncset.done $0x0  }
0x32: {  	[sflag:s21] =	ssyncadd.s32 $0xFFFFD800  }
0x33: {  	[spmem:s15] =	stream.linear.scatter [tilespmem:s23], [sflag:$0x5], $0x2800, $0x38;
	[tilespmem:$0x1F000] =	vst v63  }
0x34: {  	_ =	swait.ge [sflag:s21], $0x2800  }
0x35: {  	[sflag:s21] =	ssyncset.done $0x0  }
0x36: {  	[sflag:s21] =	ssyncadd.s32 $0xFFFFD800  }
0x37: {  	[spmem:s16] =	stream.linear.scatter [tilespmem:s23], [sflag:$0x5], $0x2800, $0x38;
	[tilespmem:$0x1F000] =	vst v63  }
0x38: {  	_ =	swait.ge [sflag:s21], $0x2800  }
0x39: {  	[sflag:s21] =	ssyncset.done $0x0  }
0x3a: {  	[sflag:s21] =	ssyncadd.s32 $0xFFFFD800  }
0x3b: {  	[spmem:s17] =	stream.linear.scatter [tilespmem:s23], [sflag:$0x5], $0x2800, $0x38;
	[tilespmem:$0x1F000] =	vst v63  }
0x3c: {  	_ =	swait.ge [sflag:s21], $0x2800  }
0x3d: {  	[sflag:s21] =	ssyncset.done $0x0  }
0x3e: {  	[sflag:s21] =	ssyncadd.s32 $0xFFFFD800  }
0x3f: {  	[spmem:s18] =	stream.linear.scatter [tilespmem:s23], [sflag:$0x5], $0x2800, $0x38;
	[tilespmem:$0x1F000] =	vst v63  }
0x40: {  	_ =	swait.ge [sflag:s21], $0x2800  }
0x41: {  	[sflag:s21] =	ssyncset.done $0x0  }
0x42: {  	[sflag:s21] =	ssyncadd.s32 $0xFFFFD800  }
0x43: {  	[spmem:s8] =	stream.linear.scatter [tilespmem:s23], [sflag:$0x5], $0x2000, $0x38;
	[tilespmem:$0x1F000] =	vst v63  }
0x44: {  	_ =	swait.ge [sflag:s21], $0x2000  }
0x45: {  	[sflag:s21] =	ssyncset.done $0x0  }
0x46: {  	s0 =	simm.s32 @!p0 $0x6780;
	[sflag:s21] =	ssyncadd.s32 $0xFFFFE000  }
0x47: {  	[spmem:s9] =	stream.linear.scatter @!p0 [tilespmem:s0], [sflag:$0x5], $0x800, $0x38;
	[tilespmem:$0x1F000] =	vst v63  }
0x48: {  	s0 =	simm.s32 @!p0 $0x5  }
0x49: {  	_ =	swait.ge @!p0 [sflag:s0], $0x800  }
0x4a: {  	[sflag:s0] =	ssyncset.done @!p0 $0x0  }
0x4b: {  	[sflag:s0] =	ssyncadd.s32 @!p0 $0xFFFFF800  }
0x4c: {  	s22 =	simm.s32 $0x0;
	[bflag:$0x0] =	sbarrier.arrive $0xFFFF  }
0x4d: {  	[tilespmem:s23], [sflag:$0x1] =	stream.indirect.gather [hbm4b:s4+s24], $0x80, s22, s24, $0xb8;
	[tilespmem:$0x1F000] =	vst v63  }
0x4e: {  	_ = 	snop  }
0x4f: {  	[tilespmem:s25], [sflag:$0x2] =	stream.indirect.gather [hbm4b:s4+s24], $0x80, s24, s24, $0xb8;
	[tilespmem:$0x1F000] =	vst v63  }
0x50: {  	_ = 	snop  }
0x51: {  	[tilespmem:s28], [sflag:$0x3] =	stream.indirect.gather [hbm4b:s4+s24], $0x80, s26, s24, $0xb8;
	[tilespmem:$0x1F000] =	vst v63  }
0x52: {  	s5 =	simm.s32 $0x78  }
0x53: {  	[tilespmem:s30], [sflag:$0x4] =	stream.indirect.gather [hbm4b:s4+s24], $0x80, s5, s24, $0xb8;
	[tilespmem:$0x1F000] =	vst v63  }
0x54: {  	_ =	swait.ge [sflag:s31], $0x1400  }
0x55: {  	[sflag:s31] =	ssyncset.done $0x0  }
0x56: {  	[sflag:s31] =	ssyncadd.s32 $0xFFFFEC00  }
0x57: {  	_ =	swait.ge [sflag:s1], $0x1400  }
0x58: {  	[sflag:s1] =	ssyncset.done $0x0  }
0x59: {  	s6 =	simm.s32 $0x2780;
	[sflag:s1] =	ssyncadd.s32 $0xFFFFEC00  }
0x5a: {  	[spmem:s2] =	stream.indirect.scatter.add.f32 [tilespmem:s23], [sflag:$0x5], $0x80, s6, s26, $0xb8;
	[tilespmem:$0x1F000] =	vst v63  }
0x5b: {  	_ =	swait.ge [sflag:s21], $0x2800  }
0x5c: {  	[sflag:s21] =	ssyncset.done $0x0  }
0x5d: {  	s22 =	simm.s32 $0xA0;
	[sflag:s21] =	ssyncadd.s32 $0xFFFFD800  }
0x5e: {  	[tilespmem:s23], [sflag:$0x1] =	stream.indirect.gather [hbm4b:s4+s24], $0x80, s22, s24, $0xb8;
	[tilespmem:$0x1F000] =	vst v63  }
0x5f: {  	s5 =	simm.s32 $0xC8  }
0x60: {  	[tilespmem:s25], [sflag:$0x2] =	stream.indirect.gather [hbm4b:s4+s24], $0x80, s5, s24, $0xb8;
	[tilespmem:$0x1F000] =	vst v63  }
0x61: {  	_ =	swait.ge [sflag:s19], $0x1400  }
0x62: {  	[sflag:s19] =	ssyncset.done $0x0  }
0x63: {  	[sflag:s19] =	ssyncadd.s32 $0xFFFFEC00  }
0x64: {  	_ =	swait.ge [sflag:s20], $0x1400  }
0x65: {  	[sflag:s20] =	ssyncset.done $0x0  }
0x66: {  	s6 =	simm.s32 $0x2800;
	[sflag:s20] =	ssyncadd.s32 $0xFFFFEC00  }
0x67: {  	[spmem:s2] =	stream.indirect.scatter.add.f32 [tilespmem:s28], [sflag:$0x5], $0x80, s6, s26, $0xb8;
	[tilespmem:$0x1F000] =	vst v63  }
0x68: {  	_ =	swait.ge [sflag:s21], $0x2800  }
0x69: {  	[sflag:s21] =	ssyncset.done $0x0  }
0x6a: {  	s22 =	simm.s32 $0xF0;
	[sflag:s21] =	ssyncadd.s32 $0xFFFFD800  }
0x6b: {  	[tilespmem:s28], [sflag:$0x3] =	stream.indirect.gather [hbm4b:s4+s24], $0x80, s22, s24, $0xb8;
	[tilespmem:$0x1F000] =	vst v63  }
0x6c: {  	s0 =	simm.s32 $0x280;
	s5 =	simm.s32 $0x118;
	s22 =	simm.s32 $0x2900  }
.LBB2_4:
0x6d: {  	[tilespmem:s30], [sflag:$0x4] =	stream.indirect.gather [hbm4b:s4+s24], $0x80, s5, s24, $0xb8;
	[tilespmem:$0x1F000] =	vst v63  }
0x6e: {  	s5 =	smov.u32 s0  }
0x6f: {  	p1 =	sne.s32 s0, $0x9600;
	s0 =	sadd.s32 $0x280, s0;
	_ =	swait.ge [sflag:s31], $0x1400  }
0x70: {  	[sflag:s31] =	ssyncset.done $0x0  }
0x71: {  	[sflag:s31] =	ssyncadd.s32 $0xFFFFEC00  }
0x72: {  	_ =	swait.ge [sflag:s1], $0x1400  }
0x73: {  	[sflag:s1] =	ssyncset.done $0x0  }
0x74: {  	s6 =	sadd.s32 $0xFFFFFF80, s22;
	[sflag:s1] =	ssyncadd.s32 $0xFFFFEC00  }
0x75: {  	[spmem:s2] =	stream.indirect.scatter.add.f32 [tilespmem:s23], [sflag:$0x5], $0x80, s6, s26, $0xb8;
	[tilespmem:$0x1F000] =	vst v63  }
0x76: {  	_ =	swait.ge [sflag:s21], $0x2800  }
0x77: {  	s5 =	sshra.s32 s5, $0x2;
	[sflag:s21] =	ssyncset.done $0x0  }
0x78: {  	s6 =	sadd.s32 $0xA0, s5;
	[sflag:s21] =	ssyncadd.s32 $0xFFFFD800  }
0x79: {  	[tilespmem:s23], [sflag:$0x1] =	stream.indirect.gather [hbm4b:s4+s24], $0x80, s6, s24, $0xb8;
	[tilespmem:$0x1F000] =	vst v63  }
0x7a: {  	s6 =	sadd.s32 $0xC8, s5  }
0x7b: {  	[tilespmem:s25], [sflag:$0x2] =	stream.indirect.gather [hbm4b:s4+s24], $0x80, s6, s24, $0xb8;
	[tilespmem:$0x1F000] =	vst v63  }
0x7c: {  	_ =	swait.ge [sflag:s19], $0x1400  }
0x7d: {  	[sflag:s19] =	ssyncset.done $0x0  }
0x7e: {  	[sflag:s19] =	ssyncadd.s32 $0xFFFFEC00  }
0x7f: {  	_ =	swait.ge [sflag:s20], $0x1400  }
0x80: {  	[sflag:s20] =	ssyncset.done $0x0  }
0x81: {  	[sflag:s20] =	ssyncadd.s32 $0xFFFFEC00  }
0x82: {  	[spmem:s2] =	stream.indirect.scatter.add.f32 [tilespmem:s28], [sflag:$0x5], $0x80, s22, s26, $0xb8;
	[tilespmem:$0x1F000] =	vst v63  }
.Ltmp1:
0x83: {  	_ =	swait.ge [sflag:s21], $0x2800;
	(pc) =	sbr.rel @p1 .LBB2_4-.Ltmp1, $4  }
0x84: {  	[sflag:s21] =	ssyncset.done $0x0  }
0x85: {  	s6 =	sadd.s32 $0xF0, s5;
	[sflag:s21] =	ssyncadd.s32 $0xFFFFD800  }
0x86: {  	[tilespmem:s28], [sflag:$0x3] =	stream.indirect.gather [hbm4b:s4+s24], $0x80, s6, s24, $0xb8;
	[tilespmem:$0x1F000] =	vst v63  }
0x87: {  	s5 =	sadd.s32 $0x118, s5;
	s22 =	sadd.s32 $0x100, s22  }
0x88: {  	[tilespmem:s30], [sflag:$0x4] =	stream.indirect.gather [hbm4b:s4+s24], $0x80, s5, s24, $0xb8;
	[tilespmem:$0x1F000] =	vst v63  }
0x89: {  	_ =	swait.ge [sflag:s31], $0x1400  }
0x8a: {  	[sflag:s31] =	ssyncset.done $0x0  }
0x8b: {  	[sflag:s31] =	ssyncadd.s32 $0xFFFFEC00  }
0x8c: {  	_ =	swait.ge [sflag:s1], $0x1400  }
0x8d: {  	[sflag:s1] =	ssyncset.done $0x0  }
0x8e: {  	s0 =	simm.s32 $0x6480;
	[sflag:s1] =	ssyncadd.s32 $0xFFFFEC00  }
0x8f: {  	[spmem:s2] =	stream.indirect.scatter.add.f32 [tilespmem:s23], [sflag:$0x5], $0x80, s0, s26, $0xb8;
	[tilespmem:$0x1F000] =	vst v63  }
0x90: {  	_ =	swait.ge [sflag:s21], $0x2800  }
0x91: {  	[sflag:s21] =	ssyncset.done $0x0  }
0x92: {  	s5 =	simm.s32 $0x26C0;
	[sflag:s21] =	ssyncadd.s32 $0xFFFFD800  }
0x93: {  	[tilespmem:s23], [sflag:$0x1] =	stream.indirect.gather [hbm4b:s4+s24], $0x80, s5, s24, $0xb8;
	[tilespmem:$0x1F000] =	vst v63  }
0x94: {  	s6 =	simm.s32 $0x26E8  }
0x95: {  	[tilespmem:s25], [sflag:$0x2] =	stream.indirect.gather [hbm4b:s4+s24], $0x80, s6, s24, $0xb8;
	[tilespmem:$0x1F000] =	vst v63  }
0x96: {  	_ =	swait.ge [sflag:s19], $0x1400  }
0x97: {  	[sflag:s19] =	ssyncset.done $0x0  }
0x98: {  	[sflag:s19] =	ssyncadd.s32 $0xFFFFEC00  }
0x99: {  	_ =	swait.ge [sflag:s20], $0x1400  }
0x9a: {  	[sflag:s20] =	ssyncset.done $0x0  }
0x9b: {  	s22 =	simm.s32 $0x6500;
	[sflag:s20] =	ssyncadd.s32 $0xFFFFEC00  }
0x9c: {  	[spmem:s2] =	stream.indirect.scatter.add.f32 [tilespmem:s28], [sflag:$0x5], $0x80, s22, s26, $0xb8;
	[tilespmem:$0x1F000] =	vst v63  }
0x9d: {  	_ =	swait.ge [sflag:s21], $0x2800  }
0x9e: {  	[sflag:s21] =	ssyncset.done $0x0  }
0x9f: {  	[sflag:s21] =	ssyncadd.s32 $0xFFFFD800  }
0xa0: {  	_ =	swait.ge [sflag:s31], $0x1400  }
0xa1: {  	[sflag:s31] =	ssyncset.done $0x0  }
0xa2: {  	[sflag:s31] =	ssyncadd.s32 $0xFFFFEC00  }
0xa3: {  	_ =	swait.ge [sflag:s1], $0x1400  }
0xa4: {  	[sflag:s1] =	ssyncset.done $0x0  }
0xa5: {  	s5 =	simm.s32 $0x6580;
	[sflag:s1] =	ssyncadd.s32 $0xFFFFEC00  }
0xa6: {  	[spmem:s2] =	stream.indirect.scatter.add.f32 [tilespmem:s23], [sflag:$0x5], $0x80, s5, s26, $0xb8;
	[tilespmem:$0x1F000] =	vst v63  }
0xa7: {  	_ =	swait.ge [sflag:s21], $0x2800  }
0xa8: {  	s6 =	stileid.u32;
	[sflag:s21] =	ssyncset.done $0x0  }
0xa9: {  	s0 =	sshll.u32 s6, $0x6;
	[sflag:s21] =	ssyncadd.s32 $0xFFFFD800  }
0xaa: {  	s0 =	sor.u32 $0x1C05, s0;
	s22 =	sshrl.u32 s7, $0x3;
	[bflag:$0x0] =	sbarrier.arrive $0xFFFF  }
0xab: {  	[hbm:s10], [sflag:s0] =	dma.local [spmem:s22], $0x2700  }
0xac: {  	_ =	swait.ge [sflag:s21], $0x2700  }
0xad: {  	s29 =	sadd.s32 $0x1, s29;
	[sflag:s21] =	ssyncset.done $0x0  }
0xae: {  	p1 =	sne.s32 s29, s12;
	s5 =	sshrl.u32 @!p0 s9, $0x3;
	[sflag:s21] =	ssyncadd.s32 $0xFFFFD900  }
0xaf: {  	[hbm:s11], [sflag:s0] =	dma.local @!p0 [spmem:s5], $0x100  }
.Ltmp2:
0xb0: {  	_ = 	snop;
	(pc) =	sbr.rel @p1 .LBB2_1-.Ltmp2, $4  }
0xb1: {  	s0 =	simm.s32 @!p0 $0x5  }
0xb2: {  	_ =	swait.ge @!p0 [sflag:s0], $0x100  }
0xb3: {  	[sflag:s0] =	ssyncset.done @!p0 $0x0  }
0xb4: {  	[sflag:s0] =	ssyncadd.s32 @!p0 $0xFFFFFF00  }
0xb5: {  	_ =	sfence.sel $0x180000  }
0xb6: {  	[bflag:$0x0] =	sbarrier.arrive $0xFFFF  }
0xb7: {  	_ =	strace $0x90000047  }
0xb8: {  	s0 =	stileid.u32;
	[bflag:$0x2] =	sbarrier.arrive $0xFFFF  }
0xb9: {  	p0 =	sne.s32 s0, $0x0;
	s0 =	rddreg [dreg:$0x3]  }
0xba: {  	s0 =	sadd.s32 @!p0 $0x100000, s0  }
0xbb: {  	[sflag:s0] =	ssyncadd.tile.s32 @!p0 $0x1;
	_ =	shalt  }
.Lfunc_end2:
_tile_overlayer_lowered:
.L_overlay_start_2:
0xbc: {  	(tag) =	ssettag $0x2  }
0xbd: {  	s0 =	rddreg [dreg:$0x0];
	s2 =	stileid.u32  }
0xbe: {  	s1 =	rddreg [dreg:$0x1];
	p0 =	sne.s32 s2, $0x0  }
0xbf: {  	s3 =	rddreg [dreg:$0x2];
	[bflag:$0x3] =	sbarrier.arrive $0xFFFF;
	s2 =	simm.s32 @!p0 $0x1C05  }
0xc0: {  	[timem:s3], [sflag:s2] =	dma.local @!p0 [hbm:s0], s1  }
0xc1: {  	s0 =	simm.s32 @!p0 $0x5  }
0xc2: {  	_ =	swait.ge @!p0 [sflag:s0], s1  }
0xc3: {  	s1 =	ssub.s32 @!p0 $0x0, s1;
	[sflag:s0] =	ssyncset.done @!p0 $0x0  }
0xc4: {  	[sflag:s0] =	ssyncadd.s32 @!p0 s1  }
0xc5: {  	[bflag:$0x3] =	sbarrier.arrive $0xFFFF  }
0xc6: {  	_ =	shalt  }

</sc_bundles>
